<compile_context>
chip_gen: v7x
topology: tpu7x:2x2x1
jax: 0.10.2.dev20260603
libtpu: 0.0.44.dev20260713+nightly
codegen_flags: <defaults>
</compile_context>

<pallas_src>
import functools

import jax
import jax.numpy as jnp
from jax import lax
from jax.experimental import pallas as pl
from jax.experimental.pallas import tpu as pltpu
from jax.experimental.pallas import tpu_sc as plsc

NC = 2
NS = 16
CH = 128


def _make_sc_agg(n_nodes, d, tch0, tch1, stripe, with_cnt):
    acc_rows = stripe * NS
    zlen = ((stripe + 15) // 16) * 16
    n_full = stripe // CH
    rem = stripe - n_full * CH
    nb = 2
    la = 1
    sb = 8
    assert tch0 % sb == 0 and tch1 % sb == 0 and sb % nb == 0
    adt = jnp.float32

    nco = 1 if tch1 == 0 else NC
    mesh = plsc.VectorSubcoreMesh(
        core_axis_name="c", subcore_axis_name="s", num_cores=nco,
        num_subcores=NS,
    )
    out_type = [jax.ShapeDtypeStruct((nco, acc_rows, d), adt)]
    scratch = [
        pltpu.VMEM((sb, CH), jnp.int32),
        pltpu.VMEM((sb, CH), jnp.int32),
        pltpu.VMEM((nb, CH, d), adt),
        pltpu.VMEM_SHARED((acc_rows, d), adt),
    ] + [pltpu.SemaphoreType.DMA] * (2 * nb)
    if with_cnt:
        out_type.append(jax.ShapeDtypeStruct((nco * acc_rows,), jnp.float32))
        scratch += [
            pltpu.VMEM((CH,), jnp.float32),
            pltpu.VMEM((zlen,), jnp.float32),
            pltpu.VMEM_SHARED((acc_rows,), jnp.float32),
            pltpu.SemaphoreType.DMA,
        ]

    def body(src_hbm, dst_hbm, y_hbm, *rest):
        if with_cnt:
            (out_acc, out_cnt, src_v, dst_v, rowsb_v, acc_sh,
             *sems, ones_v, zc_v, cnt_sh, csem) = rest
        else:
            out_acc, src_v, dst_v, rowsb_v, acc_sh, *sems = rest
        gsems = sems[:nb]
        ssems = sems[nb:2 * nb]
        rows_v = rowsb_v.at[0]
        c = lax.axis_index("c")
        s = lax.axis_index("s")
        tch_c = jnp.where(c == 0, tch0, tch1)
        tile_row0 = c * (NS * tch0) + s * tch_c
        base = s * stripe

        zero16 = jnp.zeros((16,), jnp.float32)

        def zrow(i, _):
            rows_v[i // (d // 16), pl.ds((i % (d // 16)) * 16, 16)] = zero16
            return 0

        lax.fori_loop(0, CH * (d // 16), zrow, 0)

        def core_guard(fn):
            if tch1 == 0:
                pl.when(c == 0)(fn)
            else:
                fn()

        def zero_acc():
            def zacc(j, _):
                pltpu.sync_copy(rows_v, acc_sh.at[pl.ds(base + j * CH, CH)])
                return 0

            lax.fori_loop(0, n_full, zacc, 0)
            if rem:
                pltpu.sync_copy(rows_v.at[pl.ds(0, rem)],
                                acc_sh.at[pl.ds(base + n_full * CH, rem)])

        core_guard(zero_acc)

        if with_cnt:
            one16 = jnp.ones((16,), jnp.float32)

            def zone(k, _):
                ones_v[pl.ds(k * 16, 16)] = one16
                return 0

            lax.fori_loop(0, CH // 16, zone, 0)

            def zzc(k, _):
                zc_v[pl.ds(k * 16, 16)] = zero16
                return 0

            lax.fori_loop(0, zlen // 16, zzc, 0)

            def zero_cnt():
                pltpu.sync_copy(zc_v.at[pl.ds(0, stripe)],
                                cnt_sh.at[pl.ds(base, stripe)])

            core_guard(zero_cnt)

        plsc.subcore_barrier()

        def g_issue(j, b):
            pltpu.async_copy(y_hbm.at[src_v.at[j]], rowsb_v.at[b], gsems[b])

        def g_wait(j, b):
            pltpu.make_async_copy(y_hbm.at[src_v.at[j]], rowsb_v.at[b],
                                  gsems[b]).wait()

        def s_issue(j, b):
            pltpu.async_copy(rowsb_v.at[b], acc_sh.at[dst_v.at[j]], ssems[b],
                             add=True)

        def s_wait(b):
            pltpu.make_async_copy(rowsb_v.at[b], acc_sh.at[dst_v.at[0]],
                                  ssems[b]).wait()

        def sblock(u, _):
            row0 = tile_row0 + u * sb
            pltpu.sync_copy(src_hbm.at[pl.ds(row0, sb)], src_v)
            pltpu.sync_copy(dst_hbm.at[pl.ds(row0, sb)], dst_v)

            for b in range(la):
                g_issue(b, b)

            def outer(t, _):
                for b in range(nb):
                    j = t * nb + b
                    jn = j + la
                    bn = (b + la) % nb
                    if b < nb - la:
                        @pl.when(jn < sb)
                        def _():
                            @pl.when(t >= 1)
                            def _():
                                s_wait(bn)
                            g_issue(jn, bn)
                    else:
                        @pl.when(jn < sb)
                        def _():
                            s_wait(bn)
                            g_issue(jn, bn)
                    g_wait(j, b)
                    s_issue(j, b)
                    if with_cnt:
                        @pl.when(j >= 1)
                        def _():
                            pltpu.make_async_copy(
                                ones_v, cnt_sh.at[dst_v.at[0]], csem).wait()
                        pltpu.async_copy(ones_v, cnt_sh.at[dst_v.at[j]], csem,
                                         add=True)
                return 0

            lax.fori_loop(0, sb // nb, outer, 0)
            for b in range(nb):
                s_wait(b)
            if with_cnt:
                pltpu.make_async_copy(ones_v, cnt_sh.at[dst_v.at[0]],
                                      csem).wait()
            return 0

        lax.fori_loop(0, tch_c // sb, sblock, 0)

        plsc.subcore_barrier()

        def writeback():
            def wb(j, _):
                pltpu.sync_copy(acc_sh.at[pl.ds(base + j * CH, CH)], rows_v)
                pltpu.sync_copy(rows_v,
                                out_acc.at[c, pl.ds(base + j * CH, CH)])
                return 0

            lax.fori_loop(0, n_full, wb, 0)
            if rem:
                pltpu.sync_copy(acc_sh.at[pl.ds(base + n_full * CH, rem)],
                                rows_v.at[pl.ds(0, rem)])
                pltpu.sync_copy(rows_v.at[pl.ds(0, rem)],
                                out_acc.at[c, pl.ds(base + n_full * CH, rem)])
            if with_cnt:
                pltpu.sync_copy(cnt_sh.at[pl.ds(base, stripe)],
                                zc_v.at[pl.ds(0, stripe)])
                pltpu.sync_copy(zc_v.at[pl.ds(0, stripe)],
                                out_cnt.at[pl.ds(c * acc_rows + base, stripe)])

        core_guard(writeback)

    return pl.kernel(body, out_type=out_type, mesh=mesh, scratch_types=scratch)


def _mm_t(a, w):
    return lax.dot_general(a, w, (((1,), (1,)), ((), ())),
                           preferred_element_type=jnp.float32)


def _row_grid(n):
    for g in (10, 8, 5, 4, 2):
        if n % g == 0 and (n // g) % 8 == 0:
            return g, n // g
    return 1, n


def _blk(bn, d):
    return pl.BlockSpec((bn, d), lambda i: (i, 0))


def _full(shape):
    return pl.BlockSpec(shape, lambda i: tuple(0 for _ in shape))


def _tc_in(x, w_l, w_r, b):
    def body(x_ref, wl_ref, wr_ref, b_ref, y_ref, z_ref):
        xv = x_ref[...]
        y_ref[...] = _mm_t(xv, wl_ref[...])
        z_ref[...] = _mm_t(xv, wr_ref[...]) + b_ref[...]

    n, d = x.shape
    g, bn = _row_grid(n)
    return pl.pallas_call(
        body,
        grid=(g,),
        in_specs=[_blk(bn, d), _full((d, d)), _full((d, d)), _full((1, d))],
        out_specs=[_blk(bn, d), _blk(bn, d)],
        out_shape=[jax.ShapeDtypeStruct((n, d), jnp.float32),
                   jax.ShapeDtypeStruct((n, d), jnp.float32)],
    )(x, w_l, w_r, b)


def _tc_mid(ps, cs, z1, w_l, w_r, b):
    k = len(ps)

    def body(*refs):
        p_refs, c_refs = refs[:k], refs[k:2 * k]
        z1_ref, wl_ref, wr_ref, b_ref, y_ref, z_ref, cnt_ref = refs[2 * k:]
        cnt = jnp.maximum(sum(r[...] for r in c_refs), 1.0)
        agg = sum(r[...].astype(jnp.float32) for r in p_refs)
        h = jnp.maximum(agg / cnt + z1_ref[...], 0.0)
        y_ref[...] = _mm_t(h, wl_ref[...])
        z_ref[...] = _mm_t(h, wr_ref[...]) + b_ref[...]
        cnt_ref[...] = cnt

    n, d = ps[0].shape
    g, bn = _row_grid(n)
    return pl.pallas_call(
        body,
        grid=(g,),
        in_specs=([_blk(bn, d)] * k + [_blk(bn, 1)] * k
                  + [_blk(bn, d), _full((d, d)), _full((d, d)),
                     _full((1, d))]),
        out_specs=[_blk(bn, d), _blk(bn, d), _blk(bn, 1)],
        out_shape=[jax.ShapeDtypeStruct((n, d), jnp.float32),
                   jax.ShapeDtypeStruct((n, d), jnp.float32),
                   jax.ShapeDtypeStruct((n, 1), jnp.float32)],
    )(*ps, *cs, z1, w_l, w_r, b)


def _tc_out(qs, cnt, z2):
    k = len(qs)

    def body(*refs):
        q_refs = refs[:k]
        cnt_ref, z2_ref, o_ref = refs[k:]
        agg = sum(r[...].astype(jnp.float32) for r in q_refs)
        o_ref[...] = agg / cnt_ref[...] + z2_ref[...]

    n, d = qs[0].shape
    g, bn = _row_grid(n)
    return pl.pallas_call(
        body,
        grid=(g,),
        in_specs=[_blk(bn, d)] * k + [_blk(bn, 1), _blk(bn, d)],
        out_specs=_blk(bn, d),
        out_shape=jax.ShapeDtypeStruct((n, d), jnp.float32),
    )(*qs, cnt, z2)


def kernel(x, edge_index, W1_l, b1, W1_r, W2_l, b2, W2_r):
    n, d = x.shape
    e = edge_index.shape[1]
    tp = -(-(-(-e // CH)) // NS)
    tp = ((tp + 159) // 160) * 160
    tch0 = tp * 19 // 20
    tch1 = tp - tch0
    e_pad = NS * tp * CH
    stripe = ((-(-(n + 1) // NS)) + 15) // 16 * 16

    src = edge_index[0].astype(jnp.int32)
    dst = edge_index[1].astype(jnp.int32)
    pad = e_pad - e
    src_p = jnp.concatenate([src, jnp.zeros((pad,), jnp.int32)])
    dst_p = jnp.concatenate([dst, jnp.full((pad,), n, jnp.int32)])
    src_p = src_p.reshape(NS * tp, CH)
    dst_p = dst_p.reshape(NS * tp, CH)

    sc_agg1 = _make_sc_agg(n, d, tch0, tch1, stripe, with_cnt=True)
    sc_agg2 = _make_sc_agg(n, d, tch0, tch1, stripe, with_cnt=False)

    nco = 1 if tch1 == 0 else NC
    y1, z1 = _tc_in(x, W1_l, W1_r, b1.reshape(1, d))
    p, cpart = sc_agg1(src_p, dst_p, y1)
    cpart = cpart.reshape(nco, stripe * NS)
    y2, z2, cnt = _tc_mid([p[i, :n] for i in range(nco)],
                          [cpart[i, :n, None] for i in range(nco)],
                          z1, W2_l, W2_r, b2.reshape(1, d))
    q = sc_agg2(src_p, dst_p, y2)
    if isinstance(q, (list, tuple)):
        q = q[0]
    return _tc_out([q[i, :n] for i in range(nco)], cnt, z2)

# --- scband reference (transcript-rebuilt; emitter-appended) ---
"""Pipeline reference for scband-graph-ens-model-37958920962734 (READ-ONLY COPY).

The authoritative reference and input builder live on the scoring server;
editing this copy changes nothing except your own understanding.
"""

import jax, jax.numpy as jnp
import numpy as np

N_NODES = 10000
N_EDGES = 320000
D_IN = 128
D_HID = 128
D_OUT = 128


def setup_inputs(seed: int = 0) -> dict:
    key = jax.random.key(seed)
    k = jax.random.split(key, 8)
    x = jax.random.normal(k[0], (N_NODES, D_IN), dtype=jnp.float32)
    edge_index = jax.random.randint(k[1], (2, N_EDGES), 0, N_NODES, dtype=jnp.int64)
    s1 = 1.0 / np.sqrt(D_IN)
    s2 = 1.0 / np.sqrt(D_HID)
    W1_l = jax.random.uniform(k[2], (D_HID, D_IN), dtype=jnp.float32, minval=-s1, maxval=s1)
    b1 = jax.random.uniform(k[3], (D_HID,), dtype=jnp.float32, minval=-s1, maxval=s1)
    W1_r = jax.random.uniform(k[4], (D_HID, D_IN), dtype=jnp.float32, minval=-s1, maxval=s1)
    W2_l = jax.random.uniform(k[5], (D_OUT, D_HID), dtype=jnp.float32, minval=-s2, maxval=s2)
    b2 = jax.random.uniform(k[6], (D_OUT,), dtype=jnp.float32, minval=-s2, maxval=s2)
    W2_r = jax.random.uniform(k[7], (D_OUT, D_HID), dtype=jnp.float32, minval=-s2, maxval=s2)
    return {"x": x, "edge_index": edge_index, "W1_l": W1_l, "b1": b1, "W1_r": W1_r,
            "W2_l": W2_l, "b2": b2, "W2_r": W2_r}


def _sage_conv(x, edge_index, W_l, b_l, W_r):
    # PyG SAGEConv (aggr='mean'): out = lin_l(mean_{j in N(i)} x_j) + lin_r(x_i)
    src = edge_index[0]
    dst = edge_index[1]
    msg = jnp.take(x, src, axis=0)                                   # gather  [E, d]
    summed = jax.ops.segment_sum(msg, dst, num_segments=x.shape[0])   # scatter-add
    cnt = jax.ops.segment_sum(jnp.ones((edge_index.shape[1],), dtype=x.dtype),
                              dst, num_segments=x.shape[0])
    mean = summed / jnp.clip(cnt, 1.0, None)[:, None]
    return mean @ W_l.T + b_l + x @ W_r.T


def reference(x, edge_index, W1_l, b1, W1_r, W2_l, b2, W2_r):
    h = _sage_conv(x, edge_index, W1_l, b1, W1_r)
    h = jax.nn.relu(h)
    # dropout(p=0.5, training=self.training): identity in eval mode
    out = _sage_conv(h, edge_index, W2_l, b2, W2_r)
    return out

if __name__ == "__main__":
    import jax
    _d = setup_inputs()
    print(jax.jit(kernel)(*tuple(_d.values())))

</pallas_src>

<mosaic_0001>
#map = affine_map<(d0, d1) -> (0, 0)>
#map1 = affine_map<(d0, d1) -> (0, 0, 0)>
#map2 = affine_map<(d0, d1) -> (0)>
module attributes {stable_mosaic.version = 14 : i64} {
  func.func @body(%arg0: i32, %arg1: i32, %arg2: memref<2560x128xi32, #tpu.memory_space<hbm>>, %arg3: memref<2560x128xi32, #tpu.memory_space<hbm>>, %arg4: memref<10000x128xf32, #tpu.memory_space<hbm>>, %arg5: memref<2x10240x128xf32, #tpu.memory_space<hbm>>, %arg6: memref<20480xf32, #tpu.memory_space<hbm>>, %arg7: memref<8x128xi32, #tpu.memory_space<vmem>>, %arg8: memref<8x128xi32, #tpu.memory_space<vmem>>, %arg9: memref<2x128x128xf32, #tpu.memory_space<vmem>>, %arg10: memref<10240x128xf32, #tpu.memory_space<vmem_shared>>, %arg11: memref<!tpu.dma_semaphore, #tpu.memory_space<semaphore_mem>>, %arg12: memref<!tpu.dma_semaphore, #tpu.memory_space<semaphore_mem>>, %arg13: memref<!tpu.dma_semaphore, #tpu.memory_space<semaphore_mem>>, %arg14: memref<!tpu.dma_semaphore, #tpu.memory_space<semaphore_mem>>, %arg15: memref<128xf32, #tpu.memory_space<vmem>>, %arg16: memref<640xf32, #tpu.memory_space<vmem>>, %arg17: memref<10240xf32, #tpu.memory_space<vmem_shared>>, %arg18: memref<!tpu.dma_semaphore, #tpu.memory_space<semaphore_mem>>) attributes {dimension_semantics = [#tpu.dimension_semantics<core_parallel>, #tpu.dimension_semantics<subcore_parallel>], iteration_bounds = array<i64: 2, 16>, scalar_prefetch = 0 : i64, scratch_operands = 12 : i64, tpu.core_type = #tpu.core_type<sc_vector_subcore>, window_params = [{transform_indices = #map}, {transform_indices = #map}, {transform_indices = #map}, {transform_indices = #map1}, {transform_indices = #map2}]} {
    %eq3A = arith.constant 0 : i32
    %eq3A_0 = arith.cmpi eq, %arg0, %eq3A : i32
    %jit3A = arith.constant 152 : i32
    %jit3A_1 = arith.constant 8 : i32
    %select_n3A = arith.select %eq3A_0, %jit3A, %jit3A_1 : i32
    %mul3A = arith.constant 2432 : i32
    %mul3A_2 = arith.muli %arg0, %mul3A : i32
    %mul3A_3 = arith.muli %arg1, %select_n3A : i32
    %add3A = arith.addi %mul3A_2, %mul3A_3 : i32
    %mul3A_4 = arith.constant 640 : i32
    %mul3A_5 = arith.muli %arg1, %mul3A_4 : i32
    %broadcast_in_dim3A = arith.constant 0.000000e+00 : f32
    %broadcast_in_dim3A_6 = vector.broadcast %broadcast_in_dim3A : f32 to vector<16xf32>
    %scan3A = arith.constant 0 : i32
    %scan3A_7 = arith.constant 0 : i32
    %scan3A_8 = arith.constant 0 : i32
    %scan3A_9 = arith.constant 1024 : i32
    %scan3A_10 = arith.addi %scan3A_8, %scan3A_9 : i32
    %scan3A_11 = arith.constant 1 : i32
    %scan3A_12 = scf.for %scan3A_79 = %scan3A_8 to %scan3A_10 step %scan3A_11 iter_args(%scan3A_80 = %scan3A_7) -> (i32)  : i32 {
      %jit3A_81 = arith.constant 8 : i32
      %div3A_82 = arith.divsi %scan3A_79, %jit3A_81 : i32
      %sign3A_83 = arith.constant 0 : i32
      %sign3A_84 = arith.cmpi sgt, %scan3A_79, %sign3A_83 : i32
      %sign3A_85 = arith.extui %sign3A_84 : i1 to i32
      %sign3A_86 = arith.constant 0 : i32
      %sign3A_87 = arith.cmpi slt, %scan3A_79, %sign3A_86 : i32
      %sign3A_88 = arith.extui %sign3A_87 : i1 to i32
      %sign3A_89 = arith.subi %sign3A_85, %sign3A_88 : i32
      %sign3A_90 = arith.constant 0 : i32
      %sign3A_91 = arith.cmpi sgt, %jit3A_81, %sign3A_90 : i32
      %sign3A_92 = arith.extui %sign3A_91 : i1 to i32
      %sign3A_93 = arith.constant 0 : i32
      %sign3A_94 = arith.cmpi slt, %jit3A_81, %sign3A_93 : i32
      %sign3A_95 = arith.extui %sign3A_94 : i1 to i32
      %sign3A_96 = arith.subi %sign3A_92, %sign3A_95 : i32
      %ne3A_97 = arith.cmpi ne, %sign3A_89, %sign3A_96 : i32
      %rem3A_98 = arith.remsi %scan3A_79, %jit3A_81 : i32
      %ne3A_99 = arith.constant 0 : i32
      %ne3A_100 = arith.cmpi ne, %rem3A_98, %ne3A_99 : i32
      %and3A_101 = arith.andi %ne3A_97, %ne3A_100 : i1
      %sub3A_102 = arith.constant 1 : i32
      %sub3A_103 = arith.subi %div3A_82, %sub3A_102 : i32
      %select_n3A_104 = arith.select %and3A_101, %sub3A_103, %div3A_82 : i32
      %jit3A_105 = arith.constant 8 : i32
      %eq3A_106 = arith.constant 0 : i32
      %eq3A_107 = arith.cmpi eq, %jit3A_105, %eq3A_106 : i32
      %jit3A_108 = arith.constant 1 : i32
      %select_n3A_109 = arith.select %eq3A_107, %jit3A_108, %jit3A_105 : i32
      %rem3A_110 = arith.remsi %scan3A_79, %select_n3A_109 : i32
      %ne3A_111 = arith.constant 0 : i32
      %ne3A_112 = arith.cmpi ne, %rem3A_110, %ne3A_111 : i32
      %lt3A = arith.constant 0 : i32
      %lt3A_113 = arith.cmpi slt, %rem3A_110, %lt3A : i32
      %lt3A_114 = arith.constant 0 : i32
      %lt3A_115 = arith.cmpi slt, %select_n3A_109, %lt3A_114 : i32
      %ne3A_116 = arith.xori %lt3A_113, %lt3A_115 : i1
      %and3A_117 = arith.andi %ne3A_116, %ne3A_112 : i1
      %add3A_118 = arith.addi %rem3A_110, %select_n3A_109 : i32
      %select_n3A_119 = arith.select %and3A_117, %add3A_118, %rem3A_110 : i32
      %mul3A_120 = arith.constant 16 : i32
      %mul3A_121 = arith.muli %select_n3A_119, %mul3A_120 : i32
      %swap3A = arith.constant 0 : i32
      %swap3A_122 = arith.constant 0 : i32
      %swap3A_123 = tpu.memref_slice %arg9[%scan3A, %swap3A, %swap3A_122] : memref<2x128x128xf32, #tpu.memory_space<vmem>> -> memref<1x128x128xf32, #tpu.memory_space<vmem>>
      %swap3A_124 = tpu.memref_squeeze %swap3A_123 : memref<1x128x128xf32, #tpu.memory_space<vmem>> -> memref<128x128xf32, #tpu.memory_space<vmem>>
      %swap3A_125 = arith.index_cast %select_n3A_104 : i32 to index
      %swap3A_126 = arith.index_cast %mul3A_121 : i32 to index
      %swap3A_127 = tpu.vector_load %swap3A_124[%swap3A_125, %swap3A_126] {strides = array<i32>} : memref<128x128xf32, #tpu.memory_space<vmem>>, vector<1x16xf32>,
      %swap3A_128 = vector.shape_cast %swap3A_127 : vector<1x16xf32> to vector<16xf32>
      %swap3A_129 = vector.shape_cast %broadcast_in_dim3A_6 : vector<16xf32> to vector<1x16xf32>
      tpu.vector_store %swap3A_124[%swap3A_125, %swap3A_126], %swap3A_129 {strides = array<i32>} : memref<128x128xf32, #tpu.memory_space<vmem>>, vector<1x16xf32>,
      %scan3A_130 = arith.constant 0 : i32
      scf.yield %scan3A_130 : i32
    }
    %scan3A_13 = arith.constant 1024 : i32
    %scan3A_14 = arith.constant 0 : i32
    %scan3A_15 = arith.constant 0 : i32
    %scan3A_16 = arith.constant 0 : i32
    %scan3A_17 = arith.constant 5 : i32
    %scan3A_18 = arith.addi %scan3A_16, %scan3A_17 : i32
    %scan3A_19 = arith.constant 1 : i32
    %scan3A_20 = scf.for %scan3A_79 = %scan3A_16 to %scan3A_18 step %scan3A_19 iter_args(%scan3A_80 = %scan3A_15) -> (i32)  : i32 {
      %mul3A_81 = arith.constant 128 : i32
      %mul3A_82 = arith.muli %scan3A_79, %mul3A_81 : i32
      %add3A_83 = arith.addi %mul3A_5, %mul3A_82 : i32
      "tpu.region"() ({
        %run_scoped3A = tpu.sem_alloc : memref<!tpu.dma_semaphore, #tpu.memory_space<semaphore_mem>>
        %dma_start3A = arith.constant 0 : i32
        %dma_start3A_85 = arith.constant 0 : i32
        %dma_start3A_86 = tpu.memref_slice %arg9[%scan3A_14, %dma_start3A, %dma_start3A_85] : memref<2x128x128xf32, #tpu.memory_space<vmem>> -> memref<1x128x128xf32, #tpu.memory_space<vmem>>
        %dma_start3A_87 = tpu.memref_squeeze %dma_start3A_86 : memref<1x128x128xf32, #tpu.memory_space<vmem>> -> memref<128x128xf32, #tpu.memory_space<vmem>>
        %dma_start3A_88 = arith.constant 0 : i32
        %dma_start3A_89 = tpu.memref_slice %arg10[%add3A_83, %dma_start3A_88] : memref<10240x128xf32, #tpu.memory_space<vmem_shared>> -> memref<128x128xf32, #tpu.memory_space<vmem_shared>>
        %dma_start3A_90 = arith.constant 0 : i32
        %dma_start3A_91 = tpu.memref_slice %arg10[%add3A_83, %dma_start3A_90] : memref<10240x128xf32, #tpu.memory_space<vmem_shared>> -> memref<128x128xf32, #tpu.memory_space<vmem_shared>>
        %dma_start3A_92 = arith.constant 0 : i32
        %dma_start3A_93 = arith.constant 0 : i32
        %dma_start3A_94 = tpu.memref_slice %arg9[%scan3A_14, %dma_start3A_92, %dma_start3A_93] : memref<2x128x128xf32, #tpu.memory_space<vmem>> -> memref<1x128x128xf32, #tpu.memory_space<vmem>>
        %dma_start3A_95 = tpu.memref_squeeze %dma_start3A_94 : memref<1x128x128xf32, #tpu.memory_space<vmem>> -> memref<128x128xf32, #tpu.memory_space<vmem>>
        tpu.enqueue_dma source(%dma_start3A_95 : memref<128x128xf32, #tpu.memory_space<vmem>>) target(%dma_start3A_91 : memref<128x128xf32, #tpu.memory_space<vmem_shared>>) target_semaphore(%run_scoped3A : memref<!tpu.dma_semaphore, #tpu.memory_space<semaphore_mem>>)
        %dma_wait3A = arith.constant 0 : i32
        %dma_wait3A_96 = arith.constant 0 : i32
        %dma_wait3A_97 = tpu.memref_slice %arg9[%scan3A_14, %dma_wait3A, %dma_wait3A_96] : memref<2x128x128xf32, #tpu.memory_space<vmem>> -> memref<1x128x128xf32, #tpu.memory_space<vmem>>
        %dma_wait3A_98 = tpu.memref_squeeze %dma_wait3A_97 : memref<1x128x128xf32, #tpu.memory_space<vmem>> -> memref<128x128xf32, #tpu.memory_space<vmem>>
        %dma_wait3A_99 = arith.constant 0 : i32
        %dma_wait3A_100 = tpu.memref_slice %arg10[%add3A_83, %dma_wait3A_99] : memref<10240x128xf32, #tpu.memory_space<vmem_shared>> -> memref<128x128xf32, #tpu.memory_space<vmem_shared>>
        %dma_wait3A_101 = arith.constant 0 : i32
        %dma_wait3A_102 = tpu.memref_slice %arg10[%add3A_83, %dma_wait3A_101] : memref<10240x128xf32, #tpu.memory_space<vmem_shared>> -> memref<128x128xf32, #tpu.memory_space<vmem_shared>>
        %dma_wait3A_103 = arith.constant 0 : i32
        %dma_wait3A_104 = arith.constant 0 : i32
        %dma_wait3A_105 = tpu.memref_slice %arg9[%scan3A_14, %dma_wait3A_103, %dma_wait3A_104] : memref<2x128x128xf32, #tpu.memory_space<vmem>> -> memref<1x128x128xf32, #tpu.memory_space<vmem>>
        %dma_wait3A_106 = tpu.memref_squeeze %dma_wait3A_105 : memref<1x128x128xf32, #tpu.memory_space<vmem>> -> memref<128x128xf32, #tpu.memory_space<vmem>>
        tpu.wait_dma2 semaphore(%run_scoped3A : memref<!tpu.dma_semaphore, #tpu.memory_space<semaphore_mem>>) src(%dma_wait3A_106 : memref<128x128xf32, #tpu.memory_space<vmem>>) dst(%dma_wait3A_102 : memref<128x128xf32, #tpu.memory_space<vmem_shared>>)
        tpu.yield
      }) : () -> ()
      %scan3A_84 = arith.constant 0 : i32
      scf.yield %scan3A_84 : i32
    }
    %scan3A_21 = arith.constant 5 : i32
    %broadcast_in_dim3A_22 = arith.constant 1.000000e+00 : f32
    %broadcast_in_dim3A_23 = vector.broadcast %broadcast_in_dim3A_22 : f32 to vector<16xf32>
    %scan3A_24 = arith.constant 0 : i32
    %scan3A_25 = arith.constant 0 : i32
    %scan3A_26 = arith.constant 8 : i32
    %scan3A_27 = arith.addi %scan3A_25, %scan3A_26 : i32
    %scan3A_28 = arith.constant 1 : i32
    %scan3A_29 = scf.for %scan3A_79 = %scan3A_25 to %scan3A_27 step %scan3A_28 iter_args(%scan3A_80 = %scan3A_24) -> (i32)  : i32 {
      %mul3A_81 = arith.constant 16 : i32
      %mul3A_82 = arith.muli %scan3A_79, %mul3A_81 : i32
      %swap3A = arith.index_cast %mul3A_82 : i32 to index
      %swap3A_83 = tpu.vector_load %arg15[%swap3A] {strides = array<i32>} : memref<128xf32, #tpu.memory_space<vmem>>, vector<16xf32>,
      %swap3A_84 = vector.shape_cast %swap3A_83 : vector<16xf32> to vector<16xf32>
      %swap3A_85 = vector.shape_cast %broadcast_in_dim3A_23 : vector<16xf32> to vector<16xf32>
      tpu.vector_store %arg15[%swap3A], %swap3A_85 {strides = array<i32>} : memref<128xf32, #tpu.memory_space<vmem>>, vector<16xf32>,
      %scan3A_86 = arith.constant 0 : i32
      scf.yield %scan3A_86 : i32
    }
    %scan3A_30 = arith.constant 8 : i32
    %scan3A_31 = arith.constant 0 : i32
    %scan3A_32 = arith.constant 0 : i32
    %scan3A_33 = arith.constant 40 : i32
    %scan3A_34 = arith.addi %scan3A_32, %scan3A_33 : i32
    %scan3A_35 = arith.constant 1 : i32
    %scan3A_36 = scf.for %scan3A_79 = %scan3A_32 to %scan3A_34 step %scan3A_35 iter_args(%scan3A_80 = %scan3A_31) -> (i32)  : i32 {
      %mul3A_81 = arith.constant 16 : i32
      %mul3A_82 = arith.muli %scan3A_79, %mul3A_81 : i32
      %swap3A = arith.index_cast %mul3A_82 : i32 to index
      %swap3A_83 = tpu.vector_load %arg16[%swap3A] {strides = array<i32>} : memref<640xf32, #tpu.memory_space<vmem>>, vector<16xf32>,
      %swap3A_84 = vector.shape_cast %swap3A_83 : vector<16xf32> to vector<16xf32>
      %swap3A_85 = vector.shape_cast %broadcast_in_dim3A_6 : vector<16xf32> to vector<16xf32>
      tpu.vector_store %arg16[%swap3A], %swap3A_85 {strides = array<i32>} : memref<640xf32, #tpu.memory_space<vmem>>, vector<16xf32>,
      %scan3A_86 = arith.constant 0 : i32
      scf.yield %scan3A_86 : i32
    }
    %scan3A_37 = arith.constant 40 : i32
    "tpu.region"() ({
      %run_scoped3A = tpu.sem_alloc : memref<!tpu.dma_semaphore, #tpu.memory_space<semaphore_mem>>
      %dma_start3A = arith.constant 0 : i32
      %dma_start3A_79 = tpu.memref_slice %arg16[%dma_start3A] : memref<640xf32, #tpu.memory_space<vmem>> -> memref<640xf32, #tpu.memory_space<vmem>>
      %dma_start3A_80 = tpu.memref_slice %arg17[%mul3A_5] : memref<10240xf32, #tpu.memory_space<vmem_shared>> -> memref<640xf32, #tpu.memory_space<vmem_shared>>
      %dma_start3A_81 = tpu.memref_slice %arg17[%mul3A_5] : memref<10240xf32, #tpu.memory_space<vmem_shared>> -> memref<640xf32, #tpu.memory_space<vmem_shared>>
      %dma_start3A_82 = arith.constant 0 : i32
      %dma_start3A_83 = tpu.memref_slice %arg16[%dma_start3A_82] : memref<640xf32, #tpu.memory_space<vmem>> -> memref<640xf32, #tpu.memory_space<vmem>>
      tpu.enqueue_dma source(%dma_start3A_83 : memref<640xf32, #tpu.memory_space<vmem>>) target(%dma_start3A_81 : memref<640xf32, #tpu.memory_space<vmem_shared>>) target_semaphore(%run_scoped3A : memref<!tpu.dma_semaphore, #tpu.memory_space<semaphore_mem>>)
      %dma_wait3A = arith.constant 0 : i32
      %dma_wait3A_84 = tpu.memref_slice %arg16[%dma_wait3A] : memref<640xf32, #tpu.memory_space<vmem>> -> memref<640xf32, #tpu.memory_space<vmem>>
      %dma_wait3A_85 = tpu.memref_slice %arg17[%mul3A_5] : memref<10240xf32, #tpu.memory_space<vmem_shared>> -> memref<640xf32, #tpu.memory_space<vmem_shared>>
      %dma_wait3A_86 = tpu.memref_slice %arg17[%mul3A_5] : memref<10240xf32, #tpu.memory_space<vmem_shared>> -> memref<640xf32, #tpu.memory_space<vmem_shared>>
      %dma_wait3A_87 = arith.constant 0 : i32
      %dma_wait3A_88 = tpu.memref_slice %arg16[%dma_wait3A_87] : memref<640xf32, #tpu.memory_space<vmem>> -> memref<640xf32, #tpu.memory_space<vmem>>
      tpu.wait_dma2 semaphore(%run_scoped3A : memref<!tpu.dma_semaphore, #tpu.memory_space<semaphore_mem>>) src(%dma_wait3A_88 : memref<640xf32, #tpu.memory_space<vmem>>) dst(%dma_wait3A_86 : memref<640xf32, #tpu.memory_space<vmem_shared>>)
      tpu.yield
    }) : () -> ()
    %barrier3A = arith.constant 0 : index
    tpu.barrier barrier_id(%barrier3A)
    %jit3A_38 = arith.constant 8 : i32
    %div3A = arith.divsi %select_n3A, %jit3A_38 : i32
    %sign3A = arith.constant 0 : i32
    %sign3A_39 = arith.cmpi sgt, %select_n3A, %sign3A : i32
    %sign3A_40 = arith.extui %sign3A_39 : i1 to i32
    %sign3A_41 = arith.constant 0 : i32
    %sign3A_42 = arith.cmpi slt, %select_n3A, %sign3A_41 : i32
    %sign3A_43 = arith.extui %sign3A_42 : i1 to i32
    %sign3A_44 = arith.subi %sign3A_40, %sign3A_43 : i32
    %sign3A_45 = arith.constant 0 : i32
    %sign3A_46 = arith.cmpi sgt, %jit3A_38, %sign3A_45 : i32
    %sign3A_47 = arith.extui %sign3A_46 : i1 to i32
    %sign3A_48 = arith.constant 0 : i32
    %sign3A_49 = arith.cmpi slt, %jit3A_38, %sign3A_48 : i32
    %sign3A_50 = arith.extui %sign3A_49 : i1 to i32
    %sign3A_51 = arith.subi %sign3A_47, %sign3A_50 : i32
    %ne3A = arith.cmpi ne, %sign3A_44, %sign3A_51 : i32
    %rem3A = arith.remsi %select_n3A, %jit3A_38 : i32
    %ne3A_52 = arith.constant 0 : i32
    %ne3A_53 = arith.cmpi ne, %rem3A, %ne3A_52 : i32
    %and3A = arith.andi %ne3A, %ne3A_53 : i1
    %sub3A = arith.constant 1 : i32
    %sub3A_54 = arith.subi %div3A, %sub3A : i32
    %select_n3A_55 = arith.select %and3A, %sub3A_54, %div3A : i32
    %while3A = arith.constant 0 : i32
    %while3A_56 = arith.constant 0 : i32
    %while3A_57 = arith.subi %select_n3A_55, %while3A : i32
    %while3A_58 = arith.addi %while3A, %while3A_57 : i32
    %while3A_59 = arith.constant 1 : i32
    %while3A_60 = arith.divsi %while3A_57, %while3A_59 : i32
    %while3A_61 = arith.muli %while3A_60, %while3A_59 : i32
    %while3A_62 = arith.addi %while3A, %while3A_61 : i32
    %while3A_63 = arith.constant 1 : i32
    %while3A_64 = scf.for %while3A_79 = %while3A to %while3A_62 step %while3A_63 iter_args(%while3A_80 = %while3A_56) -> (i32)  : i32 {
      %mul3A_81 = arith.constant 8 : i32
      %mul3A_82 = arith.muli %while3A_79, %mul3A_81 : i32
      %add3A_83 = arith.addi %add3A, %mul3A_82 : i32
      "tpu.region"() ({
        %run_scoped3A = tpu.sem_alloc : memref<!tpu.dma_semaphore, #tpu.memory_space<semaphore_mem>>
        %dma_start3A_132 = arith.constant 0 : i32
        %dma_start3A_133 = tpu.memref_slice %arg2[%add3A_83, %dma_start3A_132] : memref<2560x128xi32, #tpu.memory_space<hbm>> -> memref<8x128xi32, #tpu.memory_space<hbm>>
        %dma_start3A_134 = arith.constant 0 : i32
        %dma_start3A_135 = tpu.memref_slice %arg2[%add3A_83, %dma_start3A_134] : memref<2560x128xi32, #tpu.memory_space<hbm>> -> memref<8x128xi32, #tpu.memory_space<hbm>>
        tpu.enqueue_dma source(%dma_start3A_135 : memref<8x128xi32, #tpu.memory_space<hbm>>) target(%arg7 : memref<8x128xi32, #tpu.memory_space<vmem>>) target_semaphore(%run_scoped3A : memref<!tpu.dma_semaphore, #tpu.memory_space<semaphore_mem>>)
        %dma_wait3A_136 = arith.constant 0 : i32
        %dma_wait3A_137 = tpu.memref_slice %arg2[%add3A_83, %dma_wait3A_136] : memref<2560x128xi32, #tpu.memory_space<hbm>> -> memref<8x128xi32, #tpu.memory_space<hbm>>
        %dma_wait3A_138 = arith.constant 0 : i32
        %dma_wait3A_139 = tpu.memref_slice %arg2[%add3A_83, %dma_wait3A_138] : memref<2560x128xi32, #tpu.memory_space<hbm>> -> memref<8x128xi32, #tpu.memory_space<hbm>>
        tpu.wait_dma2 semaphore(%run_scoped3A : memref<!tpu.dma_semaphore, #tpu.memory_space<semaphore_mem>>) src(%dma_wait3A_139 : memref<8x128xi32, #tpu.memory_space<hbm>>) dst(%arg7 : memref<8x128xi32, #tpu.memory_space<vmem>>)
        tpu.yield
      }) : () -> ()
      "tpu.region"() ({
        %run_scoped3A = tpu.sem_alloc : memref<!tpu.dma_semaphore, #tpu.memory_space<semaphore_mem>>
        %dma_start3A_132 = arith.constant 0 : i32
        %dma_start3A_133 = tpu.memref_slice %arg3[%add3A_83, %dma_start3A_132] : memref<2560x128xi32, #tpu.memory_space<hbm>> -> memref<8x128xi32, #tpu.memory_space<hbm>>
        %dma_start3A_134 = arith.constant 0 : i32
        %dma_start3A_135 = tpu.memref_slice %arg3[%add3A_83, %dma_start3A_134] : memref<2560x128xi32, #tpu.memory_space<hbm>> -> memref<8x128xi32, #tpu.memory_space<hbm>>
        tpu.enqueue_dma source(%dma_start3A_135 : memref<8x128xi32, #tpu.memory_space<hbm>>) target(%arg8 : memref<8x128xi32, #tpu.memory_space<vmem>>) target_semaphore(%run_scoped3A : memref<!tpu.dma_semaphore, #tpu.memory_space<semaphore_mem>>)
        %dma_wait3A_136 = arith.constant 0 : i32
        %dma_wait3A_137 = tpu.memref_slice %arg3[%add3A_83, %dma_wait3A_136] : memref<2560x128xi32, #tpu.memory_space<hbm>> -> memref<8x128xi32, #tpu.memory_space<hbm>>
        %dma_wait3A_138 = arith.constant 0 : i32
        %dma_wait3A_139 = tpu.memref_slice %arg3[%add3A_83, %dma_wait3A_138] : memref<2560x128xi32, #tpu.memory_space<hbm>> -> memref<8x128xi32, #tpu.memory_space<hbm>>
        tpu.wait_dma2 semaphore(%run_scoped3A : memref<!tpu.dma_semaphore, #tpu.memory_space<semaphore_mem>>) src(%dma_wait3A_139 : memref<8x128xi32, #tpu.memory_space<hbm>>) dst(%arg8 : memref<8x128xi32, #tpu.memory_space<vmem>>)
        tpu.yield
      }) : () -> ()
      %dma_start3A = arith.constant 0 : i32
      %dma_start3A_84 = arith.constant 0 : i32
      %dma_start3A_85 = arith.constant 0 : i32
      %dma_start3A_86 = arith.constant 0 : i32
      %dma_start3A_87 = tpu.memref_slice %arg9[%dma_start3A_84, %dma_start3A_85, %dma_start3A_86] : memref<2x128x128xf32, #tpu.memory_space<vmem>> -> memref<1x128x128xf32, #tpu.memory_space<vmem>>
      %dma_start3A_88 = tpu.memref_squeeze %dma_start3A_87 : memref<1x128x128xf32, #tpu.memory_space<vmem>> -> memref<128x128xf32, #tpu.memory_space<vmem>>
      %dma_start3A_89 = arith.constant 0 : i32
      %dma_start3A_90 = tpu.memref_slice %arg7[%dma_start3A, %dma_start3A_89] : memref<8x128xi32, #tpu.memory_space<vmem>> -> memref<1x128xi32, #tpu.memory_space<vmem>>
      %dma_start3A_91 = tpu.memref_squeeze %dma_start3A_90 : memref<1x128xi32, #tpu.memory_space<vmem>> -> memref<128xi32, #tpu.memory_space<vmem>>
      %dma_start3A_92 = arith.constant 0 : i32
      %dma_start3A_93 = arith.constant 0 : i32
      %dma_start3A_94 = tpu.memref_slice %arg4[%dma_start3A_92, %dma_start3A_93] : memref<10000x128xf32, #tpu.memory_space<hbm>> -> memref<10000x128xf32, #tpu.memory_space<hbm>>
      tpu.enqueue_indirect_dma source(%dma_start3A_94 : memref<10000x128xf32, #tpu.memory_space<hbm>>) target(%dma_start3A_88 : memref<128x128xf32, #tpu.memory_space<vmem>>) offsets(%dma_start3A_91 : memref<128xi32, #tpu.memory_space<vmem>>) semaphore(%arg11 : memref<!tpu.dma_semaphore, #tpu.memory_space<semaphore_mem>>)
      %scan3A_95 = arith.constant 0 : i32
      %scan3A_96 = arith.constant 0 : i32
      %scan3A_97 = arith.constant 4 : i32
      %scan3A_98 = arith.addi %scan3A_96, %scan3A_97 : i32
      %scan3A_99 = arith.constant 1 : i32
      %scan3A_100 = scf.for %scan3A_132 = %scan3A_96 to %scan3A_98 step %scan3A_99 iter_args(%scan3A_133 = %scan3A_95) -> (i32)  : i32 {
        %mul3A_134 = arith.constant 2 : i32
        %mul3A_135 = arith.muli %scan3A_132, %mul3A_134 : i32
        %add3A_136 = arith.constant 0 : i32
        %add3A_137 = arith.addi %mul3A_135, %add3A_136 : i32
        %add3A_138 = arith.constant 1 : i32
        %add3A_139 = arith.addi %add3A_137, %add3A_138 : i32
        %lt3A = arith.constant 8 : i32
        %lt3A_140 = arith.cmpi slt, %add3A_139, %lt3A : i32
        %convert_element_type3A = arith.extui %lt3A_140 : i1 to i32
        %cond3A = arith.constant 0 : i32
        %cond3A_141 = arith.cmpi ne, %convert_element_type3A, %cond3A : i32
        scf.if %cond3A_141 {
          %ge3A_217 = arith.constant 1 : i32
          %ge3A_218 = arith.cmpi sge, %scan3A_132, %ge3A_217 : i32
          %convert_element_type3A_219 = arith.extui %ge3A_218 : i1 to i32
          %cond3A_220 = arith.constant 0 : i32
          %cond3A_221 = arith.cmpi ne, %convert_element_type3A_219, %cond3A_220 : i32
          scf.if %cond3A_221 {
            %dma_wait3A_233 = arith.constant 1 : i32
            %dma_wait3A_234 = arith.constant 0 : i32
            %dma_wait3A_235 = arith.constant 0 : i32
            %dma_wait3A_236 = arith.constant 0 : i32
            %dma_wait3A_237 = tpu.memref_slice %arg9[%dma_wait3A_233, %dma_wait3A_235, %dma_wait3A_236] : memref<2x128x128xf32, #tpu.memory_space<vmem>> -> memref<1x128x128xf32, #tpu.memory_space<vmem>>
            %dma_wait3A_238 = tpu.memref_squeeze %dma_wait3A_237 : memref<1x128x128xf32, #tpu.memory_space<vmem>> -> memref<128x128xf32, #tpu.memory_space<vmem>>
            %dma_wait3A_239 = arith.constant 0 : i32
            %dma_wait3A_240 = tpu.memref_slice %arg8[%dma_wait3A_234, %dma_wait3A_239] : memref<8x128xi32, #tpu.memory_space<vmem>> -> memref<1x128xi32, #tpu.memory_space<vmem>>
            %dma_wait3A_241 = tpu.memref_squeeze %dma_wait3A_240 : memref<1x128xi32, #tpu.memory_space<vmem>> -> memref<128xi32, #tpu.memory_space<vmem>>
            %dma_wait3A_242 = arith.constant 0 : i32
            %dma_wait3A_243 = arith.constant 0 : i32
            %dma_wait3A_244 = tpu.memref_slice %arg10[%dma_wait3A_242, %dma_wait3A_243] : memref<10240x128xf32, #tpu.memory_space<vmem_shared>> -> memref<10240x128xf32, #tpu.memory_space<vmem_shared>>
            tpu.wait_indirect_dma semaphore(%arg14 : memref<!tpu.dma_semaphore, #tpu.memory_space<semaphore_mem>>) src(%dma_wait3A_238 : memref<128x128xf32, #tpu.memory_space<vmem>>) dst(%dma_wait3A_244 : memref<10240x128xf32, #tpu.memory_space<vmem_shared>>)
          } else {
          }
          %dma_start3A_222 = arith.constant 1 : i32
          %dma_start3A_223 = arith.constant 0 : i32
          %dma_start3A_224 = arith.constant 0 : i32
          %dma_start3A_225 = tpu.memref_slice %arg9[%dma_start3A_222, %dma_start3A_223, %dma_start3A_224] : memref<2x128x128xf32, #tpu.memory_space<vmem>> -> memref<1x128x128xf32, #tpu.memory_space<vmem>>
          %dma_start3A_226 = tpu.memref_squeeze %dma_start3A_225 : memref<1x128x128xf32, #tpu.memory_space<vmem>> -> memref<128x128xf32, #tpu.memory_space<vmem>>
          %dma_start3A_227 = arith.constant 0 : i32
          %dma_start3A_228 = tpu.memref_slice %arg7[%add3A_139, %dma_start3A_227] : memref<8x128xi32, #tpu.memory_space<vmem>> -> memref<1x128xi32, #tpu.memory_space<vmem>>
          %dma_start3A_229 = tpu.memref_squeeze %dma_start3A_228 : memref<1x128xi32, #tpu.memory_space<vmem>> -> memref<128xi32, #tpu.memory_space<vmem>>
          %dma_start3A_230 = arith.constant 0 : i32
          %dma_start3A_231 = arith.constant 0 : i32
          %dma_start3A_232 = tpu.memref_slice %arg4[%dma_start3A_230, %dma_start3A_231] : memref<10000x128xf32, #tpu.memory_space<hbm>> -> memref<10000x128xf32, #tpu.memory_space<hbm>>
          tpu.enqueue_indirect_dma source(%dma_start3A_232 : memref<10000x128xf32, #tpu.memory_space<hbm>>) target(%dma_start3A_226 : memref<128x128xf32, #tpu.memory_space<vmem>>) offsets(%dma_start3A_229 : memref<128xi32, #tpu.memory_space<vmem>>) semaphore(%arg12 : memref<!tpu.dma_semaphore, #tpu.memory_space<semaphore_mem>>)
        } else {
        }
        %dma_wait3A_142 = arith.constant 0 : i32
        %dma_wait3A_143 = arith.constant 0 : i32
        %dma_wait3A_144 = arith.constant 0 : i32
        %dma_wait3A_145 = tpu.memref_slice %arg9[%dma_wait3A_142, %dma_wait3A_143, %dma_wait3A_144] : memref<2x128x128xf32, #tpu.memory_space<vmem>> -> memref<1x128x128xf32, #tpu.memory_space<vmem>>
        %dma_wait3A_146 = tpu.memref_squeeze %dma_wait3A_145 : memref<1x128x128xf32, #tpu.memory_space<vmem>> -> memref<128x128xf32, #tpu.memory_space<vmem>>
        %dma_wait3A_147 = arith.constant 0 : i32
        %dma_wait3A_148 = tpu.memref_slice %arg7[%add3A_137, %dma_wait3A_147] : memref<8x128xi32, #tpu.memory_space<vmem>> -> memref<1x128xi32, #tpu.memory_space<vmem>>
        %dma_wait3A_149 = tpu.memref_squeeze %dma_wait3A_148 : memref<1x128xi32, #tpu.memory_space<vmem>> -> memref<128xi32, #tpu.memory_space<vmem>>
        %dma_wait3A_150 = arith.constant 0 : i32
        %dma_wait3A_151 = arith.constant 0 : i32
        %dma_wait3A_152 = tpu.memref_slice %arg4[%dma_wait3A_150, %dma_wait3A_151] : memref<10000x128xf32, #tpu.memory_space<hbm>> -> memref<10000x128xf32, #tpu.memory_space<hbm>>
        tpu.wait_indirect_dma semaphore(%arg11 : memref<!tpu.dma_semaphore, #tpu.memory_space<semaphore_mem>>) src(%dma_wait3A_152 : memref<10000x128xf32, #tpu.memory_space<hbm>>) dst(%dma_wait3A_146 : memref<128x128xf32, #tpu.memory_space<vmem>>)
        %dma_start3A_153 = arith.constant 0 : i32
        %dma_start3A_154 = arith.constant 0 : i32
        %dma_start3A_155 = arith.constant 0 : i32
        %dma_start3A_156 = tpu.memref_slice %arg9[%dma_start3A_153, %dma_start3A_154, %dma_start3A_155] : memref<2x128x128xf32, #tpu.memory_space<vmem>> -> memref<1x128x128xf32, #tpu.memory_space<vmem>>
        %dma_start3A_157 = tpu.memref_squeeze %dma_start3A_156 : memref<1x128x128xf32, #tpu.memory_space<vmem>> -> memref<128x128xf32, #tpu.memory_space<vmem>>
        %dma_start3A_158 = arith.constant 0 : i32
        %dma_start3A_159 = tpu.memref_slice %arg8[%add3A_137, %dma_start3A_158] : memref<8x128xi32, #tpu.memory_space<vmem>> -> memref<1x128xi32, #tpu.memory_space<vmem>>
        %dma_start3A_160 = tpu.memref_squeeze %dma_start3A_159 : memref<1x128xi32, #tpu.memory_space<vmem>> -> memref<128xi32, #tpu.memory_space<vmem>>
        %dma_start3A_161 = arith.constant 0 : i32
        %dma_start3A_162 = arith.constant 0 : i32
        %dma_start3A_163 = tpu.memref_slice %arg10[%dma_start3A_161, %dma_start3A_162] : memref<10240x128xf32, #tpu.memory_space<vmem_shared>> -> memref<10240x128xf32, #tpu.memory_space<vmem_shared>>
        tpu.enqueue_indirect_dma source(%dma_start3A_157 : memref<128x128xf32, #tpu.memory_space<vmem>>) target(%dma_start3A_163 : memref<10240x128xf32, #tpu.memory_space<vmem_shared>>) offsets(%dma_start3A_160 : memref<128xi32, #tpu.memory_space<vmem>>) semaphore(%arg13 : memref<!tpu.dma_semaphore, #tpu.memory_space<semaphore_mem>>) {add = true}
        %ge3A = arith.constant 1 : i32
        %ge3A_164 = arith.cmpi sge, %add3A_137, %ge3A : i32
        %convert_element_type3A_165 = arith.extui %ge3A_164 : i1 to i32
        %cond3A_166 = arith.constant 0 : i32
        %cond3A_167 = arith.cmpi ne, %convert_element_type3A_165, %cond3A_166 : i32
        scf.if %cond3A_167 {
          %dma_wait3A_217 = arith.constant 0 : i32
          %dma_wait3A_218 = arith.constant 0 : i32
          %dma_wait3A_219 = tpu.memref_slice %arg8[%dma_wait3A_217, %dma_wait3A_218] : memref<8x128xi32, #tpu.memory_space<vmem>> -> memref<1x128xi32, #tpu.memory_space<vmem>>
          %dma_wait3A_220 = tpu.memref_squeeze %dma_wait3A_219 : memref<1x128xi32, #tpu.memory_space<vmem>> -> memref<128xi32, #tpu.memory_space<vmem>>
          %dma_wait3A_221 = arith.constant 0 : i32
          %dma_wait3A_222 = tpu.memref_slice %arg17[%dma_wait3A_221] : memref<10240xf32, #tpu.memory_space<vmem_shared>> -> memref<10240xf32, #tpu.memory_space<vmem_shared>>
          tpu.wait_indirect_dma semaphore(%arg18 : memref<!tpu.dma_semaphore, #tpu.memory_space<semaphore_mem>>) src(%arg15 : memref<128xf32, #tpu.memory_space<vmem>>) dst(%dma_wait3A_222 : memref<10240xf32, #tpu.memory_space<vmem_shared>>)
        } else {
        }
        %dma_start3A_168 = arith.constant 0 : i32
        %dma_start3A_169 = tpu.memref_slice %arg8[%add3A_137, %dma_start3A_168] : memref<8x128xi32, #tpu.memory_space<vmem>> -> memref<1x128xi32, #tpu.memory_space<vmem>>
        %dma_start3A_170 = tpu.memref_squeeze %dma_start3A_169 : memref<1x128xi32, #tpu.memory_space<vmem>> -> memref<128xi32, #tpu.memory_space<vmem>>
        %dma_start3A_171 = arith.constant 0 : i32
        %dma_start3A_172 = tpu.memref_slice %arg17[%dma_start3A_171] : memref<10240xf32, #tpu.memory_space<vmem_shared>> -> memref<10240xf32, #tpu.memory_space<vmem_shared>>
        tpu.enqueue_indirect_dma source(%arg15 : memref<128xf32, #tpu.memory_space<vmem>>) target(%dma_start3A_172 : memref<10240xf32, #tpu.memory_space<vmem_shared>>) offsets(%dma_start3A_170 : memref<128xi32, #tpu.memory_space<vmem>>) semaphore(%arg18 : memref<!tpu.dma_semaphore, #tpu.memory_space<semaphore_mem>>) {add = true}
        %mul3A_173 = arith.constant 2 : i32
        %mul3A_174 = arith.muli %scan3A_132, %mul3A_173 : i32
        %add3A_175 = arith.constant 1 : i32
        %add3A_176 = arith.addi %mul3A_174, %add3A_175 : i32
        %add3A_177 = arith.constant 1 : i32
        %add3A_178 = arith.addi %add3A_176, %add3A_177 : i32
        %lt3A_179 = arith.constant 8 : i32
        %lt3A_180 = arith.cmpi slt, %add3A_178, %lt3A_179 : i32
        %convert_element_type3A_181 = arith.extui %lt3A_180 : i1 to i32
        %cond3A_182 = arith.constant 0 : i32
        %cond3A_183 = arith.cmpi ne, %convert_element_type3A_181, %cond3A_182 : i32
        scf.if %cond3A_183 {
          %dma_wait3A_217 = arith.constant 0 : i32
          %dma_wait3A_218 = arith.constant 0 : i32
          %dma_wait3A_219 = arith.constant 0 : i32
          %dma_wait3A_220 = arith.constant 0 : i32
          %dma_wait3A_221 = tpu.memref_slice %arg9[%dma_wait3A_217, %dma_wait3A_219, %dma_wait3A_220] : memref<2x128x128xf32, #tpu.memory_space<vmem>> -> memref<1x128x128xf32, #tpu.memory_space<vmem>>
          %dma_wait3A_222 = tpu.memref_squeeze %dma_wait3A_221 : memref<1x128x128xf32, #tpu.memory_space<vmem>> -> memref<128x128xf32, #tpu.memory_space<vmem>>
          %dma_wait3A_223 = arith.constant 0 : i32
          %dma_wait3A_224 = tpu.memref_slice %arg8[%dma_wait3A_218, %dma_wait3A_223] : memref<8x128xi32, #tpu.memory_space<vmem>> -> memref<1x128xi32, #tpu.memory_space<vmem>>
          %dma_wait3A_225 = tpu.memref_squeeze %dma_wait3A_224 : memref<1x128xi32, #tpu.memory_space<vmem>> -> memref<128xi32, #tpu.memory_space<vmem>>
          %dma_wait3A_226 = arith.constant 0 : i32
          %dma_wait3A_227 = arith.constant 0 : i32
          %dma_wait3A_228 = tpu.memref_slice %arg10[%dma_wait3A_226, %dma_wait3A_227] : memref<10240x128xf32, #tpu.memory_space<vmem_shared>> -> memref<10240x128xf32, #tpu.memory_space<vmem_shared>>
          tpu.wait_indirect_dma semaphore(%arg13 : memref<!tpu.dma_semaphore, #tpu.memory_space<semaphore_mem>>) src(%dma_wait3A_222 : memref<128x128xf32, #tpu.memory_space<vmem>>) dst(%dma_wait3A_228 : memref<10240x128xf32, #tpu.memory_space<vmem_shared>>)
          %dma_start3A_229 = arith.constant 0 : i32
          %dma_start3A_230 = arith.constant 0 : i32
          %dma_start3A_231 = arith.constant 0 : i32
          %dma_start3A_232 = tpu.memref_slice %arg9[%dma_start3A_229, %dma_start3A_230, %dma_start3A_231] : memref<2x128x128xf32, #tpu.memory_space<vmem>> -> memref<1x128x128xf32, #tpu.memory_space<vmem>>
          %dma_start3A_233 = tpu.memref_squeeze %dma_start3A_232 : memref<1x128x128xf32, #tpu.memory_space<vmem>> -> memref<128x128xf32, #tpu.memory_space<vmem>>
          %dma_start3A_234 = arith.constant 0 : i32
          %dma_start3A_235 = tpu.memref_slice %arg7[%add3A_178, %dma_start3A_234] : memref<8x128xi32, #tpu.memory_space<vmem>> -> memref<1x128xi32, #tpu.memory_space<vmem>>
          %dma_start3A_236 = tpu.memref_squeeze %dma_start3A_235 : memref<1x128xi32, #tpu.memory_space<vmem>> -> memref<128xi32, #tpu.memory_space<vmem>>
          %dma_start3A_237 = arith.constant 0 : i32
          %dma_start3A_238 = arith.constant 0 : i32
          %dma_start3A_239 = tpu.memref_slice %arg4[%dma_start3A_237, %dma_start3A_238] : memref<10000x128xf32, #tpu.memory_space<hbm>> -> memref<10000x128xf32, #tpu.memory_space<hbm>>
          tpu.enqueue_indirect_dma source(%dma_start3A_239 : memref<10000x128xf32, #tpu.memory_space<hbm>>) target(%dma_start3A_233 : memref<128x128xf32, #tpu.memory_space<vmem>>) offsets(%dma_start3A_236 : memref<128xi32, #tpu.memory_space<vmem>>) semaphore(%arg11 : memref<!tpu.dma_semaphore, #tpu.memory_space<semaphore_mem>>)
        } else {
        }
        %dma_wait3A_184 = arith.constant 1 : i32
        %dma_wait3A_185 = arith.constant 0 : i32
        %dma_wait3A_186 = arith.constant 0 : i32
        %dma_wait3A_187 = tpu.memref_slice %arg9[%dma_wait3A_184, %dma_wait3A_185, %dma_wait3A_186] : memref<2x128x128xf32, #tpu.memory_space<vmem>> -> memref<1x128x128xf32, #tpu.memory_space<vmem>>
        %dma_wait3A_188 = tpu.memref_squeeze %dma_wait3A_187 : memref<1x128x128xf32, #tpu.memory_space<vmem>> -> memref<128x128xf32, #tpu.memory_space<vmem>>
        %dma_wait3A_189 = arith.constant 0 : i32
        %dma_wait3A_190 = tpu.memref_slice %arg7[%add3A_176, %dma_wait3A_189] : memref<8x128xi32, #tpu.memory_space<vmem>> -> memref<1x128xi32, #tpu.memory_space<vmem>>
        %dma_wait3A_191 = tpu.memref_squeeze %dma_wait3A_190 : memref<1x128xi32, #tpu.memory_space<vmem>> -> memref<128xi32, #tpu.memory_space<vmem>>
        %dma_wait3A_192 = arith.constant 0 : i32
        %dma_wait3A_193 = arith.constant 0 : i32
        %dma_wait3A_194 = tpu.memref_slice %arg4[%dma_wait3A_192, %dma_wait3A_193] : memref<10000x128xf32, #tpu.memory_space<hbm>> -> memref<10000x128xf32, #tpu.memory_space<hbm>>
        tpu.wait_indirect_dma semaphore(%arg12 : memref<!tpu.dma_semaphore, #tpu.memory_space<semaphore_mem>>) src(%dma_wait3A_194 : memref<10000x128xf32, #tpu.memory_space<hbm>>) dst(%dma_wait3A_188 : memref<128x128xf32, #tpu.memory_space<vmem>>)
        %dma_start3A_195 = arith.constant 1 : i32
        %dma_start3A_196 = arith.constant 0 : i32
        %dma_start3A_197 = arith.constant 0 : i32
        %dma_start3A_198 = tpu.memref_slice %arg9[%dma_start3A_195, %dma_start3A_196, %dma_start3A_197] : memref<2x128x128xf32, #tpu.memory_space<vmem>> -> memref<1x128x128xf32, #tpu.memory_space<vmem>>
        %dma_start3A_199 = tpu.memref_squeeze %dma_start3A_198 : memref<1x128x128xf32, #tpu.memory_space<vmem>> -> memref<128x128xf32, #tpu.memory_space<vmem>>
        %dma_start3A_200 = arith.constant 0 : i32
        %dma_start3A_201 = tpu.memref_slice %arg8[%add3A_176, %dma_start3A_200] : memref<8x128xi32, #tpu.memory_space<vmem>> -> memref<1x128xi32, #tpu.memory_space<vmem>>
        %dma_start3A_202 = tpu.memref_squeeze %dma_start3A_201 : memref<1x128xi32, #tpu.memory_space<vmem>> -> memref<128xi32, #tpu.memory_space<vmem>>
        %dma_start3A_203 = arith.constant 0 : i32
        %dma_start3A_204 = arith.constant 0 : i32
        %dma_start3A_205 = tpu.memref_slice %arg10[%dma_start3A_203, %dma_start3A_204] : memref<10240x128xf32, #tpu.memory_space<vmem_shared>> -> memref<10240x128xf32, #tpu.memory_space<vmem_shared>>
        tpu.enqueue_indirect_dma source(%dma_start3A_199 : memref<128x128xf32, #tpu.memory_space<vmem>>) target(%dma_start3A_205 : memref<10240x128xf32, #tpu.memory_space<vmem_shared>>) offsets(%dma_start3A_202 : memref<128xi32, #tpu.memory_space<vmem>>) semaphore(%arg14 : memref<!tpu.dma_semaphore, #tpu.memory_space<semaphore_mem>>) {add = true}
        %ge3A_206 = arith.constant 1 : i32
        %ge3A_207 = arith.cmpi sge, %add3A_176, %ge3A_206 : i32
        %convert_element_type3A_208 = arith.extui %ge3A_207 : i1 to i32
        %cond3A_209 = arith.constant 0 : i32
        %cond3A_210 = arith.cmpi ne, %convert_element_type3A_208, %cond3A_209 : i32
        scf.if %cond3A_210 {
          %dma_wait3A_217 = arith.constant 0 : i32
          %dma_wait3A_218 = arith.constant 0 : i32
          %dma_wait3A_219 = tpu.memref_slice %arg8[%dma_wait3A_217, %dma_wait3A_218] : memref<8x128xi32, #tpu.memory_space<vmem>> -> memref<1x128xi32, #tpu.memory_space<vmem>>
          %dma_wait3A_220 = tpu.memref_squeeze %dma_wait3A_219 : memref<1x128xi32, #tpu.memory_space<vmem>> -> memref<128xi32, #tpu.memory_space<vmem>>
          %dma_wait3A_221 = arith.constant 0 : i32
          %dma_wait3A_222 = tpu.memref_slice %arg17[%dma_wait3A_221] : memref<10240xf32, #tpu.memory_space<vmem_shared>> -> memref<10240xf32, #tpu.memory_space<vmem_shared>>
          tpu.wait_indirect_dma semaphore(%arg18 : memref<!tpu.dma_semaphore, #tpu.memory_space<semaphore_mem>>) src(%arg15 : memref<128xf32, #tpu.memory_space<vmem>>) dst(%dma_wait3A_222 : memref<10240xf32, #tpu.memory_space<vmem_shared>>)
        } else {
        }
        %dma_start3A_211 = arith.constant 0 : i32
        %dma_start3A_212 = tpu.memref_slice %arg8[%add3A_176, %dma_start3A_211] : memref<8x128xi32, #tpu.memory_space<vmem>> -> memref<1x128xi32, #tpu.memory_space<vmem>>
        %dma_start3A_213 = tpu.memref_squeeze %dma_start3A_212 : memref<1x128xi32, #tpu.memory_space<vmem>> -> memref<128xi32, #tpu.memory_space<vmem>>
        %dma_start3A_214 = arith.constant 0 : i32
        %dma_start3A_215 = tpu.memref_slice %arg17[%dma_start3A_214] : memref<10240xf32, #tpu.memory_space<vmem_shared>> -> memref<10240xf32, #tpu.memory_space<vmem_shared>>
        tpu.enqueue_indirect_dma source(%arg15 : memref<128xf32, #tpu.memory_space<vmem>>) target(%dma_start3A_215 : memref<10240xf32, #tpu.memory_space<vmem_shared>>) offsets(%dma_start3A_213 : memref<128xi32, #tpu.memory_space<vmem>>) semaphore(%arg18 : memref<!tpu.dma_semaphore, #tpu.memory_space<semaphore_mem>>) {add = true}
        %scan3A_216 = arith.constant 0 : i32
        scf.yield %scan3A_216 : i32
      }
      %scan3A_101 = arith.constant 4 : i32
      %dma_wait3A = arith.constant 0 : i32
      %dma_wait3A_102 = arith.constant 0 : i32
      %dma_wait3A_103 = arith.constant 0 : i32
      %dma_wait3A_104 = arith.constant 0 : i32
      %dma_wait3A_105 = tpu.memref_slice %arg9[%dma_wait3A, %dma_wait3A_103, %dma_wait3A_104] : memref<2x128x128xf32, #tpu.memory_space<vmem>> -> memref<1x128x128xf32, #tpu.memory_space<vmem>>
      %dma_wait3A_106 = tpu.memref_squeeze %dma_wait3A_105 : memref<1x128x128xf32, #tpu.memory_space<vmem>> -> memref<128x128xf32, #tpu.memory_space<vmem>>
      %dma_wait3A_107 = arith.constant 0 : i32
      %dma_wait3A_108 = tpu.memref_slice %arg8[%dma_wait3A_102, %dma_wait3A_107] : memref<8x128xi32, #tpu.memory_space<vmem>> -> memref<1x128xi32, #tpu.memory_space<vmem>>
      %dma_wait3A_109 = tpu.memref_squeeze %dma_wait3A_108 : memref<1x128xi32, #tpu.memory_space<vmem>> -> memref<128xi32, #tpu.memory_space<vmem>>
      %dma_wait3A_110 = arith.constant 0 : i32
      %dma_wait3A_111 = arith.constant 0 : i32
      %dma_wait3A_112 = tpu.memref_slice %arg10[%dma_wait3A_110, %dma_wait3A_111] : memref<10240x128xf32, #tpu.memory_space<vmem_shared>> -> memref<10240x128xf32, #tpu.memory_space<vmem_shared>>
      tpu.wait_indirect_dma semaphore(%arg13 : memref<!tpu.dma_semaphore, #tpu.memory_space<semaphore_mem>>) src(%dma_wait3A_106 : memref<128x128xf32, #tpu.memory_space<vmem>>) dst(%dma_wait3A_112 : memref<10240x128xf32, #tpu.memory_space<vmem_shared>>)
      %dma_wait3A_113 = arith.constant 1 : i32
      %dma_wait3A_114 = arith.constant 0 : i32
      %dma_wait3A_115 = arith.constant 0 : i32
      %dma_wait3A_116 = arith.constant 0 : i32
      %dma_wait3A_117 = tpu.memref_slice %arg9[%dma_wait3A_113, %dma_wait3A_115, %dma_wait3A_116] : memref<2x128x128xf32, #tpu.memory_space<vmem>> -> memref<1x128x128xf32, #tpu.memory_space<vmem>>
      %dma_wait3A_118 = tpu.memref_squeeze %dma_wait3A_117 : memref<1x128x128xf32, #tpu.memory_space<vmem>> -> memref<128x128xf32, #tpu.memory_space<vmem>>
      %dma_wait3A_119 = arith.constant 0 : i32
      %dma_wait3A_120 = tpu.memref_slice %arg8[%dma_wait3A_114, %dma_wait3A_119] : memref<8x128xi32, #tpu.memory_space<vmem>> -> memref<1x128xi32, #tpu.memory_space<vmem>>
      %dma_wait3A_121 = tpu.memref_squeeze %dma_wait3A_120 : memref<1x128xi32, #tpu.memory_space<vmem>> -> memref<128xi32, #tpu.memory_space<vmem>>
      %dma_wait3A_122 = arith.constant 0 : i32
      %dma_wait3A_123 = arith.constant 0 : i32
      %dma_wait3A_124 = tpu.memref_slice %arg10[%dma_wait3A_122, %dma_wait3A_123] : memref<10240x128xf32, #tpu.memory_space<vmem_shared>> -> memref<10240x128xf32, #tpu.memory_space<vmem_shared>>
      tpu.wait_indirect_dma semaphore(%arg14 : memref<!tpu.dma_semaphore, #tpu.memory_space<semaphore_mem>>) src(%dma_wait3A_118 : memref<128x128xf32, #tpu.memory_space<vmem>>) dst(%dma_wait3A_124 : memref<10240x128xf32, #tpu.memory_space<vmem_shared>>)
      %dma_wait3A_125 = arith.constant 0 : i32
      %dma_wait3A_126 = arith.constant 0 : i32
      %dma_wait3A_127 = tpu.memref_slice %arg8[%dma_wait3A_125, %dma_wait3A_126] : memref<8x128xi32, #tpu.memory_space<vmem>> -> memref<1x128xi32, #tpu.memory_space<vmem>>
      %dma_wait3A_128 = tpu.memref_squeeze %dma_wait3A_127 : memref<1x128xi32, #tpu.memory_space<vmem>> -> memref<128xi32, #tpu.memory_space<vmem>>
      %dma_wait3A_129 = arith.constant 0 : i32
      %dma_wait3A_130 = tpu.memref_slice %arg17[%dma_wait3A_129] : memref<10240xf32, #tpu.memory_space<vmem_shared>> -> memref<10240xf32, #tpu.memory_space<vmem_shared>>
      tpu.wait_indirect_dma semaphore(%arg18 : memref<!tpu.dma_semaphore, #tpu.memory_space<semaphore_mem>>) src(%arg15 : memref<128xf32, #tpu.memory_space<vmem>>) dst(%dma_wait3A_130 : memref<10240xf32, #tpu.memory_space<vmem_shared>>)
      %while3A_131 = arith.constant 0 : i32
      scf.yield %while3A_131 : i32
    }
    %while3A_65 = arith.constant 1 : i32
    %while3A_66 = scf.for %while3A_79 = %while3A_62 to %while3A_58 step %while3A_65 iter_args(%while3A_80 = %while3A_64) -> (i32)  : i32 {
      %mul3A_81 = arith.constant 8 : i32
      %mul3A_82 = arith.muli %while3A_79, %mul3A_81 : i32
      %add3A_83 = arith.addi %add3A, %mul3A_82 : i32
      "tpu.region"() ({
        %run_scoped3A = tpu.sem_alloc : memref<!tpu.dma_semaphore, #tpu.memory_space<semaphore_mem>>
        %dma_start3A_132 = arith.constant 0 : i32
        %dma_start3A_133 = tpu.memref_slice %arg2[%add3A_83, %dma_start3A_132] : memref<2560x128xi32, #tpu.memory_space<hbm>> -> memref<8x128xi32, #tpu.memory_space<hbm>>
        %dma_start3A_134 = arith.constant 0 : i32
        %dma_start3A_135 = tpu.memref_slice %arg2[%add3A_83, %dma_start3A_134] : memref<2560x128xi32, #tpu.memory_space<hbm>> -> memref<8x128xi32, #tpu.memory_space<hbm>>
        tpu.enqueue_dma source(%dma_start3A_135 : memref<8x128xi32, #tpu.memory_space<hbm>>) target(%arg7 : memref<8x128xi32, #tpu.memory_space<vmem>>) target_semaphore(%run_scoped3A : memref<!tpu.dma_semaphore, #tpu.memory_space<semaphore_mem>>)
        %dma_wait3A_136 = arith.constant 0 : i32
        %dma_wait3A_137 = tpu.memref_slice %arg2[%add3A_83, %dma_wait3A_136] : memref<2560x128xi32, #tpu.memory_space<hbm>> -> memref<8x128xi32, #tpu.memory_space<hbm>>
        %dma_wait3A_138 = arith.constant 0 : i32
        %dma_wait3A_139 = tpu.memref_slice %arg2[%add3A_83, %dma_wait3A_138] : memref<2560x128xi32, #tpu.memory_space<hbm>> -> memref<8x128xi32, #tpu.memory_space<hbm>>
        tpu.wait_dma2 semaphore(%run_scoped3A : memref<!tpu.dma_semaphore, #tpu.memory_space<semaphore_mem>>) src(%dma_wait3A_139 : memref<8x128xi32, #tpu.memory_space<hbm>>) dst(%arg7 : memref<8x128xi32, #tpu.memory_space<vmem>>)
        tpu.yield
      }) : () -> ()
      "tpu.region"() ({
        %run_scoped3A = tpu.sem_alloc : memref<!tpu.dma_semaphore, #tpu.memory_space<semaphore_mem>>
        %dma_start3A_132 = arith.constant 0 : i32
        %dma_start3A_133 = tpu.memref_slice %arg3[%add3A_83, %dma_start3A_132] : memref<2560x128xi32, #tpu.memory_space<hbm>> -> memref<8x128xi32, #tpu.memory_space<hbm>>
        %dma_start3A_134 = arith.constant 0 : i32
        %dma_start3A_135 = tpu.memref_slice %arg3[%add3A_83, %dma_start3A_134] : memref<2560x128xi32, #tpu.memory_space<hbm>> -> memref<8x128xi32, #tpu.memory_space<hbm>>
        tpu.enqueue_dma source(%dma_start3A_135 : memref<8x128xi32, #tpu.memory_space<hbm>>) target(%arg8 : memref<8x128xi32, #tpu.memory_space<vmem>>) target_semaphore(%run_scoped3A : memref<!tpu.dma_semaphore, #tpu.memory_space<semaphore_mem>>)
        %dma_wait3A_136 = arith.constant 0 : i32
        %dma_wait3A_137 = tpu.memref_slice %arg3[%add3A_83, %dma_wait3A_136] : memref<2560x128xi32, #tpu.memory_space<hbm>> -> memref<8x128xi32, #tpu.memory_space<hbm>>
        %dma_wait3A_138 = arith.constant 0 : i32
        %dma_wait3A_139 = tpu.memref_slice %arg3[%add3A_83, %dma_wait3A_138] : memref<2560x128xi32, #tpu.memory_space<hbm>> -> memref<8x128xi32, #tpu.memory_space<hbm>>
        tpu.wait_dma2 semaphore(%run_scoped3A : memref<!tpu.dma_semaphore, #tpu.memory_space<semaphore_mem>>) src(%dma_wait3A_139 : memref<8x128xi32, #tpu.memory_space<hbm>>) dst(%arg8 : memref<8x128xi32, #tpu.memory_space<vmem>>)
        tpu.yield
      }) : () -> ()
      %dma_start3A = arith.constant 0 : i32
      %dma_start3A_84 = arith.constant 0 : i32
      %dma_start3A_85 = arith.constant 0 : i32
      %dma_start3A_86 = arith.constant 0 : i32
      %dma_start3A_87 = tpu.memref_slice %arg9[%dma_start3A_84, %dma_start3A_85, %dma_start3A_86] : memref<2x128x128xf32, #tpu.memory_space<vmem>> -> memref<1x128x128xf32, #tpu.memory_space<vmem>>
      %dma_start3A_88 = tpu.memref_squeeze %dma_start3A_87 : memref<1x128x128xf32, #tpu.memory_space<vmem>> -> memref<128x128xf32, #tpu.memory_space<vmem>>
      %dma_start3A_89 = arith.constant 0 : i32
      %dma_start3A_90 = tpu.memref_slice %arg7[%dma_start3A, %dma_start3A_89] : memref<8x128xi32, #tpu.memory_space<vmem>> -> memref<1x128xi32, #tpu.memory_space<vmem>>
      %dma_start3A_91 = tpu.memref_squeeze %dma_start3A_90 : memref<1x128xi32, #tpu.memory_space<vmem>> -> memref<128xi32, #tpu.memory_space<vmem>>
      %dma_start3A_92 = arith.constant 0 : i32
      %dma_start3A_93 = arith.constant 0 : i32
      %dma_start3A_94 = tpu.memref_slice %arg4[%dma_start3A_92, %dma_start3A_93] : memref<10000x128xf32, #tpu.memory_space<hbm>> -> memref<10000x128xf32, #tpu.memory_space<hbm>>
      tpu.enqueue_indirect_dma source(%dma_start3A_94 : memref<10000x128xf32, #tpu.memory_space<hbm>>) target(%dma_start3A_88 : memref<128x128xf32, #tpu.memory_space<vmem>>) offsets(%dma_start3A_91 : memref<128xi32, #tpu.memory_space<vmem>>) semaphore(%arg11 : memref<!tpu.dma_semaphore, #tpu.memory_space<semaphore_mem>>)
      %scan3A_95 = arith.constant 0 : i32
      %scan3A_96 = arith.constant 0 : i32
      %scan3A_97 = arith.constant 4 : i32
      %scan3A_98 = arith.addi %scan3A_96, %scan3A_97 : i32
      %scan3A_99 = arith.constant 1 : i32
      %scan3A_100 = scf.for %scan3A_132 = %scan3A_96 to %scan3A_98 step %scan3A_99 iter_args(%scan3A_133 = %scan3A_95) -> (i32)  : i32 {
        %mul3A_134 = arith.constant 2 : i32
        %mul3A_135 = arith.muli %scan3A_132, %mul3A_134 : i32
        %add3A_136 = arith.constant 0 : i32
        %add3A_137 = arith.addi %mul3A_135, %add3A_136 : i32
        %add3A_138 = arith.constant 1 : i32
        %add3A_139 = arith.addi %add3A_137, %add3A_138 : i32
        %lt3A = arith.constant 8 : i32
        %lt3A_140 = arith.cmpi slt, %add3A_139, %lt3A : i32
        %convert_element_type3A = arith.extui %lt3A_140 : i1 to i32
        %cond3A = arith.constant 0 : i32
        %cond3A_141 = arith.cmpi ne, %convert_element_type3A, %cond3A : i32
        scf.if %cond3A_141 {
          %ge3A_217 = arith.constant 1 : i32
          %ge3A_218 = arith.cmpi sge, %scan3A_132, %ge3A_217 : i32
          %convert_element_type3A_219 = arith.extui %ge3A_218 : i1 to i32
          %cond3A_220 = arith.constant 0 : i32
          %cond3A_221 = arith.cmpi ne, %convert_element_type3A_219, %cond3A_220 : i32
          scf.if %cond3A_221 {
            %dma_wait3A_233 = arith.constant 1 : i32
            %dma_wait3A_234 = arith.constant 0 : i32
            %dma_wait3A_235 = arith.constant 0 : i32
            %dma_wait3A_236 = arith.constant 0 : i32
            %dma_wait3A_237 = tpu.memref_slice %arg9[%dma_wait3A_233, %dma_wait3A_235, %dma_wait3A_236] : memref<2x128x128xf32, #tpu.memory_space<vmem>> -> memref<1x128x128xf32, #tpu.memory_space<vmem>>
            %dma_wait3A_238 = tpu.memref_squeeze %dma_wait3A_237 : memref<1x128x128xf32, #tpu.memory_space<vmem>> -> memref<128x128xf32, #tpu.memory_space<vmem>>
            %dma_wait3A_239 = arith.constant 0 : i32
            %dma_wait3A_240 = tpu.memref_slice %arg8[%dma_wait3A_234, %dma_wait3A_239] : memref<8x128xi32, #tpu.memory_space<vmem>> -> memref<1x128xi32, #tpu.memory_space<vmem>>
            %dma_wait3A_241 = tpu.memref_squeeze %dma_wait3A_240 : memref<1x128xi32, #tpu.memory_space<vmem>> -> memref<128xi32, #tpu.memory_space<vmem>>
            %dma_wait3A_242 = arith.constant 0 : i32
            %dma_wait3A_243 = arith.constant 0 : i32
            %dma_wait3A_244 = tpu.memref_slice %arg10[%dma_wait3A_242, %dma_wait3A_243] : memref<10240x128xf32, #tpu.memory_space<vmem_shared>> -> memref<10240x128xf32, #tpu.memory_space<vmem_shared>>
            tpu.wait_indirect_dma semaphore(%arg14 : memref<!tpu.dma_semaphore, #tpu.memory_space<semaphore_mem>>) src(%dma_wait3A_238 : memref<128x128xf32, #tpu.memory_space<vmem>>) dst(%dma_wait3A_244 : memref<10240x128xf32, #tpu.memory_space<vmem_shared>>)
          } else {
          }
          %dma_start3A_222 = arith.constant 1 : i32
          %dma_start3A_223 = arith.constant 0 : i32
          %dma_start3A_224 = arith.constant 0 : i32
          %dma_start3A_225 = tpu.memref_slice %arg9[%dma_start3A_222, %dma_start3A_223, %dma_start3A_224] : memref<2x128x128xf32, #tpu.memory_space<vmem>> -> memref<1x128x128xf32, #tpu.memory_space<vmem>>
          %dma_start3A_226 = tpu.memref_squeeze %dma_start3A_225 : memref<1x128x128xf32, #tpu.memory_space<vmem>> -> memref<128x128xf32, #tpu.memory_space<vmem>>
          %dma_start3A_227 = arith.constant 0 : i32
          %dma_start3A_228 = tpu.memref_slice %arg7[%add3A_139, %dma_start3A_227] : memref<8x128xi32, #tpu.memory_space<vmem>> -> memref<1x128xi32, #tpu.memory_space<vmem>>
          %dma_start3A_229 = tpu.memref_squeeze %dma_start3A_228 : memref<1x128xi32, #tpu.memory_space<vmem>> -> memref<128xi32, #tpu.memory_space<vmem>>
          %dma_start3A_230 = arith.constant 0 : i32
          %dma_start3A_231 = arith.constant 0 : i32
          %dma_start3A_232 = tpu.memref_slice %arg4[%dma_start3A_230, %dma_start3A_231] : memref<10000x128xf32, #tpu.memory_space<hbm>> -> memref<10000x128xf32, #tpu.memory_space<hbm>>
          tpu.enqueue_indirect_dma source(%dma_start3A_232 : memref<10000x128xf32, #tpu.memory_space<hbm>>) target(%dma_start3A_226 : memref<128x128xf32, #tpu.memory_space<vmem>>) offsets(%dma_start3A_229 : memref<128xi32, #tpu.memory_space<vmem>>) semaphore(%arg12 : memref<!tpu.dma_semaphore, #tpu.memory_space<semaphore_mem>>)
        } else {
        }
        %dma_wait3A_142 = arith.constant 0 : i32
        %dma_wait3A_143 = arith.constant 0 : i32
        %dma_wait3A_144 = arith.constant 0 : i32
        %dma_wait3A_145 = tpu.memref_slice %arg9[%dma_wait3A_142, %dma_wait3A_143, %dma_wait3A_144] : memref<2x128x128xf32, #tpu.memory_space<vmem>> -> memref<1x128x128xf32, #tpu.memory_space<vmem>>
        %dma_wait3A_146 = tpu.memref_squeeze %dma_wait3A_145 : memref<1x128x128xf32, #tpu.memory_space<vmem>> -> memref<128x128xf32, #tpu.memory_space<vmem>>
        %dma_wait3A_147 = arith.constant 0 : i32
        %dma_wait3A_148 = tpu.memref_slice %arg7[%add3A_137, %dma_wait3A_147] : memref<8x128xi32, #tpu.memory_space<vmem>> -> memref<1x128xi32, #tpu.memory_space<vmem>>
        %dma_wait3A_149 = tpu.memref_squeeze %dma_wait3A_148 : memref<1x128xi32, #tpu.memory_space<vmem>> -> memref<128xi32, #tpu.memory_space<vmem>>
        %dma_wait3A_150 = arith.constant 0 : i32
        %dma_wait3A_151 = arith.constant 0 : i32
        %dma_wait3A_152 = tpu.memref_slice %arg4[%dma_wait3A_150, %dma_wait3A_151] : memref<10000x128xf32, #tpu.memory_space<hbm>> -> memref<10000x128xf32, #tpu.memory_space<hbm>>
        tpu.wait_indirect_dma semaphore(%arg11 : memref<!tpu.dma_semaphore, #tpu.memory_space<semaphore_mem>>) src(%dma_wait3A_152 : memref<10000x128xf32, #tpu.memory_space<hbm>>) dst(%dma_wait3A_146 : memref<128x128xf32, #tpu.memory_space<vmem>>)
        %dma_start3A_153 = arith.constant 0 : i32
        %dma_start3A_154 = arith.constant 0 : i32
        %dma_start3A_155 = arith.constant 0 : i32
        %dma_start3A_156 = tpu.memref_slice %arg9[%dma_start3A_153, %dma_start3A_154, %dma_start3A_155] : memref<2x128x128xf32, #tpu.memory_space<vmem>> -> memref<1x128x128xf32, #tpu.memory_space<vmem>>
        %dma_start3A_157 = tpu.memref_squeeze %dma_start3A_156 : memref<1x128x128xf32, #tpu.memory_space<vmem>> -> memref<128x128xf32, #tpu.memory_space<vmem>>
        %dma_start3A_158 = arith.constant 0 : i32
        %dma_start3A_159 = tpu.memref_slice %arg8[%add3A_137, %dma_start3A_158] : memref<8x128xi32, #tpu.memory_space<vmem>> -> memref<1x128xi32, #tpu.memory_space<vmem>>
        %dma_start3A_160 = tpu.memref_squeeze %dma_start3A_159 : memref<1x128xi32, #tpu.memory_space<vmem>> -> memref<128xi32, #tpu.memory_space<vmem>>
        %dma_start3A_161 = arith.constant 0 : i32
        %dma_start3A_162 = arith.constant 0 : i32
        %dma_start3A_163 = tpu.memref_slice %arg10[%dma_start3A_161, %dma_start3A_162] : memref<10240x128xf32, #tpu.memory_space<vmem_shared>> -> memref<10240x128xf32, #tpu.memory_space<vmem_shared>>
        tpu.enqueue_indirect_dma source(%dma_start3A_157 : memref<128x128xf32, #tpu.memory_space<vmem>>) target(%dma_start3A_163 : memref<10240x128xf32, #tpu.memory_space<vmem_shared>>) offsets(%dma_start3A_160 : memref<128xi32, #tpu.memory_space<vmem>>) semaphore(%arg13 : memref<!tpu.dma_semaphore, #tpu.memory_space<semaphore_mem>>) {add = true}
        %ge3A = arith.constant 1 : i32
        %ge3A_164 = arith.cmpi sge, %add3A_137, %ge3A : i32
        %convert_element_type3A_165 = arith.extui %ge3A_164 : i1 to i32
        %cond3A_166 = arith.constant 0 : i32
        %cond3A_167 = arith.cmpi ne, %convert_element_type3A_165, %cond3A_166 : i32
        scf.if %cond3A_167 {
          %dma_wait3A_217 = arith.constant 0 : i32
          %dma_wait3A_218 = arith.constant 0 : i32
          %dma_wait3A_219 = tpu.memref_slice %arg8[%dma_wait3A_217, %dma_wait3A_218] : memref<8x128xi32, #tpu.memory_space<vmem>> -> memref<1x128xi32, #tpu.memory_space<vmem>>
          %dma_wait3A_220 = tpu.memref_squeeze %dma_wait3A_219 : memref<1x128xi32, #tpu.memory_space<vmem>> -> memref<128xi32, #tpu.memory_space<vmem>>
          %dma_wait3A_221 = arith.constant 0 : i32
          %dma_wait3A_222 = tpu.memref_slice %arg17[%dma_wait3A_221] : memref<10240xf32, #tpu.memory_space<vmem_shared>> -> memref<10240xf32, #tpu.memory_space<vmem_shared>>
          tpu.wait_indirect_dma semaphore(%arg18 : memref<!tpu.dma_semaphore, #tpu.memory_space<semaphore_mem>>) src(%arg15 : memref<128xf32, #tpu.memory_space<vmem>>) dst(%dma_wait3A_222 : memref<10240xf32, #tpu.memory_space<vmem_shared>>)
        } else {
        }
        %dma_start3A_168 = arith.constant 0 : i32
        %dma_start3A_169 = tpu.memref_slice %arg8[%add3A_137, %dma_start3A_168] : memref<8x128xi32, #tpu.memory_space<vmem>> -> memref<1x128xi32, #tpu.memory_space<vmem>>
        %dma_start3A_170 = tpu.memref_squeeze %dma_start3A_169 : memref<1x128xi32, #tpu.memory_space<vmem>> -> memref<128xi32, #tpu.memory_space<vmem>>
        %dma_start3A_171 = arith.constant 0 : i32
        %dma_start3A_172 = tpu.memref_slice %arg17[%dma_start3A_171] : memref<10240xf32, #tpu.memory_space<vmem_shared>> -> memref<10240xf32, #tpu.memory_space<vmem_shared>>
        tpu.enqueue_indirect_dma source(%arg15 : memref<128xf32, #tpu.memory_space<vmem>>) target(%dma_start3A_172 : memref<10240xf32, #tpu.memory_space<vmem_shared>>) offsets(%dma_start3A_170 : memref<128xi32, #tpu.memory_space<vmem>>) semaphore(%arg18 : memref<!tpu.dma_semaphore, #tpu.memory_space<semaphore_mem>>) {add = true}
        %mul3A_173 = arith.constant 2 : i32
        %mul3A_174 = arith.muli %scan3A_132, %mul3A_173 : i32
        %add3A_175 = arith.constant 1 : i32
        %add3A_176 = arith.addi %mul3A_174, %add3A_175 : i32
        %add3A_177 = arith.constant 1 : i32
        %add3A_178 = arith.addi %add3A_176, %add3A_177 : i32
        %lt3A_179 = arith.constant 8 : i32
        %lt3A_180 = arith.cmpi slt, %add3A_178, %lt3A_179 : i32
        %convert_element_type3A_181 = arith.extui %lt3A_180 : i1 to i32
        %cond3A_182 = arith.constant 0 : i32
        %cond3A_183 = arith.cmpi ne, %convert_element_type3A_181, %cond3A_182 : i32
        scf.if %cond3A_183 {
          %dma_wait3A_217 = arith.constant 0 : i32
          %dma_wait3A_218 = arith.constant 0 : i32
          %dma_wait3A_219 = arith.constant 0 : i32
          %dma_wait3A_220 = arith.constant 0 : i32
          %dma_wait3A_221 = tpu.memref_slice %arg9[%dma_wait3A_217, %dma_wait3A_219, %dma_wait3A_220] : memref<2x128x128xf32, #tpu.memory_space<vmem>> -> memref<1x128x128xf32, #tpu.memory_space<vmem>>
          %dma_wait3A_222 = tpu.memref_squeeze %dma_wait3A_221 : memref<1x128x128xf32, #tpu.memory_space<vmem>> -> memref<128x128xf32, #tpu.memory_space<vmem>>
          %dma_wait3A_223 = arith.constant 0 : i32
          %dma_wait3A_224 = tpu.memref_slice %arg8[%dma_wait3A_218, %dma_wait3A_223] : memref<8x128xi32, #tpu.memory_space<vmem>> -> memref<1x128xi32, #tpu.memory_space<vmem>>
          %dma_wait3A_225 = tpu.memref_squeeze %dma_wait3A_224 : memref<1x128xi32, #tpu.memory_space<vmem>> -> memref<128xi32, #tpu.memory_space<vmem>>
          %dma_wait3A_226 = arith.constant 0 : i32
          %dma_wait3A_227 = arith.constant 0 : i32
          %dma_wait3A_228 = tpu.memref_slice %arg10[%dma_wait3A_226, %dma_wait3A_227] : memref<10240x128xf32, #tpu.memory_space<vmem_shared>> -> memref<10240x128xf32, #tpu.memory_space<vmem_shared>>
          tpu.wait_indirect_dma semaphore(%arg13 : memref<!tpu.dma_semaphore, #tpu.memory_space<semaphore_mem>>) src(%dma_wait3A_222 : memref<128x128xf32, #tpu.memory_space<vmem>>) dst(%dma_wait3A_228 : memref<10240x128xf32, #tpu.memory_space<vmem_shared>>)
          %dma_start3A_229 = arith.constant 0 : i32
          %dma_start3A_230 = arith.constant 0 : i32
          %dma_start3A_231 = arith.constant 0 : i32
          %dma_start3A_232 = tpu.memref_slice %arg9[%dma_start3A_229, %dma_start3A_230, %dma_start3A_231] : memref<2x128x128xf32, #tpu.memory_space<vmem>> -> memref<1x128x128xf32, #tpu.memory_space<vmem>>
          %dma_start3A_233 = tpu.memref_squeeze %dma_start3A_232 : memref<1x128x128xf32, #tpu.memory_space<vmem>> -> memref<128x128xf32, #tpu.memory_space<vmem>>
          %dma_start3A_234 = arith.constant 0 : i32
          %dma_start3A_235 = tpu.memref_slice %arg7[%add3A_178, %dma_start3A_234] : memref<8x128xi32, #tpu.memory_space<vmem>> -> memref<1x128xi32, #tpu.memory_space<vmem>>
          %dma_start3A_236 = tpu.memref_squeeze %dma_start3A_235 : memref<1x128xi32, #tpu.memory_space<vmem>> -> memref<128xi32, #tpu.memory_space<vmem>>
          %dma_start3A_237 = arith.constant 0 : i32
          %dma_start3A_238 = arith.constant 0 : i32
          %dma_start3A_239 = tpu.memref_slice %arg4[%dma_start3A_237, %dma_start3A_238] : memref<10000x128xf32, #tpu.memory_space<hbm>> -> memref<10000x128xf32, #tpu.memory_space<hbm>>
          tpu.enqueue_indirect_dma source(%dma_start3A_239 : memref<10000x128xf32, #tpu.memory_space<hbm>>) target(%dma_start3A_233 : memref<128x128xf32, #tpu.memory_space<vmem>>) offsets(%dma_start3A_236 : memref<128xi32, #tpu.memory_space<vmem>>) semaphore(%arg11 : memref<!tpu.dma_semaphore, #tpu.memory_space<semaphore_mem>>)
        } else {
        }
        %dma_wait3A_184 = arith.constant 1 : i32
        %dma_wait3A_185 = arith.constant 0 : i32
        %dma_wait3A_186 = arith.constant 0 : i32
        %dma_wait3A_187 = tpu.memref_slice %arg9[%dma_wait3A_184, %dma_wait3A_185, %dma_wait3A_186] : memref<2x128x128xf32, #tpu.memory_space<vmem>> -> memref<1x128x128xf32, #tpu.memory_space<vmem>>
        %dma_wait3A_188 = tpu.memref_squeeze %dma_wait3A_187 : memref<1x128x128xf32, #tpu.memory_space<vmem>> -> memref<128x128xf32, #tpu.memory_space<vmem>>
        %dma_wait3A_189 = arith.constant 0 : i32
        %dma_wait3A_190 = tpu.memref_slice %arg7[%add3A_176, %dma_wait3A_189] : memref<8x128xi32, #tpu.memory_space<vmem>> -> memref<1x128xi32, #tpu.memory_space<vmem>>
        %dma_wait3A_191 = tpu.memref_squeeze %dma_wait3A_190 : memref<1x128xi32, #tpu.memory_space<vmem>> -> memref<128xi32, #tpu.memory_space<vmem>>
        %dma_wait3A_192 = arith.constant 0 : i32
        %dma_wait3A_193 = arith.constant 0 : i32
        %dma_wait3A_194 = tpu.memref_slice %arg4[%dma_wait3A_192, %dma_wait3A_193] : memref<10000x128xf32, #tpu.memory_space<hbm>> -> memref<10000x128xf32, #tpu.memory_space<hbm>>
        tpu.wait_indirect_dma semaphore(%arg12 : memref<!tpu.dma_semaphore, #tpu.memory_space<semaphore_mem>>) src(%dma_wait3A_194 : memref<10000x128xf32, #tpu.memory_space<hbm>>) dst(%dma_wait3A_188 : memref<128x128xf32, #tpu.memory_space<vmem>>)
        %dma_start3A_195 = arith.constant 1 : i32
        %dma_start3A_196 = arith.constant 0 : i32
        %dma_start3A_197 = arith.constant 0 : i32
        %dma_start3A_198 = tpu.memref_slice %arg9[%dma_start3A_195, %dma_start3A_196, %dma_start3A_197] : memref<2x128x128xf32, #tpu.memory_space<vmem>> -> memref<1x128x128xf32, #tpu.memory_space<vmem>>
        %dma_start3A_199 = tpu.memref_squeeze %dma_start3A_198 : memref<1x128x128xf32, #tpu.memory_space<vmem>> -> memref<128x128xf32, #tpu.memory_space<vmem>>
        %dma_start3A_200 = arith.constant 0 : i32
        %dma_start3A_201 = tpu.memref_slice %arg8[%add3A_176, %dma_start3A_200] : memref<8x128xi32, #tpu.memory_space<vmem>> -> memref<1x128xi32, #tpu.memory_space<vmem>>
        %dma_start3A_202 = tpu.memref_squeeze %dma_start3A_201 : memref<1x128xi32, #tpu.memory_space<vmem>> -> memref<128xi32, #tpu.memory_space<vmem>>
        %dma_start3A_203 = arith.constant 0 : i32
        %dma_start3A_204 = arith.constant 0 : i32
        %dma_start3A_205 = tpu.memref_slice %arg10[%dma_start3A_203, %dma_start3A_204] : memref<10240x128xf32, #tpu.memory_space<vmem_shared>> -> memref<10240x128xf32, #tpu.memory_space<vmem_shared>>
        tpu.enqueue_indirect_dma source(%dma_start3A_199 : memref<128x128xf32, #tpu.memory_space<vmem>>) target(%dma_start3A_205 : memref<10240x128xf32, #tpu.memory_space<vmem_shared>>) offsets(%dma_start3A_202 : memref<128xi32, #tpu.memory_space<vmem>>) semaphore(%arg14 : memref<!tpu.dma_semaphore, #tpu.memory_space<semaphore_mem>>) {add = true}
        %ge3A_206 = arith.constant 1 : i32
        %ge3A_207 = arith.cmpi sge, %add3A_176, %ge3A_206 : i32
        %convert_element_type3A_208 = arith.extui %ge3A_207 : i1 to i32
        %cond3A_209 = arith.constant 0 : i32
        %cond3A_210 = arith.cmpi ne, %convert_element_type3A_208, %cond3A_209 : i32
        scf.if %cond3A_210 {
          %dma_wait3A_217 = arith.constant 0 : i32
          %dma_wait3A_218 = arith.constant 0 : i32
          %dma_wait3A_219 = tpu.memref_slice %arg8[%dma_wait3A_217, %dma_wait3A_218] : memref<8x128xi32, #tpu.memory_space<vmem>> -> memref<1x128xi32, #tpu.memory_space<vmem>>
          %dma_wait3A_220 = tpu.memref_squeeze %dma_wait3A_219 : memref<1x128xi32, #tpu.memory_space<vmem>> -> memref<128xi32, #tpu.memory_space<vmem>>
          %dma_wait3A_221 = arith.constant 0 : i32
          %dma_wait3A_222 = tpu.memref_slice %arg17[%dma_wait3A_221] : memref<10240xf32, #tpu.memory_space<vmem_shared>> -> memref<10240xf32, #tpu.memory_space<vmem_shared>>
          tpu.wait_indirect_dma semaphore(%arg18 : memref<!tpu.dma_semaphore, #tpu.memory_space<semaphore_mem>>) src(%arg15 : memref<128xf32, #tpu.memory_space<vmem>>) dst(%dma_wait3A_222 : memref<10240xf32, #tpu.memory_space<vmem_shared>>)
        } else {
        }
        %dma_start3A_211 = arith.constant 0 : i32
        %dma_start3A_212 = tpu.memref_slice %arg8[%add3A_176, %dma_start3A_211] : memref<8x128xi32, #tpu.memory_space<vmem>> -> memref<1x128xi32, #tpu.memory_space<vmem>>
        %dma_start3A_213 = tpu.memref_squeeze %dma_start3A_212 : memref<1x128xi32, #tpu.memory_space<vmem>> -> memref<128xi32, #tpu.memory_space<vmem>>
        %dma_start3A_214 = arith.constant 0 : i32
        %dma_start3A_215 = tpu.memref_slice %arg17[%dma_start3A_214] : memref<10240xf32, #tpu.memory_space<vmem_shared>> -> memref<10240xf32, #tpu.memory_space<vmem_shared>>
        tpu.enqueue_indirect_dma source(%arg15 : memref<128xf32, #tpu.memory_space<vmem>>) target(%dma_start3A_215 : memref<10240xf32, #tpu.memory_space<vmem_shared>>) offsets(%dma_start3A_213 : memref<128xi32, #tpu.memory_space<vmem>>) semaphore(%arg18 : memref<!tpu.dma_semaphore, #tpu.memory_space<semaphore_mem>>) {add = true}
        %scan3A_216 = arith.constant 0 : i32
        scf.yield %scan3A_216 : i32
      }
      %scan3A_101 = arith.constant 4 : i32
      %dma_wait3A = arith.constant 0 : i32
      %dma_wait3A_102 = arith.constant 0 : i32
      %dma_wait3A_103 = arith.constant 0 : i32
      %dma_wait3A_104 = arith.constant 0 : i32
      %dma_wait3A_105 = tpu.memref_slice %arg9[%dma_wait3A, %dma_wait3A_103, %dma_wait3A_104] : memref<2x128x128xf32, #tpu.memory_space<vmem>> -> memref<1x128x128xf32, #tpu.memory_space<vmem>>
      %dma_wait3A_106 = tpu.memref_squeeze %dma_wait3A_105 : memref<1x128x128xf32, #tpu.memory_space<vmem>> -> memref<128x128xf32, #tpu.memory_space<vmem>>
      %dma_wait3A_107 = arith.constant 0 : i32
      %dma_wait3A_108 = tpu.memref_slice %arg8[%dma_wait3A_102, %dma_wait3A_107] : memref<8x128xi32, #tpu.memory_space<vmem>> -> memref<1x128xi32, #tpu.memory_space<vmem>>
      %dma_wait3A_109 = tpu.memref_squeeze %dma_wait3A_108 : memref<1x128xi32, #tpu.memory_space<vmem>> -> memref<128xi32, #tpu.memory_space<vmem>>
      %dma_wait3A_110 = arith.constant 0 : i32
      %dma_wait3A_111 = arith.constant 0 : i32
      %dma_wait3A_112 = tpu.memref_slice %arg10[%dma_wait3A_110, %dma_wait3A_111] : memref<10240x128xf32, #tpu.memory_space<vmem_shared>> -> memref<10240x128xf32, #tpu.memory_space<vmem_shared>>
      tpu.wait_indirect_dma semaphore(%arg13 : memref<!tpu.dma_semaphore, #tpu.memory_space<semaphore_mem>>) src(%dma_wait3A_106 : memref<128x128xf32, #tpu.memory_space<vmem>>) dst(%dma_wait3A_112 : memref<10240x128xf32, #tpu.memory_space<vmem_shared>>)
      %dma_wait3A_113 = arith.constant 1 : i32
      %dma_wait3A_114 = arith.constant 0 : i32
      %dma_wait3A_115 = arith.constant 0 : i32
      %dma_wait3A_116 = arith.constant 0 : i32
      %dma_wait3A_117 = tpu.memref_slice %arg9[%dma_wait3A_113, %dma_wait3A_115, %dma_wait3A_116] : memref<2x128x128xf32, #tpu.memory_space<vmem>> -> memref<1x128x128xf32, #tpu.memory_space<vmem>>
      %dma_wait3A_118 = tpu.memref_squeeze %dma_wait3A_117 : memref<1x128x128xf32, #tpu.memory_space<vmem>> -> memref<128x128xf32, #tpu.memory_space<vmem>>
      %dma_wait3A_119 = arith.constant 0 : i32
      %dma_wait3A_120 = tpu.memref_slice %arg8[%dma_wait3A_114, %dma_wait3A_119] : memref<8x128xi32, #tpu.memory_space<vmem>> -> memref<1x128xi32, #tpu.memory_space<vmem>>
      %dma_wait3A_121 = tpu.memref_squeeze %dma_wait3A_120 : memref<1x128xi32, #tpu.memory_space<vmem>> -> memref<128xi32, #tpu.memory_space<vmem>>
      %dma_wait3A_122 = arith.constant 0 : i32
      %dma_wait3A_123 = arith.constant 0 : i32
      %dma_wait3A_124 = tpu.memref_slice %arg10[%dma_wait3A_122, %dma_wait3A_123] : memref<10240x128xf32, #tpu.memory_space<vmem_shared>> -> memref<10240x128xf32, #tpu.memory_space<vmem_shared>>
      tpu.wait_indirect_dma semaphore(%arg14 : memref<!tpu.dma_semaphore, #tpu.memory_space<semaphore_mem>>) src(%dma_wait3A_118 : memref<128x128xf32, #tpu.memory_space<vmem>>) dst(%dma_wait3A_124 : memref<10240x128xf32, #tpu.memory_space<vmem_shared>>)
      %dma_wait3A_125 = arith.constant 0 : i32
      %dma_wait3A_126 = arith.constant 0 : i32
      %dma_wait3A_127 = tpu.memref_slice %arg8[%dma_wait3A_125, %dma_wait3A_126] : memref<8x128xi32, #tpu.memory_space<vmem>> -> memref<1x128xi32, #tpu.memory_space<vmem>>
      %dma_wait3A_128 = tpu.memref_squeeze %dma_wait3A_127 : memref<1x128xi32, #tpu.memory_space<vmem>> -> memref<128xi32, #tpu.memory_space<vmem>>
      %dma_wait3A_129 = arith.constant 0 : i32
      %dma_wait3A_130 = tpu.memref_slice %arg17[%dma_wait3A_129] : memref<10240xf32, #tpu.memory_space<vmem_shared>> -> memref<10240xf32, #tpu.memory_space<vmem_shared>>
      tpu.wait_indirect_dma semaphore(%arg18 : memref<!tpu.dma_semaphore, #tpu.memory_space<semaphore_mem>>) src(%arg15 : memref<128xf32, #tpu.memory_space<vmem>>) dst(%dma_wait3A_130 : memref<10240xf32, #tpu.memory_space<vmem_shared>>)
      %while3A_131 = arith.constant 0 : i32
      scf.yield %while3A_131 : i32
    }
    %barrier3A_67 = arith.constant 0 : index
    tpu.barrier barrier_id(%barrier3A_67)
    %scan3A_68 = arith.constant 0 : i32
    %scan3A_69 = arith.constant 0 : i32
    %scan3A_70 = arith.constant 0 : i32
    %scan3A_71 = arith.constant 5 : i32
    %scan3A_72 = arith.addi %scan3A_70, %scan3A_71 : i32
    %scan3A_73 = arith.constant 1 : i32
    %scan3A_74 = scf.for %scan3A_79 = %scan3A_70 to %scan3A_72 step %scan3A_73 iter_args(%scan3A_80 = %scan3A_69) -> (i32)  : i32 {
      %mul3A_81 = arith.constant 128 : i32
      %mul3A_82 = arith.muli %scan3A_79, %mul3A_81 : i32
      %add3A_83 = arith.addi %mul3A_5, %mul3A_82 : i32
      "tpu.region"() ({
        %run_scoped3A = tpu.sem_alloc : memref<!tpu.dma_semaphore, #tpu.memory_space<semaphore_mem>>
        %dma_start3A = arith.constant 0 : i32
        %dma_start3A_88 = arith.constant 0 : i32
        %dma_start3A_89 = tpu.memref_slice %arg9[%scan3A_68, %dma_start3A, %dma_start3A_88] : memref<2x128x128xf32, #tpu.memory_space<vmem>> -> memref<1x128x128xf32, #tpu.memory_space<vmem>>
        %dma_start3A_90 = tpu.memref_squeeze %dma_start3A_89 : memref<1x128x128xf32, #tpu.memory_space<vmem>> -> memref<128x128xf32, #tpu.memory_space<vmem>>
        %dma_start3A_91 = arith.constant 0 : i32
        %dma_start3A_92 = tpu.memref_slice %arg10[%add3A_83, %dma_start3A_91] : memref<10240x128xf32, #tpu.memory_space<vmem_shared>> -> memref<128x128xf32, #tpu.memory_space<vmem_shared>>
        %dma_start3A_93 = arith.constant 0 : i32
        %dma_start3A_94 = arith.constant 0 : i32
        %dma_start3A_95 = tpu.memref_slice %arg9[%scan3A_68, %dma_start3A_93, %dma_start3A_94] : memref<2x128x128xf32, #tpu.memory_space<vmem>> -> memref<1x128x128xf32, #tpu.memory_space<vmem>>
        %dma_start3A_96 = tpu.memref_squeeze %dma_start3A_95 : memref<1x128x128xf32, #tpu.memory_space<vmem>> -> memref<128x128xf32, #tpu.memory_space<vmem>>
        %dma_start3A_97 = arith.constant 0 : i32
        %dma_start3A_98 = tpu.memref_slice %arg10[%add3A_83, %dma_start3A_97] : memref<10240x128xf32, #tpu.memory_space<vmem_shared>> -> memref<128x128xf32, #tpu.memory_space<vmem_shared>>
        tpu.enqueue_dma source(%dma_start3A_98 : memref<128x128xf32, #tpu.memory_space<vmem_shared>>) target(%dma_start3A_96 : memref<128x128xf32, #tpu.memory_space<vmem>>) target_semaphore(%run_scoped3A : memref<!tpu.dma_semaphore, #tpu.memory_space<semaphore_mem>>)
        %dma_wait3A = arith.constant 0 : i32
        %dma_wait3A_99 = arith.constant 0 : i32
        %dma_wait3A_100 = tpu.memref_slice %arg9[%scan3A_68, %dma_wait3A, %dma_wait3A_99] : memref<2x128x128xf32, #tpu.memory_space<vmem>> -> memref<1x128x128xf32, #tpu.memory_space<vmem>>
        %dma_wait3A_101 = tpu.memref_squeeze %dma_wait3A_100 : memref<1x128x128xf32, #tpu.memory_space<vmem>> -> memref<128x128xf32, #tpu.memory_space<vmem>>
        %dma_wait3A_102 = arith.constant 0 : i32
        %dma_wait3A_103 = tpu.memref_slice %arg10[%add3A_83, %dma_wait3A_102] : memref<10240x128xf32, #tpu.memory_space<vmem_shared>> -> memref<128x128xf32, #tpu.memory_space<vmem_shared>>
        %dma_wait3A_104 = arith.constant 0 : i32
        %dma_wait3A_105 = arith.constant 0 : i32
        %dma_wait3A_106 = tpu.memref_slice %arg9[%scan3A_68, %dma_wait3A_104, %dma_wait3A_105] : memref<2x128x128xf32, #tpu.memory_space<vmem>> -> memref<1x128x128xf32, #tpu.memory_space<vmem>>
        %dma_wait3A_107 = tpu.memref_squeeze %dma_wait3A_106 : memref<1x128x128xf32, #tpu.memory_space<vmem>> -> memref<128x128xf32, #tpu.memory_space<vmem>>
        %dma_wait3A_108 = arith.constant 0 : i32
        %dma_wait3A_109 = tpu.memref_slice %arg10[%add3A_83, %dma_wait3A_108] : memref<10240x128xf32, #tpu.memory_space<vmem_shared>> -> memref<128x128xf32, #tpu.memory_space<vmem_shared>>
        tpu.wait_dma2 semaphore(%run_scoped3A : memref<!tpu.dma_semaphore, #tpu.memory_space<semaphore_mem>>) src(%dma_wait3A_109 : memref<128x128xf32, #tpu.memory_space<vmem_shared>>) dst(%dma_wait3A_107 : memref<128x128xf32, #tpu.memory_space<vmem>>)
        tpu.yield
      }) : () -> ()
      %mul3A_84 = arith.constant 128 : i32
      %mul3A_85 = arith.muli %scan3A_79, %mul3A_84 : i32
      %add3A_86 = arith.addi %mul3A_5, %mul3A_85 : i32
      "tpu.region"() ({
        %run_scoped3A = tpu.sem_alloc : memref<!tpu.dma_semaphore, #tpu.memory_space<semaphore_mem>>
        %dma_start3A = arith.constant 0 : i32
        %dma_start3A_88 = arith.constant 0 : i32
        %dma_start3A_89 = tpu.memref_slice %arg9[%scan3A_68, %dma_start3A, %dma_start3A_88] : memref<2x128x128xf32, #tpu.memory_space<vmem>> -> memref<1x128x128xf32, #tpu.memory_space<vmem>>
        %dma_start3A_90 = tpu.memref_squeeze %dma_start3A_89 : memref<1x128x128xf32, #tpu.memory_space<vmem>> -> memref<128x128xf32, #tpu.memory_space<vmem>>
        %dma_start3A_91 = arith.constant 0 : i32
        %dma_start3A_92 = tpu.memref_slice %arg5[%arg0, %add3A_86, %dma_start3A_91] : memref<2x10240x128xf32, #tpu.memory_space<hbm>> -> memref<1x128x128xf32, #tpu.memory_space<hbm>>
        %dma_start3A_93 = tpu.memref_squeeze %dma_start3A_92 : memref<1x128x128xf32, #tpu.memory_space<hbm>> -> memref<128x128xf32, #tpu.memory_space<hbm>>
        %dma_start3A_94 = arith.constant 0 : i32
        %dma_start3A_95 = tpu.memref_slice %arg5[%arg0, %add3A_86, %dma_start3A_94] : memref<2x10240x128xf32, #tpu.memory_space<hbm>> -> memref<1x128x128xf32, #tpu.memory_space<hbm>>
        %dma_start3A_96 = tpu.memref_squeeze %dma_start3A_95 : memref<1x128x128xf32, #tpu.memory_space<hbm>> -> memref<128x128xf32, #tpu.memory_space<hbm>>
        %dma_start3A_97 = arith.constant 0 : i32
        %dma_start3A_98 = arith.constant 0 : i32
        %dma_start3A_99 = tpu.memref_slice %arg9[%scan3A_68, %dma_start3A_97, %dma_start3A_98] : memref<2x128x128xf32, #tpu.memory_space<vmem>> -> memref<1x128x128xf32, #tpu.memory_space<vmem>>
        %dma_start3A_100 = tpu.memref_squeeze %dma_start3A_99 : memref<1x128x128xf32, #tpu.memory_space<vmem>> -> memref<128x128xf32, #tpu.memory_space<vmem>>
        tpu.enqueue_dma source(%dma_start3A_100 : memref<128x128xf32, #tpu.memory_space<vmem>>) target(%dma_start3A_96 : memref<128x128xf32, #tpu.memory_space<hbm>>) target_semaphore(%run_scoped3A : memref<!tpu.dma_semaphore, #tpu.memory_space<semaphore_mem>>)
        %dma_wait3A = arith.constant 0 : i32
        %dma_wait3A_101 = arith.constant 0 : i32
        %dma_wait3A_102 = tpu.memref_slice %arg9[%scan3A_68, %dma_wait3A, %dma_wait3A_101] : memref<2x128x128xf32, #tpu.memory_space<vmem>> -> memref<1x128x128xf32, #tpu.memory_space<vmem>>
        %dma_wait3A_103 = tpu.memref_squeeze %dma_wait3A_102 : memref<1x128x128xf32, #tpu.memory_space<vmem>> -> memref<128x128xf32, #tpu.memory_space<vmem>>
        %dma_wait3A_104 = arith.constant 0 : i32
        %dma_wait3A_105 = tpu.memref_slice %arg5[%arg0, %add3A_86, %dma_wait3A_104] : memref<2x10240x128xf32, #tpu.memory_space<hbm>> -> memref<1x128x128xf32, #tpu.memory_space<hbm>>
        %dma_wait3A_106 = tpu.memref_squeeze %dma_wait3A_105 : memref<1x128x128xf32, #tpu.memory_space<hbm>> -> memref<128x128xf32, #tpu.memory_space<hbm>>
        %dma_wait3A_107 = arith.constant 0 : i32
        %dma_wait3A_108 = tpu.memref_slice %arg5[%arg0, %add3A_86, %dma_wait3A_107] : memref<2x10240x128xf32, #tpu.memory_space<hbm>> -> memref<1x128x128xf32, #tpu.memory_space<hbm>>
        %dma_wait3A_109 = tpu.memref_squeeze %dma_wait3A_108 : memref<1x128x128xf32, #tpu.memory_space<hbm>> -> memref<128x128xf32, #tpu.memory_space<hbm>>
        %dma_wait3A_110 = arith.constant 0 : i32
        %dma_wait3A_111 = arith.constant 0 : i32
        %dma_wait3A_112 = tpu.memref_slice %arg9[%scan3A_68, %dma_wait3A_110, %dma_wait3A_111] : memref<2x128x128xf32, #tpu.memory_space<vmem>> -> memref<1x128x128xf32, #tpu.memory_space<vmem>>
        %dma_wait3A_113 = tpu.memref_squeeze %dma_wait3A_112 : memref<1x128x128xf32, #tpu.memory_space<vmem>> -> memref<128x128xf32, #tpu.memory_space<vmem>>
        tpu.wait_dma2 semaphore(%run_scoped3A : memref<!tpu.dma_semaphore, #tpu.memory_space<semaphore_mem>>) src(%dma_wait3A_113 : memref<128x128xf32, #tpu.memory_space<vmem>>) dst(%dma_wait3A_109 : memref<128x128xf32, #tpu.memory_space<hbm>>)
        tpu.yield
      }) : () -> ()
      %scan3A_87 = arith.constant 0 : i32
      scf.yield %scan3A_87 : i32
    }
    %scan3A_75 = arith.constant 5 : i32
    "tpu.region"() ({
      %run_scoped3A = tpu.sem_alloc : memref<!tpu.dma_semaphore, #tpu.memory_space<semaphore_mem>>
      %dma_start3A = arith.constant 0 : i32
      %dma_start3A_79 = tpu.memref_slice %arg16[%dma_start3A] : memref<640xf32, #tpu.memory_space<vmem>> -> memref<640xf32, #tpu.memory_space<vmem>>
      %dma_start3A_80 = tpu.memref_slice %arg17[%mul3A_5] : memref<10240xf32, #tpu.memory_space<vmem_shared>> -> memref<640xf32, #tpu.memory_space<vmem_shared>>
      %dma_start3A_81 = arith.constant 0 : i32
      %dma_start3A_82 = tpu.memref_slice %arg16[%dma_start3A_81] : memref<640xf32, #tpu.memory_space<vmem>> -> memref<640xf32, #tpu.memory_space<vmem>>
      %dma_start3A_83 = tpu.memref_slice %arg17[%mul3A_5] : memref<10240xf32, #tpu.memory_space<vmem_shared>> -> memref<640xf32, #tpu.memory_space<vmem_shared>>
      tpu.enqueue_dma source(%dma_start3A_83 : memref<640xf32, #tpu.memory_space<vmem_shared>>) target(%dma_start3A_82 : memref<640xf32, #tpu.memory_space<vmem>>) target_semaphore(%run_scoped3A : memref<!tpu.dma_semaphore, #tpu.memory_space<semaphore_mem>>)
      %dma_wait3A = arith.constant 0 : i32
      %dma_wait3A_84 = tpu.memref_slice %arg16[%dma_wait3A] : memref<640xf32, #tpu.memory_space<vmem>> -> memref<640xf32, #tpu.memory_space<vmem>>
      %dma_wait3A_85 = tpu.memref_slice %arg17[%mul3A_5] : memref<10240xf32, #tpu.memory_space<vmem_shared>> -> memref<640xf32, #tpu.memory_space<vmem_shared>>
      %dma_wait3A_86 = arith.constant 0 : i32
      %dma_wait3A_87 = tpu.memref_slice %arg16[%dma_wait3A_86] : memref<640xf32, #tpu.memory_space<vmem>> -> memref<640xf32, #tpu.memory_space<vmem>>
      %dma_wait3A_88 = tpu.memref_slice %arg17[%mul3A_5] : memref<10240xf32, #tpu.memory_space<vmem_shared>> -> memref<640xf32, #tpu.memory_space<vmem_shared>>
      tpu.wait_dma2 semaphore(%run_scoped3A : memref<!tpu.dma_semaphore, #tpu.memory_space<semaphore_mem>>) src(%dma_wait3A_88 : memref<640xf32, #tpu.memory_space<vmem_shared>>) dst(%dma_wait3A_87 : memref<640xf32, #tpu.memory_space<vmem>>)
      tpu.yield
    }) : () -> ()
    %mul3A_76 = arith.constant 10240 : i32
    %mul3A_77 = arith.muli %arg0, %mul3A_76 : i32
    %add3A_78 = arith.addi %mul3A_77, %mul3A_5 : i32
    "tpu.region"() ({
      %run_scoped3A = tpu.sem_alloc : memref<!tpu.dma_semaphore, #tpu.memory_space<semaphore_mem>>
      %dma_start3A = arith.constant 0 : i32
      %dma_start3A_79 = tpu.memref_slice %arg16[%dma_start3A] : memref<640xf32, #tpu.memory_space<vmem>> -> memref<640xf32, #tpu.memory_space<vmem>>
      %dma_start3A_80 = tpu.memref_slice %arg6[%add3A_78] : memref<20480xf32, #tpu.memory_space<hbm>> -> memref<640xf32, #tpu.memory_space<hbm>>
      %dma_start3A_81 = tpu.memref_slice %arg6[%add3A_78] : memref<20480xf32, #tpu.memory_space<hbm>> -> memref<640xf32, #tpu.memory_space<hbm>>
      %dma_start3A_82 = arith.constant 0 : i32
      %dma_start3A_83 = tpu.memref_slice %arg16[%dma_start3A_82] : memref<640xf32, #tpu.memory_space<vmem>> -> memref<640xf32, #tpu.memory_space<vmem>>
      tpu.enqueue_dma source(%dma_start3A_83 : memref<640xf32, #tpu.memory_space<vmem>>) target(%dma_start3A_81 : memref<640xf32, #tpu.memory_space<hbm>>) target_semaphore(%run_scoped3A : memref<!tpu.dma_semaphore, #tpu.memory_space<semaphore_mem>>)
      %dma_wait3A = arith.constant 0 : i32
      %dma_wait3A_84 = tpu.memref_slice %arg16[%dma_wait3A] : memref<640xf32, #tpu.memory_space<vmem>> -> memref<640xf32, #tpu.memory_space<vmem>>
      %dma_wait3A_85 = tpu.memref_slice %arg6[%add3A_78] : memref<20480xf32, #tpu.memory_space<hbm>> -> memref<640xf32, #tpu.memory_space<hbm>>
      %dma_wait3A_86 = tpu.memref_slice %arg6[%add3A_78] : memref<20480xf32, #tpu.memory_space<hbm>> -> memref<640xf32, #tpu.memory_space<hbm>>
      %dma_wait3A_87 = arith.constant 0 : i32
      %dma_wait3A_88 = tpu.memref_slice %arg16[%dma_wait3A_87] : memref<640xf32, #tpu.memory_space<vmem>> -> memref<640xf32, #tpu.memory_space<vmem>>
      tpu.wait_dma2 semaphore(%run_scoped3A : memref<!tpu.dma_semaphore, #tpu.memory_space<semaphore_mem>>) src(%dma_wait3A_88 : memref<640xf32, #tpu.memory_space<vmem>>) dst(%dma_wait3A_86 : memref<640xf32, #tpu.memory_space<hbm>>)
      tpu.yield
    }) : () -> ()
    return
  }
}

#map = affine_map<(d0, d1) -> (0, 0)>
#map1 = affine_map<(d0, d1) -> (0, 0, 0)>
module attributes {stable_mosaic.version = 14 : i64} {
  func.func @body(%arg0: i32, %arg1: i32, %arg2: memref<2560x128xi32, #tpu.memory_space<hbm>>, %arg3: memref<2560x128xi32, #tpu.memory_space<hbm>>, %arg4: memref<10000x128xf32, #tpu.memory_space<hbm>>, %arg5: memref<2x10240x128xf32, #tpu.memory_space<hbm>>, %arg6: memref<8x128xi32, #tpu.memory_space<vmem>>, %arg7: memref<8x128xi32, #tpu.memory_space<vmem>>, %arg8: memref<2x128x128xf32, #tpu.memory_space<vmem>>, %arg9: memref<10240x128xf32, #tpu.memory_space<vmem_shared>>, %arg10: memref<!tpu.dma_semaphore, #tpu.memory_space<semaphore_mem>>, %arg11: memref<!tpu.dma_semaphore, #tpu.memory_space<semaphore_mem>>, %arg12: memref<!tpu.dma_semaphore, #tpu.memory_space<semaphore_mem>>, %arg13: memref<!tpu.dma_semaphore, #tpu.memory_space<semaphore_mem>>) attributes {dimension_semantics = [#tpu.dimension_semantics<core_parallel>, #tpu.dimension_semantics<subcore_parallel>], iteration_bounds = array<i64: 2, 16>, scalar_prefetch = 0 : i64, scratch_operands = 8 : i64, tpu.core_type = #tpu.core_type<sc_vector_subcore>, window_params = [{transform_indices = #map}, {transform_indices = #map}, {transform_indices = #map}, {transform_indices = #map1}]} {
    %eq3A = arith.constant 0 : i32
    %eq3A_0 = arith.cmpi eq, %arg0, %eq3A : i32
    %jit3A = arith.constant 152 : i32
    %jit3A_1 = arith.constant 8 : i32
    %select_n3A = arith.select %eq3A_0, %jit3A, %jit3A_1 : i32
    %mul3A = arith.constant 2432 : i32
    %mul3A_2 = arith.muli %arg0, %mul3A : i32
    %mul3A_3 = arith.muli %arg1, %select_n3A : i32
    %add3A = arith.addi %mul3A_2, %mul3A_3 : i32
    %mul3A_4 = arith.constant 640 : i32
    %mul3A_5 = arith.muli %arg1, %mul3A_4 : i32
    %broadcast_in_dim3A = arith.constant 0.000000e+00 : f32
    %broadcast_in_dim3A_6 = vector.broadcast %broadcast_in_dim3A : f32 to vector<16xf32>
    %scan3A = arith.constant 0 : i32
    %scan3A_7 = arith.constant 0 : i32
    %scan3A_8 = arith.constant 0 : i32
    %scan3A_9 = arith.constant 1024 : i32
    %scan3A_10 = arith.addi %scan3A_8, %scan3A_9 : i32
    %scan3A_11 = arith.constant 1 : i32
    %scan3A_12 = scf.for %scan3A_60 = %scan3A_8 to %scan3A_10 step %scan3A_11 iter_args(%scan3A_61 = %scan3A_7) -> (i32)  : i32 {
      %jit3A_62 = arith.constant 8 : i32
      %div3A_63 = arith.divsi %scan3A_60, %jit3A_62 : i32
      %sign3A_64 = arith.constant 0 : i32
      %sign3A_65 = arith.cmpi sgt, %scan3A_60, %sign3A_64 : i32
      %sign3A_66 = arith.extui %sign3A_65 : i1 to i32
      %sign3A_67 = arith.constant 0 : i32
      %sign3A_68 = arith.cmpi slt, %scan3A_60, %sign3A_67 : i32
      %sign3A_69 = arith.extui %sign3A_68 : i1 to i32
      %sign3A_70 = arith.subi %sign3A_66, %sign3A_69 : i32
      %sign3A_71 = arith.constant 0 : i32
      %sign3A_72 = arith.cmpi sgt, %jit3A_62, %sign3A_71 : i32
      %sign3A_73 = arith.extui %sign3A_72 : i1 to i32
      %sign3A_74 = arith.constant 0 : i32
      %sign3A_75 = arith.cmpi slt, %jit3A_62, %sign3A_74 : i32
      %sign3A_76 = arith.extui %sign3A_75 : i1 to i32
      %sign3A_77 = arith.subi %sign3A_73, %sign3A_76 : i32
      %ne3A_78 = arith.cmpi ne, %sign3A_70, %sign3A_77 : i32
      %rem3A_79 = arith.remsi %scan3A_60, %jit3A_62 : i32
      %ne3A_80 = arith.constant 0 : i32
      %ne3A_81 = arith.cmpi ne, %rem3A_79, %ne3A_80 : i32
      %and3A_82 = arith.andi %ne3A_78, %ne3A_81 : i1
      %sub3A_83 = arith.constant 1 : i32
      %sub3A_84 = arith.subi %div3A_63, %sub3A_83 : i32
      %select_n3A_85 = arith.select %and3A_82, %sub3A_84, %div3A_63 : i32
      %jit3A_86 = arith.constant 8 : i32
      %eq3A_87 = arith.constant 0 : i32
      %eq3A_88 = arith.cmpi eq, %jit3A_86, %eq3A_87 : i32
      %jit3A_89 = arith.constant 1 : i32
      %select_n3A_90 = arith.select %eq3A_88, %jit3A_89, %jit3A_86 : i32
      %rem3A_91 = arith.remsi %scan3A_60, %select_n3A_90 : i32
      %ne3A_92 = arith.constant 0 : i32
      %ne3A_93 = arith.cmpi ne, %rem3A_91, %ne3A_92 : i32
      %lt3A = arith.constant 0 : i32
      %lt3A_94 = arith.cmpi slt, %rem3A_91, %lt3A : i32
      %lt3A_95 = arith.constant 0 : i32
      %lt3A_96 = arith.cmpi slt, %select_n3A_90, %lt3A_95 : i32
      %ne3A_97 = arith.xori %lt3A_94, %lt3A_96 : i1
      %and3A_98 = arith.andi %ne3A_97, %ne3A_93 : i1
      %add3A_99 = arith.addi %rem3A_91, %select_n3A_90 : i32
      %select_n3A_100 = arith.select %and3A_98, %add3A_99, %rem3A_91 : i32
      %mul3A_101 = arith.constant 16 : i32
      %mul3A_102 = arith.muli %select_n3A_100, %mul3A_101 : i32
      %swap3A = arith.constant 0 : i32
      %swap3A_103 = arith.constant 0 : i32
      %swap3A_104 = tpu.memref_slice %arg8[%scan3A, %swap3A, %swap3A_103] : memref<2x128x128xf32, #tpu.memory_space<vmem>> -> memref<1x128x128xf32, #tpu.memory_space<vmem>>
      %swap3A_105 = tpu.memref_squeeze %swap3A_104 : memref<1x128x128xf32, #tpu.memory_space<vmem>> -> memref<128x128xf32, #tpu.memory_space<vmem>>
      %swap3A_106 = arith.index_cast %select_n3A_85 : i32 to index
      %swap3A_107 = arith.index_cast %mul3A_102 : i32 to index
      %swap3A_108 = tpu.vector_load %swap3A_105[%swap3A_106, %swap3A_107] {strides = array<i32>} : memref<128x128xf32, #tpu.memory_space<vmem>>, vector<1x16xf32>,
      %swap3A_109 = vector.shape_cast %swap3A_108 : vector<1x16xf32> to vector<16xf32>
      %swap3A_110 = vector.shape_cast %broadcast_in_dim3A_6 : vector<16xf32> to vector<1x16xf32>
      tpu.vector_store %swap3A_105[%swap3A_106, %swap3A_107], %swap3A_110 {strides = array<i32>} : memref<128x128xf32, #tpu.memory_space<vmem>>, vector<1x16xf32>,
      %scan3A_111 = arith.constant 0 : i32
      scf.yield %scan3A_111 : i32
    }
    %scan3A_13 = arith.constant 1024 : i32
    %scan3A_14 = arith.constant 0 : i32
    %scan3A_15 = arith.constant 0 : i32
    %scan3A_16 = arith.constant 0 : i32
    %scan3A_17 = arith.constant 5 : i32
    %scan3A_18 = arith.addi %scan3A_16, %scan3A_17 : i32
    %scan3A_19 = arith.constant 1 : i32
    %scan3A_20 = scf.for %scan3A_60 = %scan3A_16 to %scan3A_18 step %scan3A_19 iter_args(%scan3A_61 = %scan3A_15) -> (i32)  : i32 {
      %mul3A_62 = arith.constant 128 : i32
      %mul3A_63 = arith.muli %scan3A_60, %mul3A_62 : i32
      %add3A_64 = arith.addi %mul3A_5, %mul3A_63 : i32
      "tpu.region"() ({
        %run_scoped3A = tpu.sem_alloc : memref<!tpu.dma_semaphore, #tpu.memory_space<semaphore_mem>>
        %dma_start3A = arith.constant 0 : i32
        %dma_start3A_66 = arith.constant 0 : i32
        %dma_start3A_67 = tpu.memref_slice %arg8[%scan3A_14, %dma_start3A, %dma_start3A_66] : memref<2x128x128xf32, #tpu.memory_space<vmem>> -> memref<1x128x128xf32, #tpu.memory_space<vmem>>
        %dma_start3A_68 = tpu.memref_squeeze %dma_start3A_67 : memref<1x128x128xf32, #tpu.memory_space<vmem>> -> memref<128x128xf32, #tpu.memory_space<vmem>>
        %dma_start3A_69 = arith.constant 0 : i32
        %dma_start3A_70 = tpu.memref_slice %arg9[%add3A_64, %dma_start3A_69] : memref<10240x128xf32, #tpu.memory_space<vmem_shared>> -> memref<128x128xf32, #tpu.memory_space<vmem_shared>>
        %dma_start3A_71 = arith.constant 0 : i32
        %dma_start3A_72 = tpu.memref_slice %arg9[%add3A_64, %dma_start3A_71] : memref<10240x128xf32, #tpu.memory_space<vmem_shared>> -> memref<128x128xf32, #tpu.memory_space<vmem_shared>>
        %dma_start3A_73 = arith.constant 0 : i32
        %dma_start3A_74 = arith.constant 0 : i32
        %dma_start3A_75 = tpu.memref_slice %arg8[%scan3A_14, %dma_start3A_73, %dma_start3A_74] : memref<2x128x128xf32, #tpu.memory_space<vmem>> -> memref<1x128x128xf32, #tpu.memory_space<vmem>>
        %dma_start3A_76 = tpu.memref_squeeze %dma_start3A_75 : memref<1x128x128xf32, #tpu.memory_space<vmem>> -> memref<128x128xf32, #tpu.memory_space<vmem>>
        tpu.enqueue_dma source(%dma_start3A_76 : memref<128x128xf32, #tpu.memory_space<vmem>>) target(%dma_start3A_72 : memref<128x128xf32, #tpu.memory_space<vmem_shared>>) target_semaphore(%run_scoped3A : memref<!tpu.dma_semaphore, #tpu.memory_space<semaphore_mem>>)
        %dma_wait3A = arith.constant 0 : i32
        %dma_wait3A_77 = arith.constant 0 : i32
        %dma_wait3A_78 = tpu.memref_slice %arg8[%scan3A_14, %dma_wait3A, %dma_wait3A_77] : memref<2x128x128xf32, #tpu.memory_space<vmem>> -> memref<1x128x128xf32, #tpu.memory_space<vmem>>
        %dma_wait3A_79 = tpu.memref_squeeze %dma_wait3A_78 : memref<1x128x128xf32, #tpu.memory_space<vmem>> -> memref<128x128xf32, #tpu.memory_space<vmem>>
        %dma_wait3A_80 = arith.constant 0 : i32
        %dma_wait3A_81 = tpu.memref_slice %arg9[%add3A_64, %dma_wait3A_80] : memref<10240x128xf32, #tpu.memory_space<vmem_shared>> -> memref<128x128xf32, #tpu.memory_space<vmem_shared>>
        %dma_wait3A_82 = arith.constant 0 : i32
        %dma_wait3A_83 = tpu.memref_slice %arg9[%add3A_64, %dma_wait3A_82] : memref<10240x128xf32, #tpu.memory_space<vmem_shared>> -> memref<128x128xf32, #tpu.memory_space<vmem_shared>>
        %dma_wait3A_84 = arith.constant 0 : i32
        %dma_wait3A_85 = arith.constant 0 : i32
        %dma_wait3A_86 = tpu.memref_slice %arg8[%scan3A_14, %dma_wait3A_84, %dma_wait3A_85] : memref<2x128x128xf32, #tpu.memory_space<vmem>> -> memref<1x128x128xf32, #tpu.memory_space<vmem>>
        %dma_wait3A_87 = tpu.memref_squeeze %dma_wait3A_86 : memref<1x128x128xf32, #tpu.memory_space<vmem>> -> memref<128x128xf32, #tpu.memory_space<vmem>>
        tpu.wait_dma2 semaphore(%run_scoped3A : memref<!tpu.dma_semaphore, #tpu.memory_space<semaphore_mem>>) src(%dma_wait3A_87 : memref<128x128xf32, #tpu.memory_space<vmem>>) dst(%dma_wait3A_83 : memref<128x128xf32, #tpu.memory_space<vmem_shared>>)
        tpu.yield
      }) : () -> ()
      %scan3A_65 = arith.constant 0 : i32
      scf.yield %scan3A_65 : i32
    }
    %scan3A_21 = arith.constant 5 : i32
    %barrier3A = arith.constant 0 : index
    tpu.barrier barrier_id(%barrier3A)
    %jit3A_22 = arith.constant 8 : i32
    %div3A = arith.divsi %select_n3A, %jit3A_22 : i32
    %sign3A = arith.constant 0 : i32
    %sign3A_23 = arith.cmpi sgt, %select_n3A, %sign3A : i32
    %sign3A_24 = arith.extui %sign3A_23 : i1 to i32
    %sign3A_25 = arith.constant 0 : i32
    %sign3A_26 = arith.cmpi slt, %select_n3A, %sign3A_25 : i32
    %sign3A_27 = arith.extui %sign3A_26 : i1 to i32
    %sign3A_28 = arith.subi %sign3A_24, %sign3A_27 : i32
    %sign3A_29 = arith.constant 0 : i32
    %sign3A_30 = arith.cmpi sgt, %jit3A_22, %sign3A_29 : i32
    %sign3A_31 = arith.extui %sign3A_30 : i1 to i32
    %sign3A_32 = arith.constant 0 : i32
    %sign3A_33 = arith.cmpi slt, %jit3A_22, %sign3A_32 : i32
    %sign3A_34 = arith.extui %sign3A_33 : i1 to i32
    %sign3A_35 = arith.subi %sign3A_31, %sign3A_34 : i32
    %ne3A = arith.cmpi ne, %sign3A_28, %sign3A_35 : i32
    %rem3A = arith.remsi %select_n3A, %jit3A_22 : i32
    %ne3A_36 = arith.constant 0 : i32
    %ne3A_37 = arith.cmpi ne, %rem3A, %ne3A_36 : i32
    %and3A = arith.andi %ne3A, %ne3A_37 : i1
    %sub3A = arith.constant 1 : i32
    %sub3A_38 = arith.subi %div3A, %sub3A : i32
    %select_n3A_39 = arith.select %and3A, %sub3A_38, %div3A : i32
    %while3A = arith.constant 0 : i32
    %while3A_40 = arith.constant 0 : i32
    %while3A_41 = arith.subi %select_n3A_39, %while3A : i32
    %while3A_42 = arith.addi %while3A, %while3A_41 : i32
    %while3A_43 = arith.constant 1 : i32
    %while3A_44 = arith.divsi %while3A_41, %while3A_43 : i32
    %while3A_45 = arith.muli %while3A_44, %while3A_43 : i32
    %while3A_46 = arith.addi %while3A, %while3A_45 : i32
    %while3A_47 = arith.constant 1 : i32
    %while3A_48 = scf.for %while3A_60 = %while3A to %while3A_46 step %while3A_47 iter_args(%while3A_61 = %while3A_40) -> (i32)  : i32 {
      %mul3A_62 = arith.constant 8 : i32
      %mul3A_63 = arith.muli %while3A_60, %mul3A_62 : i32
      %add3A_64 = arith.addi %add3A, %mul3A_63 : i32
      "tpu.region"() ({
        %run_scoped3A = tpu.sem_alloc : memref<!tpu.dma_semaphore, #tpu.memory_space<semaphore_mem>>
        %dma_start3A_107 = arith.constant 0 : i32
        %dma_start3A_108 = tpu.memref_slice %arg2[%add3A_64, %dma_start3A_107] : memref<2560x128xi32, #tpu.memory_space<hbm>> -> memref<8x128xi32, #tpu.memory_space<hbm>>
        %dma_start3A_109 = arith.constant 0 : i32
        %dma_start3A_110 = tpu.memref_slice %arg2[%add3A_64, %dma_start3A_109] : memref<2560x128xi32, #tpu.memory_space<hbm>> -> memref<8x128xi32, #tpu.memory_space<hbm>>
        tpu.enqueue_dma source(%dma_start3A_110 : memref<8x128xi32, #tpu.memory_space<hbm>>) target(%arg6 : memref<8x128xi32, #tpu.memory_space<vmem>>) target_semaphore(%run_scoped3A : memref<!tpu.dma_semaphore, #tpu.memory_space<semaphore_mem>>)
        %dma_wait3A_111 = arith.constant 0 : i32
        %dma_wait3A_112 = tpu.memref_slice %arg2[%add3A_64, %dma_wait3A_111] : memref<2560x128xi32, #tpu.memory_space<hbm>> -> memref<8x128xi32, #tpu.memory_space<hbm>>
        %dma_wait3A_113 = arith.constant 0 : i32
        %dma_wait3A_114 = tpu.memref_slice %arg2[%add3A_64, %dma_wait3A_113] : memref<2560x128xi32, #tpu.memory_space<hbm>> -> memref<8x128xi32, #tpu.memory_space<hbm>>
        tpu.wait_dma2 semaphore(%run_scoped3A : memref<!tpu.dma_semaphore, #tpu.memory_space<semaphore_mem>>) src(%dma_wait3A_114 : memref<8x128xi32, #tpu.memory_space<hbm>>) dst(%arg6 : memref<8x128xi32, #tpu.memory_space<vmem>>)
        tpu.yield
      }) : () -> ()
      "tpu.region"() ({
        %run_scoped3A = tpu.sem_alloc : memref<!tpu.dma_semaphore, #tpu.memory_space<semaphore_mem>>
        %dma_start3A_107 = arith.constant 0 : i32
        %dma_start3A_108 = tpu.memref_slice %arg3[%add3A_64, %dma_start3A_107] : memref<2560x128xi32, #tpu.memory_space<hbm>> -> memref<8x128xi32, #tpu.memory_space<hbm>>
        %dma_start3A_109 = arith.constant 0 : i32
        %dma_start3A_110 = tpu.memref_slice %arg3[%add3A_64, %dma_start3A_109] : memref<2560x128xi32, #tpu.memory_space<hbm>> -> memref<8x128xi32, #tpu.memory_space<hbm>>
        tpu.enqueue_dma source(%dma_start3A_110 : memref<8x128xi32, #tpu.memory_space<hbm>>) target(%arg7 : memref<8x128xi32, #tpu.memory_space<vmem>>) target_semaphore(%run_scoped3A : memref<!tpu.dma_semaphore, #tpu.memory_space<semaphore_mem>>)
        %dma_wait3A_111 = arith.constant 0 : i32
        %dma_wait3A_112 = tpu.memref_slice %arg3[%add3A_64, %dma_wait3A_111] : memref<2560x128xi32, #tpu.memory_space<hbm>> -> memref<8x128xi32, #tpu.memory_space<hbm>>
        %dma_wait3A_113 = arith.constant 0 : i32
        %dma_wait3A_114 = tpu.memref_slice %arg3[%add3A_64, %dma_wait3A_113] : memref<2560x128xi32, #tpu.memory_space<hbm>> -> memref<8x128xi32, #tpu.memory_space<hbm>>
        tpu.wait_dma2 semaphore(%run_scoped3A : memref<!tpu.dma_semaphore, #tpu.memory_space<semaphore_mem>>) src(%dma_wait3A_114 : memref<8x128xi32, #tpu.memory_space<hbm>>) dst(%arg7 : memref<8x128xi32, #tpu.memory_space<vmem>>)
        tpu.yield
      }) : () -> ()
      %dma_start3A = arith.constant 0 : i32
      %dma_start3A_65 = arith.constant 0 : i32
      %dma_start3A_66 = arith.constant 0 : i32
      %dma_start3A_67 = arith.constant 0 : i32
      %dma_start3A_68 = tpu.memref_slice %arg8[%dma_start3A_65, %dma_start3A_66, %dma_start3A_67] : memref<2x128x128xf32, #tpu.memory_space<vmem>> -> memref<1x128x128xf32, #tpu.memory_space<vmem>>
      %dma_start3A_69 = tpu.memref_squeeze %dma_start3A_68 : memref<1x128x128xf32, #tpu.memory_space<vmem>> -> memref<128x128xf32, #tpu.memory_space<vmem>>
      %dma_start3A_70 = arith.constant 0 : i32
      %dma_start3A_71 = tpu.memref_slice %arg6[%dma_start3A, %dma_start3A_70] : memref<8x128xi32, #tpu.memory_space<vmem>> -> memref<1x128xi32, #tpu.memory_space<vmem>>
      %dma_start3A_72 = tpu.memref_squeeze %dma_start3A_71 : memref<1x128xi32, #tpu.memory_space<vmem>> -> memref<128xi32, #tpu.memory_space<vmem>>
      %dma_start3A_73 = arith.constant 0 : i32
      %dma_start3A_74 = arith.constant 0 : i32
      %dma_start3A_75 = tpu.memref_slice %arg4[%dma_start3A_73, %dma_start3A_74] : memref<10000x128xf32, #tpu.memory_space<hbm>> -> memref<10000x128xf32, #tpu.memory_space<hbm>>
      tpu.enqueue_indirect_dma source(%dma_start3A_75 : memref<10000x128xf32, #tpu.memory_space<hbm>>) target(%dma_start3A_69 : memref<128x128xf32, #tpu.memory_space<vmem>>) offsets(%dma_start3A_72 : memref<128xi32, #tpu.memory_space<vmem>>) semaphore(%arg10 : memref<!tpu.dma_semaphore, #tpu.memory_space<semaphore_mem>>)
      %scan3A_76 = arith.constant 0 : i32
      %scan3A_77 = arith.constant 0 : i32
      %scan3A_78 = arith.constant 4 : i32
      %scan3A_79 = arith.addi %scan3A_77, %scan3A_78 : i32
      %scan3A_80 = arith.constant 1 : i32
      %scan3A_81 = scf.for %scan3A_107 = %scan3A_77 to %scan3A_79 step %scan3A_80 iter_args(%scan3A_108 = %scan3A_76) -> (i32)  : i32 {
        %mul3A_109 = arith.constant 2 : i32
        %mul3A_110 = arith.muli %scan3A_107, %mul3A_109 : i32
        %add3A_111 = arith.constant 0 : i32
        %add3A_112 = arith.addi %mul3A_110, %add3A_111 : i32
        %add3A_113 = arith.constant 1 : i32
        %add3A_114 = arith.addi %add3A_112, %add3A_113 : i32
        %lt3A = arith.constant 8 : i32
        %lt3A_115 = arith.cmpi slt, %add3A_114, %lt3A : i32
        %convert_element_type3A = arith.extui %lt3A_115 : i1 to i32
        %cond3A = arith.constant 0 : i32
        %cond3A_116 = arith.cmpi ne, %convert_element_type3A, %cond3A : i32
        scf.if %cond3A_116 {
          %ge3A = arith.constant 1 : i32
          %ge3A_173 = arith.cmpi sge, %scan3A_107, %ge3A : i32
          %convert_element_type3A_174 = arith.extui %ge3A_173 : i1 to i32
          %cond3A_175 = arith.constant 0 : i32
          %cond3A_176 = arith.cmpi ne, %convert_element_type3A_174, %cond3A_175 : i32
          scf.if %cond3A_176 {
            %dma_wait3A_188 = arith.constant 1 : i32
            %dma_wait3A_189 = arith.constant 0 : i32
            %dma_wait3A_190 = arith.constant 0 : i32
            %dma_wait3A_191 = arith.constant 0 : i32
            %dma_wait3A_192 = tpu.memref_slice %arg8[%dma_wait3A_188, %dma_wait3A_190, %dma_wait3A_191] : memref<2x128x128xf32, #tpu.memory_space<vmem>> -> memref<1x128x128xf32, #tpu.memory_space<vmem>>
            %dma_wait3A_193 = tpu.memref_squeeze %dma_wait3A_192 : memref<1x128x128xf32, #tpu.memory_space<vmem>> -> memref<128x128xf32, #tpu.memory_space<vmem>>
            %dma_wait3A_194 = arith.constant 0 : i32
            %dma_wait3A_195 = tpu.memref_slice %arg7[%dma_wait3A_189, %dma_wait3A_194] : memref<8x128xi32, #tpu.memory_space<vmem>> -> memref<1x128xi32, #tpu.memory_space<vmem>>
            %dma_wait3A_196 = tpu.memref_squeeze %dma_wait3A_195 : memref<1x128xi32, #tpu.memory_space<vmem>> -> memref<128xi32, #tpu.memory_space<vmem>>
            %dma_wait3A_197 = arith.constant 0 : i32
            %dma_wait3A_198 = arith.constant 0 : i32
            %dma_wait3A_199 = tpu.memref_slice %arg9[%dma_wait3A_197, %dma_wait3A_198] : memref<10240x128xf32, #tpu.memory_space<vmem_shared>> -> memref<10240x128xf32, #tpu.memory_space<vmem_shared>>
            tpu.wait_indirect_dma semaphore(%arg13 : memref<!tpu.dma_semaphore, #tpu.memory_space<semaphore_mem>>) src(%dma_wait3A_193 : memref<128x128xf32, #tpu.memory_space<vmem>>) dst(%dma_wait3A_199 : memref<10240x128xf32, #tpu.memory_space<vmem_shared>>)
          } else {
          }
          %dma_start3A_177 = arith.constant 1 : i32
          %dma_start3A_178 = arith.constant 0 : i32
          %dma_start3A_179 = arith.constant 0 : i32
          %dma_start3A_180 = tpu.memref_slice %arg8[%dma_start3A_177, %dma_start3A_178, %dma_start3A_179] : memref<2x128x128xf32, #tpu.memory_space<vmem>> -> memref<1x128x128xf32, #tpu.memory_space<vmem>>
          %dma_start3A_181 = tpu.memref_squeeze %dma_start3A_180 : memref<1x128x128xf32, #tpu.memory_space<vmem>> -> memref<128x128xf32, #tpu.memory_space<vmem>>
          %dma_start3A_182 = arith.constant 0 : i32
          %dma_start3A_183 = tpu.memref_slice %arg6[%add3A_114, %dma_start3A_182] : memref<8x128xi32, #tpu.memory_space<vmem>> -> memref<1x128xi32, #tpu.memory_space<vmem>>
          %dma_start3A_184 = tpu.memref_squeeze %dma_start3A_183 : memref<1x128xi32, #tpu.memory_space<vmem>> -> memref<128xi32, #tpu.memory_space<vmem>>
          %dma_start3A_185 = arith.constant 0 : i32
          %dma_start3A_186 = arith.constant 0 : i32
          %dma_start3A_187 = tpu.memref_slice %arg4[%dma_start3A_185, %dma_start3A_186] : memref<10000x128xf32, #tpu.memory_space<hbm>> -> memref<10000x128xf32, #tpu.memory_space<hbm>>
          tpu.enqueue_indirect_dma source(%dma_start3A_187 : memref<10000x128xf32, #tpu.memory_space<hbm>>) target(%dma_start3A_181 : memref<128x128xf32, #tpu.memory_space<vmem>>) offsets(%dma_start3A_184 : memref<128xi32, #tpu.memory_space<vmem>>) semaphore(%arg11 : memref<!tpu.dma_semaphore, #tpu.memory_space<semaphore_mem>>)
        } else {
        }
        %dma_wait3A_117 = arith.constant 0 : i32
        %dma_wait3A_118 = arith.constant 0 : i32
        %dma_wait3A_119 = arith.constant 0 : i32
        %dma_wait3A_120 = tpu.memref_slice %arg8[%dma_wait3A_117, %dma_wait3A_118, %dma_wait3A_119] : memref<2x128x128xf32, #tpu.memory_space<vmem>> -> memref<1x128x128xf32, #tpu.memory_space<vmem>>
        %dma_wait3A_121 = tpu.memref_squeeze %dma_wait3A_120 : memref<1x128x128xf32, #tpu.memory_space<vmem>> -> memref<128x128xf32, #tpu.memory_space<vmem>>
        %dma_wait3A_122 = arith.constant 0 : i32
        %dma_wait3A_123 = tpu.memref_slice %arg6[%add3A_112, %dma_wait3A_122] : memref<8x128xi32, #tpu.memory_space<vmem>> -> memref<1x128xi32, #tpu.memory_space<vmem>>
        %dma_wait3A_124 = tpu.memref_squeeze %dma_wait3A_123 : memref<1x128xi32, #tpu.memory_space<vmem>> -> memref<128xi32, #tpu.memory_space<vmem>>
        %dma_wait3A_125 = arith.constant 0 : i32
        %dma_wait3A_126 = arith.constant 0 : i32
        %dma_wait3A_127 = tpu.memref_slice %arg4[%dma_wait3A_125, %dma_wait3A_126] : memref<10000x128xf32, #tpu.memory_space<hbm>> -> memref<10000x128xf32, #tpu.memory_space<hbm>>
        tpu.wait_indirect_dma semaphore(%arg10 : memref<!tpu.dma_semaphore, #tpu.memory_space<semaphore_mem>>) src(%dma_wait3A_127 : memref<10000x128xf32, #tpu.memory_space<hbm>>) dst(%dma_wait3A_121 : memref<128x128xf32, #tpu.memory_space<vmem>>)
        %dma_start3A_128 = arith.constant 0 : i32
        %dma_start3A_129 = arith.constant 0 : i32
        %dma_start3A_130 = arith.constant 0 : i32
        %dma_start3A_131 = tpu.memref_slice %arg8[%dma_start3A_128, %dma_start3A_129, %dma_start3A_130] : memref<2x128x128xf32, #tpu.memory_space<vmem>> -> memref<1x128x128xf32, #tpu.memory_space<vmem>>
        %dma_start3A_132 = tpu.memref_squeeze %dma_start3A_131 : memref<1x128x128xf32, #tpu.memory_space<vmem>> -> memref<128x128xf32, #tpu.memory_space<vmem>>
        %dma_start3A_133 = arith.constant 0 : i32
        %dma_start3A_134 = tpu.memref_slice %arg7[%add3A_112, %dma_start3A_133] : memref<8x128xi32, #tpu.memory_space<vmem>> -> memref<1x128xi32, #tpu.memory_space<vmem>>
        %dma_start3A_135 = tpu.memref_squeeze %dma_start3A_134 : memref<1x128xi32, #tpu.memory_space<vmem>> -> memref<128xi32, #tpu.memory_space<vmem>>
        %dma_start3A_136 = arith.constant 0 : i32
        %dma_start3A_137 = arith.constant 0 : i32
        %dma_start3A_138 = tpu.memref_slice %arg9[%dma_start3A_136, %dma_start3A_137] : memref<10240x128xf32, #tpu.memory_space<vmem_shared>> -> memref<10240x128xf32, #tpu.memory_space<vmem_shared>>
        tpu.enqueue_indirect_dma source(%dma_start3A_132 : memref<128x128xf32, #tpu.memory_space<vmem>>) target(%dma_start3A_138 : memref<10240x128xf32, #tpu.memory_space<vmem_shared>>) offsets(%dma_start3A_135 : memref<128xi32, #tpu.memory_space<vmem>>) semaphore(%arg12 : memref<!tpu.dma_semaphore, #tpu.memory_space<semaphore_mem>>) {add = true}
        %mul3A_139 = arith.constant 2 : i32
        %mul3A_140 = arith.muli %scan3A_107, %mul3A_139 : i32
        %add3A_141 = arith.constant 1 : i32
        %add3A_142 = arith.addi %mul3A_140, %add3A_141 : i32
        %add3A_143 = arith.constant 1 : i32
        %add3A_144 = arith.addi %add3A_142, %add3A_143 : i32
        %lt3A_145 = arith.constant 8 : i32
        %lt3A_146 = arith.cmpi slt, %add3A_144, %lt3A_145 : i32
        %convert_element_type3A_147 = arith.extui %lt3A_146 : i1 to i32
        %cond3A_148 = arith.constant 0 : i32
        %cond3A_149 = arith.cmpi ne, %convert_element_type3A_147, %cond3A_148 : i32
        scf.if %cond3A_149 {
          %dma_wait3A_173 = arith.constant 0 : i32
          %dma_wait3A_174 = arith.constant 0 : i32
          %dma_wait3A_175 = arith.constant 0 : i32
          %dma_wait3A_176 = arith.constant 0 : i32
          %dma_wait3A_177 = tpu.memref_slice %arg8[%dma_wait3A_173, %dma_wait3A_175, %dma_wait3A_176] : memref<2x128x128xf32, #tpu.memory_space<vmem>> -> memref<1x128x128xf32, #tpu.memory_space<vmem>>
          %dma_wait3A_178 = tpu.memref_squeeze %dma_wait3A_177 : memref<1x128x128xf32, #tpu.memory_space<vmem>> -> memref<128x128xf32, #tpu.memory_space<vmem>>
          %dma_wait3A_179 = arith.constant 0 : i32
          %dma_wait3A_180 = tpu.memref_slice %arg7[%dma_wait3A_174, %dma_wait3A_179] : memref<8x128xi32, #tpu.memory_space<vmem>> -> memref<1x128xi32, #tpu.memory_space<vmem>>
          %dma_wait3A_181 = tpu.memref_squeeze %dma_wait3A_180 : memref<1x128xi32, #tpu.memory_space<vmem>> -> memref<128xi32, #tpu.memory_space<vmem>>
          %dma_wait3A_182 = arith.constant 0 : i32
          %dma_wait3A_183 = arith.constant 0 : i32
          %dma_wait3A_184 = tpu.memref_slice %arg9[%dma_wait3A_182, %dma_wait3A_183] : memref<10240x128xf32, #tpu.memory_space<vmem_shared>> -> memref<10240x128xf32, #tpu.memory_space<vmem_shared>>
          tpu.wait_indirect_dma semaphore(%arg12 : memref<!tpu.dma_semaphore, #tpu.memory_space<semaphore_mem>>) src(%dma_wait3A_178 : memref<128x128xf32, #tpu.memory_space<vmem>>) dst(%dma_wait3A_184 : memref<10240x128xf32, #tpu.memory_space<vmem_shared>>)
          %dma_start3A_185 = arith.constant 0 : i32
          %dma_start3A_186 = arith.constant 0 : i32
          %dma_start3A_187 = arith.constant 0 : i32
          %dma_start3A_188 = tpu.memref_slice %arg8[%dma_start3A_185, %dma_start3A_186, %dma_start3A_187] : memref<2x128x128xf32, #tpu.memory_space<vmem>> -> memref<1x128x128xf32, #tpu.memory_space<vmem>>
          %dma_start3A_189 = tpu.memref_squeeze %dma_start3A_188 : memref<1x128x128xf32, #tpu.memory_space<vmem>> -> memref<128x128xf32, #tpu.memory_space<vmem>>
          %dma_start3A_190 = arith.constant 0 : i32
          %dma_start3A_191 = tpu.memref_slice %arg6[%add3A_144, %dma_start3A_190] : memref<8x128xi32, #tpu.memory_space<vmem>> -> memref<1x128xi32, #tpu.memory_space<vmem>>
          %dma_start3A_192 = tpu.memref_squeeze %dma_start3A_191 : memref<1x128xi32, #tpu.memory_space<vmem>> -> memref<128xi32, #tpu.memory_space<vmem>>
          %dma_start3A_193 = arith.constant 0 : i32
          %dma_start3A_194 = arith.constant 0 : i32
          %dma_start3A_195 = tpu.memref_slice %arg4[%dma_start3A_193, %dma_start3A_194] : memref<10000x128xf32, #tpu.memory_space<hbm>> -> memref<10000x128xf32, #tpu.memory_space<hbm>>
          tpu.enqueue_indirect_dma source(%dma_start3A_195 : memref<10000x128xf32, #tpu.memory_space<hbm>>) target(%dma_start3A_189 : memref<128x128xf32, #tpu.memory_space<vmem>>) offsets(%dma_start3A_192 : memref<128xi32, #tpu.memory_space<vmem>>) semaphore(%arg10 : memref<!tpu.dma_semaphore, #tpu.memory_space<semaphore_mem>>)
        } else {
        }
        %dma_wait3A_150 = arith.constant 1 : i32
        %dma_wait3A_151 = arith.constant 0 : i32
        %dma_wait3A_152 = arith.constant 0 : i32
        %dma_wait3A_153 = tpu.memref_slice %arg8[%dma_wait3A_150, %dma_wait3A_151, %dma_wait3A_152] : memref<2x128x128xf32, #tpu.memory_space<vmem>> -> memref<1x128x128xf32, #tpu.memory_space<vmem>>
        %dma_wait3A_154 = tpu.memref_squeeze %dma_wait3A_153 : memref<1x128x128xf32, #tpu.memory_space<vmem>> -> memref<128x128xf32, #tpu.memory_space<vmem>>
        %dma_wait3A_155 = arith.constant 0 : i32
        %dma_wait3A_156 = tpu.memref_slice %arg6[%add3A_142, %dma_wait3A_155] : memref<8x128xi32, #tpu.memory_space<vmem>> -> memref<1x128xi32, #tpu.memory_space<vmem>>
        %dma_wait3A_157 = tpu.memref_squeeze %dma_wait3A_156 : memref<1x128xi32, #tpu.memory_space<vmem>> -> memref<128xi32, #tpu.memory_space<vmem>>
        %dma_wait3A_158 = arith.constant 0 : i32
        %dma_wait3A_159 = arith.constant 0 : i32
        %dma_wait3A_160 = tpu.memref_slice %arg4[%dma_wait3A_158, %dma_wait3A_159] : memref<10000x128xf32, #tpu.memory_space<hbm>> -> memref<10000x128xf32, #tpu.memory_space<hbm>>
        tpu.wait_indirect_dma semaphore(%arg11 : memref<!tpu.dma_semaphore, #tpu.memory_space<semaphore_mem>>) src(%dma_wait3A_160 : memref<10000x128xf32, #tpu.memory_space<hbm>>) dst(%dma_wait3A_154 : memref<128x128xf32, #tpu.memory_space<vmem>>)
        %dma_start3A_161 = arith.constant 1 : i32
        %dma_start3A_162 = arith.constant 0 : i32
        %dma_start3A_163 = arith.constant 0 : i32
        %dma_start3A_164 = tpu.memref_slice %arg8[%dma_start3A_161, %dma_start3A_162, %dma_start3A_163] : memref<2x128x128xf32, #tpu.memory_space<vmem>> -> memref<1x128x128xf32, #tpu.memory_space<vmem>>
        %dma_start3A_165 = tpu.memref_squeeze %dma_start3A_164 : memref<1x128x128xf32, #tpu.memory_space<vmem>> -> memref<128x128xf32, #tpu.memory_space<vmem>>
        %dma_start3A_166 = arith.constant 0 : i32
        %dma_start3A_167 = tpu.memref_slice %arg7[%add3A_142, %dma_start3A_166] : memref<8x128xi32, #tpu.memory_space<vmem>> -> memref<1x128xi32, #tpu.memory_space<vmem>>
        %dma_start3A_168 = tpu.memref_squeeze %dma_start3A_167 : memref<1x128xi32, #tpu.memory_space<vmem>> -> memref<128xi32, #tpu.memory_space<vmem>>
        %dma_start3A_169 = arith.constant 0 : i32
        %dma_start3A_170 = arith.constant 0 : i32
        %dma_start3A_171 = tpu.memref_slice %arg9[%dma_start3A_169, %dma_start3A_170] : memref<10240x128xf32, #tpu.memory_space<vmem_shared>> -> memref<10240x128xf32, #tpu.memory_space<vmem_shared>>
        tpu.enqueue_indirect_dma source(%dma_start3A_165 : memref<128x128xf32, #tpu.memory_space<vmem>>) target(%dma_start3A_171 : memref<10240x128xf32, #tpu.memory_space<vmem_shared>>) offsets(%dma_start3A_168 : memref<128xi32, #tpu.memory_space<vmem>>) semaphore(%arg13 : memref<!tpu.dma_semaphore, #tpu.memory_space<semaphore_mem>>) {add = true}
        %scan3A_172 = arith.constant 0 : i32
        scf.yield %scan3A_172 : i32
      }
      %scan3A_82 = arith.constant 4 : i32
      %dma_wait3A = arith.constant 0 : i32
      %dma_wait3A_83 = arith.constant 0 : i32
      %dma_wait3A_84 = arith.constant 0 : i32
      %dma_wait3A_85 = arith.constant 0 : i32
      %dma_wait3A_86 = tpu.memref_slice %arg8[%dma_wait3A, %dma_wait3A_84, %dma_wait3A_85] : memref<2x128x128xf32, #tpu.memory_space<vmem>> -> memref<1x128x128xf32, #tpu.memory_space<vmem>>
      %dma_wait3A_87 = tpu.memref_squeeze %dma_wait3A_86 : memref<1x128x128xf32, #tpu.memory_space<vmem>> -> memref<128x128xf32, #tpu.memory_space<vmem>>
      %dma_wait3A_88 = arith.constant 0 : i32
      %dma_wait3A_89 = tpu.memref_slice %arg7[%dma_wait3A_83, %dma_wait3A_88] : memref<8x128xi32, #tpu.memory_space<vmem>> -> memref<1x128xi32, #tpu.memory_space<vmem>>
      %dma_wait3A_90 = tpu.memref_squeeze %dma_wait3A_89 : memref<1x128xi32, #tpu.memory_space<vmem>> -> memref<128xi32, #tpu.memory_space<vmem>>
      %dma_wait3A_91 = arith.constant 0 : i32
      %dma_wait3A_92 = arith.constant 0 : i32
      %dma_wait3A_93 = tpu.memref_slice %arg9[%dma_wait3A_91, %dma_wait3A_92] : memref<10240x128xf32, #tpu.memory_space<vmem_shared>> -> memref<10240x128xf32, #tpu.memory_space<vmem_shared>>
      tpu.wait_indirect_dma semaphore(%arg12 : memref<!tpu.dma_semaphore, #tpu.memory_space<semaphore_mem>>) src(%dma_wait3A_87 : memref<128x128xf32, #tpu.memory_space<vmem>>) dst(%dma_wait3A_93 : memref<10240x128xf32, #tpu.memory_space<vmem_shared>>)
      %dma_wait3A_94 = arith.constant 1 : i32
      %dma_wait3A_95 = arith.constant 0 : i32
      %dma_wait3A_96 = arith.constant 0 : i32
      %dma_wait3A_97 = arith.constant 0 : i32
      %dma_wait3A_98 = tpu.memref_slice %arg8[%dma_wait3A_94, %dma_wait3A_96, %dma_wait3A_97] : memref<2x128x128xf32, #tpu.memory_space<vmem>> -> memref<1x128x128xf32, #tpu.memory_space<vmem>>
      %dma_wait3A_99 = tpu.memref_squeeze %dma_wait3A_98 : memref<1x128x128xf32, #tpu.memory_space<vmem>> -> memref<128x128xf32, #tpu.memory_space<vmem>>
      %dma_wait3A_100 = arith.constant 0 : i32
      %dma_wait3A_101 = tpu.memref_slice %arg7[%dma_wait3A_95, %dma_wait3A_100] : memref<8x128xi32, #tpu.memory_space<vmem>> -> memref<1x128xi32, #tpu.memory_space<vmem>>
      %dma_wait3A_102 = tpu.memref_squeeze %dma_wait3A_101 : memref<1x128xi32, #tpu.memory_space<vmem>> -> memref<128xi32, #tpu.memory_space<vmem>>
      %dma_wait3A_103 = arith.constant 0 : i32
      %dma_wait3A_104 = arith.constant 0 : i32
      %dma_wait3A_105 = tpu.memref_slice %arg9[%dma_wait3A_103, %dma_wait3A_104] : memref<10240x128xf32, #tpu.memory_space<vmem_shared>> -> memref<10240x128xf32, #tpu.memory_space<vmem_shared>>
      tpu.wait_indirect_dma semaphore(%arg13 : memref<!tpu.dma_semaphore, #tpu.memory_space<semaphore_mem>>) src(%dma_wait3A_99 : memref<128x128xf32, #tpu.memory_space<vmem>>) dst(%dma_wait3A_105 : memref<10240x128xf32, #tpu.memory_space<vmem_shared>>)
      %while3A_106 = arith.constant 0 : i32
      scf.yield %while3A_106 : i32
    }
    %while3A_49 = arith.constant 1 : i32
    %while3A_50 = scf.for %while3A_60 = %while3A_46 to %while3A_42 step %while3A_49 iter_args(%while3A_61 = %while3A_48) -> (i32)  : i32 {
      %mul3A_62 = arith.constant 8 : i32
      %mul3A_63 = arith.muli %while3A_60, %mul3A_62 : i32
      %add3A_64 = arith.addi %add3A, %mul3A_63 : i32
      "tpu.region"() ({
        %run_scoped3A = tpu.sem_alloc : memref<!tpu.dma_semaphore, #tpu.memory_space<semaphore_mem>>
        %dma_start3A_107 = arith.constant 0 : i32
        %dma_start3A_108 = tpu.memref_slice %arg2[%add3A_64, %dma_start3A_107] : memref<2560x128xi32, #tpu.memory_space<hbm>> -> memref<8x128xi32, #tpu.memory_space<hbm>>
        %dma_start3A_109 = arith.constant 0 : i32
        %dma_start3A_110 = tpu.memref_slice %arg2[%add3A_64, %dma_start3A_109] : memref<2560x128xi32, #tpu.memory_space<hbm>> -> memref<8x128xi32, #tpu.memory_space<hbm>>
        tpu.enqueue_dma source(%dma_start3A_110 : memref<8x128xi32, #tpu.memory_space<hbm>>) target(%arg6 : memref<8x128xi32, #tpu.memory_space<vmem>>) target_semaphore(%run_scoped3A : memref<!tpu.dma_semaphore, #tpu.memory_space<semaphore_mem>>)
        %dma_wait3A_111 = arith.constant 0 : i32
        %dma_wait3A_112 = tpu.memref_slice %arg2[%add3A_64, %dma_wait3A_111] : memref<2560x128xi32, #tpu.memory_space<hbm>> -> memref<8x128xi32, #tpu.memory_space<hbm>>
        %dma_wait3A_113 = arith.constant 0 : i32
        %dma_wait3A_114 = tpu.memref_slice %arg2[%add3A_64, %dma_wait3A_113] : memref<2560x128xi32, #tpu.memory_space<hbm>> -> memref<8x128xi32, #tpu.memory_space<hbm>>
        tpu.wait_dma2 semaphore(%run_scoped3A : memref<!tpu.dma_semaphore, #tpu.memory_space<semaphore_mem>>) src(%dma_wait3A_114 : memref<8x128xi32, #tpu.memory_space<hbm>>) dst(%arg6 : memref<8x128xi32, #tpu.memory_space<vmem>>)
        tpu.yield
      }) : () -> ()
      "tpu.region"() ({
        %run_scoped3A = tpu.sem_alloc : memref<!tpu.dma_semaphore, #tpu.memory_space<semaphore_mem>>
        %dma_start3A_107 = arith.constant 0 : i32
        %dma_start3A_108 = tpu.memref_slice %arg3[%add3A_64, %dma_start3A_107] : memref<2560x128xi32, #tpu.memory_space<hbm>> -> memref<8x128xi32, #tpu.memory_space<hbm>>
        %dma_start3A_109 = arith.constant 0 : i32
        %dma_start3A_110 = tpu.memref_slice %arg3[%add3A_64, %dma_start3A_109] : memref<2560x128xi32, #tpu.memory_space<hbm>> -> memref<8x128xi32, #tpu.memory_space<hbm>>
        tpu.enqueue_dma source(%dma_start3A_110 : memref<8x128xi32, #tpu.memory_space<hbm>>) target(%arg7 : memref<8x128xi32, #tpu.memory_space<vmem>>) target_semaphore(%run_scoped3A : memref<!tpu.dma_semaphore, #tpu.memory_space<semaphore_mem>>)
        %dma_wait3A_111 = arith.constant 0 : i32
        %dma_wait3A_112 = tpu.memref_slice %arg3[%add3A_64, %dma_wait3A_111] : memref<2560x128xi32, #tpu.memory_space<hbm>> -> memref<8x128xi32, #tpu.memory_space<hbm>>
        %dma_wait3A_113 = arith.constant 0 : i32
        %dma_wait3A_114 = tpu.memref_slice %arg3[%add3A_64, %dma_wait3A_113] : memref<2560x128xi32, #tpu.memory_space<hbm>> -> memref<8x128xi32, #tpu.memory_space<hbm>>
        tpu.wait_dma2 semaphore(%run_scoped3A : memref<!tpu.dma_semaphore, #tpu.memory_space<semaphore_mem>>) src(%dma_wait3A_114 : memref<8x128xi32, #tpu.memory_space<hbm>>) dst(%arg7 : memref<8x128xi32, #tpu.memory_space<vmem>>)
        tpu.yield
      }) : () -> ()
      %dma_start3A = arith.constant 0 : i32
      %dma_start3A_65 = arith.constant 0 : i32
      %dma_start3A_66 = arith.constant 0 : i32
      %dma_start3A_67 = arith.constant 0 : i32
      %dma_start3A_68 = tpu.memref_slice %arg8[%dma_start3A_65, %dma_start3A_66, %dma_start3A_67] : memref<2x128x128xf32, #tpu.memory_space<vmem>> -> memref<1x128x128xf32, #tpu.memory_space<vmem>>
      %dma_start3A_69 = tpu.memref_squeeze %dma_start3A_68 : memref<1x128x128xf32, #tpu.memory_space<vmem>> -> memref<128x128xf32, #tpu.memory_space<vmem>>
      %dma_start3A_70 = arith.constant 0 : i32
      %dma_start3A_71 = tpu.memref_slice %arg6[%dma_start3A, %dma_start3A_70] : memref<8x128xi32, #tpu.memory_space<vmem>> -> memref<1x128xi32, #tpu.memory_space<vmem>>
      %dma_start3A_72 = tpu.memref_squeeze %dma_start3A_71 : memref<1x128xi32, #tpu.memory_space<vmem>> -> memref<128xi32, #tpu.memory_space<vmem>>
      %dma_start3A_73 = arith.constant 0 : i32
      %dma_start3A_74 = arith.constant 0 : i32
      %dma_start3A_75 = tpu.memref_slice %arg4[%dma_start3A_73, %dma_start3A_74] : memref<10000x128xf32, #tpu.memory_space<hbm>> -> memref<10000x128xf32, #tpu.memory_space<hbm>>
      tpu.enqueue_indirect_dma source(%dma_start3A_75 : memref<10000x128xf32, #tpu.memory_space<hbm>>) target(%dma_start3A_69 : memref<128x128xf32, #tpu.memory_space<vmem>>) offsets(%dma_start3A_72 : memref<128xi32, #tpu.memory_space<vmem>>) semaphore(%arg10 : memref<!tpu.dma_semaphore, #tpu.memory_space<semaphore_mem>>)
      %scan3A_76 = arith.constant 0 : i32
      %scan3A_77 = arith.constant 0 : i32
      %scan3A_78 = arith.constant 4 : i32
      %scan3A_79 = arith.addi %scan3A_77, %scan3A_78 : i32
      %scan3A_80 = arith.constant 1 : i32
      %scan3A_81 = scf.for %scan3A_107 = %scan3A_77 to %scan3A_79 step %scan3A_80 iter_args(%scan3A_108 = %scan3A_76) -> (i32)  : i32 {
        %mul3A_109 = arith.constant 2 : i32
        %mul3A_110 = arith.muli %scan3A_107, %mul3A_109 : i32
        %add3A_111 = arith.constant 0 : i32
        %add3A_112 = arith.addi %mul3A_110, %add3A_111 : i32
        %add3A_113 = arith.constant 1 : i32
        %add3A_114 = arith.addi %add3A_112, %add3A_113 : i32
        %lt3A = arith.constant 8 : i32
        %lt3A_115 = arith.cmpi slt, %add3A_114, %lt3A : i32
        %convert_element_type3A = arith.extui %lt3A_115 : i1 to i32
        %cond3A = arith.constant 0 : i32
        %cond3A_116 = arith.cmpi ne, %convert_element_type3A, %cond3A : i32
        scf.if %cond3A_116 {
          %ge3A = arith.constant 1 : i32
          %ge3A_173 = arith.cmpi sge, %scan3A_107, %ge3A : i32
          %convert_element_type3A_174 = arith.extui %ge3A_173 : i1 to i32
          %cond3A_175 = arith.constant 0 : i32
          %cond3A_176 = arith.cmpi ne, %convert_element_type3A_174, %cond3A_175 : i32
          scf.if %cond3A_176 {
            %dma_wait3A_188 = arith.constant 1 : i32
            %dma_wait3A_189 = arith.constant 0 : i32
            %dma_wait3A_190 = arith.constant 0 : i32
            %dma_wait3A_191 = arith.constant 0 : i32
            %dma_wait3A_192 = tpu.memref_slice %arg8[%dma_wait3A_188, %dma_wait3A_190, %dma_wait3A_191] : memref<2x128x128xf32, #tpu.memory_space<vmem>> -> memref<1x128x128xf32, #tpu.memory_space<vmem>>
            %dma_wait3A_193 = tpu.memref_squeeze %dma_wait3A_192 : memref<1x128x128xf32, #tpu.memory_space<vmem>> -> memref<128x128xf32, #tpu.memory_space<vmem>>
            %dma_wait3A_194 = arith.constant 0 : i32
            %dma_wait3A_195 = tpu.memref_slice %arg7[%dma_wait3A_189, %dma_wait3A_194] : memref<8x128xi32, #tpu.memory_space<vmem>> -> memref<1x128xi32, #tpu.memory_space<vmem>>
            %dma_wait3A_196 = tpu.memref_squeeze %dma_wait3A_195 : memref<1x128xi32, #tpu.memory_space<vmem>> -> memref<128xi32, #tpu.memory_space<vmem>>
            %dma_wait3A_197 = arith.constant 0 : i32
            %dma_wait3A_198 = arith.constant 0 : i32
            %dma_wait3A_199 = tpu.memref_slice %arg9[%dma_wait3A_197, %dma_wait3A_198] : memref<10240x128xf32, #tpu.memory_space<vmem_shared>> -> memref<10240x128xf32, #tpu.memory_space<vmem_shared>>
            tpu.wait_indirect_dma semaphore(%arg13 : memref<!tpu.dma_semaphore, #tpu.memory_space<semaphore_mem>>) src(%dma_wait3A_193 : memref<128x128xf32, #tpu.memory_space<vmem>>) dst(%dma_wait3A_199 : memref<10240x128xf32, #tpu.memory_space<vmem_shared>>)
          } else {
          }
          %dma_start3A_177 = arith.constant 1 : i32
          %dma_start3A_178 = arith.constant 0 : i32
          %dma_start3A_179 = arith.constant 0 : i32
          %dma_start3A_180 = tpu.memref_slice %arg8[%dma_start3A_177, %dma_start3A_178, %dma_start3A_179] : memref<2x128x128xf32, #tpu.memory_space<vmem>> -> memref<1x128x128xf32, #tpu.memory_space<vmem>>
          %dma_start3A_181 = tpu.memref_squeeze %dma_start3A_180 : memref<1x128x128xf32, #tpu.memory_space<vmem>> -> memref<128x128xf32, #tpu.memory_space<vmem>>
          %dma_start3A_182 = arith.constant 0 : i32
          %dma_start3A_183 = tpu.memref_slice %arg6[%add3A_114, %dma_start3A_182] : memref<8x128xi32, #tpu.memory_space<vmem>> -> memref<1x128xi32, #tpu.memory_space<vmem>>
          %dma_start3A_184 = tpu.memref_squeeze %dma_start3A_183 : memref<1x128xi32, #tpu.memory_space<vmem>> -> memref<128xi32, #tpu.memory_space<vmem>>
          %dma_start3A_185 = arith.constant 0 : i32
          %dma_start3A_186 = arith.constant 0 : i32
          %dma_start3A_187 = tpu.memref_slice %arg4[%dma_start3A_185, %dma_start3A_186] : memref<10000x128xf32, #tpu.memory_space<hbm>> -> memref<10000x128xf32, #tpu.memory_space<hbm>>
          tpu.enqueue_indirect_dma source(%dma_start3A_187 : memref<10000x128xf32, #tpu.memory_space<hbm>>) target(%dma_start3A_181 : memref<128x128xf32, #tpu.memory_space<vmem>>) offsets(%dma_start3A_184 : memref<128xi32, #tpu.memory_space<vmem>>) semaphore(%arg11 : memref<!tpu.dma_semaphore, #tpu.memory_space<semaphore_mem>>)
        } else {
        }
        %dma_wait3A_117 = arith.constant 0 : i32
        %dma_wait3A_118 = arith.constant 0 : i32
        %dma_wait3A_119 = arith.constant 0 : i32
        %dma_wait3A_120 = tpu.memref_slice %arg8[%dma_wait3A_117, %dma_wait3A_118, %dma_wait3A_119] : memref<2x128x128xf32, #tpu.memory_space<vmem>> -> memref<1x128x128xf32, #tpu.memory_space<vmem>>
        %dma_wait3A_121 = tpu.memref_squeeze %dma_wait3A_120 : memref<1x128x128xf32, #tpu.memory_space<vmem>> -> memref<128x128xf32, #tpu.memory_space<vmem>>
        %dma_wait3A_122 = arith.constant 0 : i32
        %dma_wait3A_123 = tpu.memref_slice %arg6[%add3A_112, %dma_wait3A_122] : memref<8x128xi32, #tpu.memory_space<vmem>> -> memref<1x128xi32, #tpu.memory_space<vmem>>
        %dma_wait3A_124 = tpu.memref_squeeze %dma_wait3A_123 : memref<1x128xi32, #tpu.memory_space<vmem>> -> memref<128xi32, #tpu.memory_space<vmem>>
        %dma_wait3A_125 = arith.constant 0 : i32
        %dma_wait3A_126 = arith.constant 0 : i32
        %dma_wait3A_127 = tpu.memref_slice %arg4[%dma_wait3A_125, %dma_wait3A_126] : memref<10000x128xf32, #tpu.memory_space<hbm>> -> memref<10000x128xf32, #tpu.memory_space<hbm>>
        tpu.wait_indirect_dma semaphore(%arg10 : memref<!tpu.dma_semaphore, #tpu.memory_space<semaphore_mem>>) src(%dma_wait3A_127 : memref<10000x128xf32, #tpu.memory_space<hbm>>) dst(%dma_wait3A_121 : memref<128x128xf32, #tpu.memory_space<vmem>>)
        %dma_start3A_128 = arith.constant 0 : i32
        %dma_start3A_129 = arith.constant 0 : i32
        %dma_start3A_130 = arith.constant 0 : i32
        %dma_start3A_131 = tpu.memref_slice %arg8[%dma_start3A_128, %dma_start3A_129, %dma_start3A_130] : memref<2x128x128xf32, #tpu.memory_space<vmem>> -> memref<1x128x128xf32, #tpu.memory_space<vmem>>
        %dma_start3A_132 = tpu.memref_squeeze %dma_start3A_131 : memref<1x128x128xf32, #tpu.memory_space<vmem>> -> memref<128x128xf32, #tpu.memory_space<vmem>>
        %dma_start3A_133 = arith.constant 0 : i32
        %dma_start3A_134 = tpu.memref_slice %arg7[%add3A_112, %dma_start3A_133] : memref<8x128xi32, #tpu.memory_space<vmem>> -> memref<1x128xi32, #tpu.memory_space<vmem>>
        %dma_start3A_135 = tpu.memref_squeeze %dma_start3A_134 : memref<1x128xi32, #tpu.memory_space<vmem>> -> memref<128xi32, #tpu.memory_space<vmem>>
        %dma_start3A_136 = arith.constant 0 : i32
        %dma_start3A_137 = arith.constant 0 : i32
        %dma_start3A_138 = tpu.memref_slice %arg9[%dma_start3A_136, %dma_start3A_137] : memref<10240x128xf32, #tpu.memory_space<vmem_shared>> -> memref<10240x128xf32, #tpu.memory_space<vmem_shared>>
        tpu.enqueue_indirect_dma source(%dma_start3A_132 : memref<128x128xf32, #tpu.memory_space<vmem>>) target(%dma_start3A_138 : memref<10240x128xf32, #tpu.memory_space<vmem_shared>>) offsets(%dma_start3A_135 : memref<128xi32, #tpu.memory_space<vmem>>) semaphore(%arg12 : memref<!tpu.dma_semaphore, #tpu.memory_space<semaphore_mem>>) {add = true}
        %mul3A_139 = arith.constant 2 : i32
        %mul3A_140 = arith.muli %scan3A_107, %mul3A_139 : i32
        %add3A_141 = arith.constant 1 : i32
        %add3A_142 = arith.addi %mul3A_140, %add3A_141 : i32
        %add3A_143 = arith.constant 1 : i32
        %add3A_144 = arith.addi %add3A_142, %add3A_143 : i32
        %lt3A_145 = arith.constant 8 : i32
        %lt3A_146 = arith.cmpi slt, %add3A_144, %lt3A_145 : i32
        %convert_element_type3A_147 = arith.extui %lt3A_146 : i1 to i32
        %cond3A_148 = arith.constant 0 : i32
        %cond3A_149 = arith.cmpi ne, %convert_element_type3A_147, %cond3A_148 : i32
        scf.if %cond3A_149 {
          %dma_wait3A_173 = arith.constant 0 : i32
          %dma_wait3A_174 = arith.constant 0 : i32
          %dma_wait3A_175 = arith.constant 0 : i32
          %dma_wait3A_176 = arith.constant 0 : i32
          %dma_wait3A_177 = tpu.memref_slice %arg8[%dma_wait3A_173, %dma_wait3A_175, %dma_wait3A_176] : memref<2x128x128xf32, #tpu.memory_space<vmem>> -> memref<1x128x128xf32, #tpu.memory_space<vmem>>
          %dma_wait3A_178 = tpu.memref_squeeze %dma_wait3A_177 : memref<1x128x128xf32, #tpu.memory_space<vmem>> -> memref<128x128xf32, #tpu.memory_space<vmem>>
          %dma_wait3A_179 = arith.constant 0 : i32
          %dma_wait3A_180 = tpu.memref_slice %arg7[%dma_wait3A_174, %dma_wait3A_179] : memref<8x128xi32, #tpu.memory_space<vmem>> -> memref<1x128xi32, #tpu.memory_space<vmem>>
          %dma_wait3A_181 = tpu.memref_squeeze %dma_wait3A_180 : memref<1x128xi32, #tpu.memory_space<vmem>> -> memref<128xi32, #tpu.memory_space<vmem>>
          %dma_wait3A_182 = arith.constant 0 : i32
          %dma_wait3A_183 = arith.constant 0 : i32
          %dma_wait3A_184 = tpu.memref_slice %arg9[%dma_wait3A_182, %dma_wait3A_183] : memref<10240x128xf32, #tpu.memory_space<vmem_shared>> -> memref<10240x128xf32, #tpu.memory_space<vmem_shared>>
          tpu.wait_indirect_dma semaphore(%arg12 : memref<!tpu.dma_semaphore, #tpu.memory_space<semaphore_mem>>) src(%dma_wait3A_178 : memref<128x128xf32, #tpu.memory_space<vmem>>) dst(%dma_wait3A_184 : memref<10240x128xf32, #tpu.memory_space<vmem_shared>>)
          %dma_start3A_185 = arith.constant 0 : i32
          %dma_start3A_186 = arith.constant 0 : i32
          %dma_start3A_187 = arith.constant 0 : i32
          %dma_start3A_188 = tpu.memref_slice %arg8[%dma_start3A_185, %dma_start3A_186, %dma_start3A_187] : memref<2x128x128xf32, #tpu.memory_space<vmem>> -> memref<1x128x128xf32, #tpu.memory_space<vmem>>
          %dma_start3A_189 = tpu.memref_squeeze %dma_start3A_188 : memref<1x128x128xf32, #tpu.memory_space<vmem>> -> memref<128x128xf32, #tpu.memory_space<vmem>>
          %dma_start3A_190 = arith.constant 0 : i32
          %dma_start3A_191 = tpu.memref_slice %arg6[%add3A_144, %dma_start3A_190] : memref<8x128xi32, #tpu.memory_space<vmem>> -> memref<1x128xi32, #tpu.memory_space<vmem>>
          %dma_start3A_192 = tpu.memref_squeeze %dma_start3A_191 : memref<1x128xi32, #tpu.memory_space<vmem>> -> memref<128xi32, #tpu.memory_space<vmem>>
          %dma_start3A_193 = arith.constant 0 : i32
          %dma_start3A_194 = arith.constant 0 : i32
          %dma_start3A_195 = tpu.memref_slice %arg4[%dma_start3A_193, %dma_start3A_194] : memref<10000x128xf32, #tpu.memory_space<hbm>> -> memref<10000x128xf32, #tpu.memory_space<hbm>>
          tpu.enqueue_indirect_dma source(%dma_start3A_195 : memref<10000x128xf32, #tpu.memory_space<hbm>>) target(%dma_start3A_189 : memref<128x128xf32, #tpu.memory_space<vmem>>) offsets(%dma_start3A_192 : memref<128xi32, #tpu.memory_space<vmem>>) semaphore(%arg10 : memref<!tpu.dma_semaphore, #tpu.memory_space<semaphore_mem>>)
        } else {
        }
        %dma_wait3A_150 = arith.constant 1 : i32
        %dma_wait3A_151 = arith.constant 0 : i32
        %dma_wait3A_152 = arith.constant 0 : i32
        %dma_wait3A_153 = tpu.memref_slice %arg8[%dma_wait3A_150, %dma_wait3A_151, %dma_wait3A_152] : memref<2x128x128xf32, #tpu.memory_space<vmem>> -> memref<1x128x128xf32, #tpu.memory_space<vmem>>
        %dma_wait3A_154 = tpu.memref_squeeze %dma_wait3A_153 : memref<1x128x128xf32, #tpu.memory_space<vmem>> -> memref<128x128xf32, #tpu.memory_space<vmem>>
        %dma_wait3A_155 = arith.constant 0 : i32
        %dma_wait3A_156 = tpu.memref_slice %arg6[%add3A_142, %dma_wait3A_155] : memref<8x128xi32, #tpu.memory_space<vmem>> -> memref<1x128xi32, #tpu.memory_space<vmem>>
        %dma_wait3A_157 = tpu.memref_squeeze %dma_wait3A_156 : memref<1x128xi32, #tpu.memory_space<vmem>> -> memref<128xi32, #tpu.memory_space<vmem>>
        %dma_wait3A_158 = arith.constant 0 : i32
        %dma_wait3A_159 = arith.constant 0 : i32
        %dma_wait3A_160 = tpu.memref_slice %arg4[%dma_wait3A_158, %dma_wait3A_159] : memref<10000x128xf32, #tpu.memory_space<hbm>> -> memref<10000x128xf32, #tpu.memory_space<hbm>>
        tpu.wait_indirect_dma semaphore(%arg11 : memref<!tpu.dma_semaphore, #tpu.memory_space<semaphore_mem>>) src(%dma_wait3A_160 : memref<10000x128xf32, #tpu.memory_space<hbm>>) dst(%dma_wait3A_154 : memref<128x128xf32, #tpu.memory_space<vmem>>)
        %dma_start3A_161 = arith.constant 1 : i32
        %dma_start3A_162 = arith.constant 0 : i32
        %dma_start3A_163 = arith.constant 0 : i32
        %dma_start3A_164 = tpu.memref_slice %arg8[%dma_start3A_161, %dma_start3A_162, %dma_start3A_163] : memref<2x128x128xf32, #tpu.memory_space<vmem>> -> memref<1x128x128xf32, #tpu.memory_space<vmem>>
        %dma_start3A_165 = tpu.memref_squeeze %dma_start3A_164 : memref<1x128x128xf32, #tpu.memory_space<vmem>> -> memref<128x128xf32, #tpu.memory_space<vmem>>
        %dma_start3A_166 = arith.constant 0 : i32
        %dma_start3A_167 = tpu.memref_slice %arg7[%add3A_142, %dma_start3A_166] : memref<8x128xi32, #tpu.memory_space<vmem>> -> memref<1x128xi32, #tpu.memory_space<vmem>>
        %dma_start3A_168 = tpu.memref_squeeze %dma_start3A_167 : memref<1x128xi32, #tpu.memory_space<vmem>> -> memref<128xi32, #tpu.memory_space<vmem>>
        %dma_start3A_169 = arith.constant 0 : i32
        %dma_start3A_170 = arith.constant 0 : i32
        %dma_start3A_171 = tpu.memref_slice %arg9[%dma_start3A_169, %dma_start3A_170] : memref<10240x128xf32, #tpu.memory_space<vmem_shared>> -> memref<10240x128xf32, #tpu.memory_space<vmem_shared>>
        tpu.enqueue_indirect_dma source(%dma_start3A_165 : memref<128x128xf32, #tpu.memory_space<vmem>>) target(%dma_start3A_171 : memref<10240x128xf32, #tpu.memory_space<vmem_shared>>) offsets(%dma_start3A_168 : memref<128xi32, #tpu.memory_space<vmem>>) semaphore(%arg13 : memref<!tpu.dma_semaphore, #tpu.memory_space<semaphore_mem>>) {add = true}
        %scan3A_172 = arith.constant 0 : i32
        scf.yield %scan3A_172 : i32
      }
      %scan3A_82 = arith.constant 4 : i32
      %dma_wait3A = arith.constant 0 : i32
      %dma_wait3A_83 = arith.constant 0 : i32
      %dma_wait3A_84 = arith.constant 0 : i32
      %dma_wait3A_85 = arith.constant 0 : i32
      %dma_wait3A_86 = tpu.memref_slice %arg8[%dma_wait3A, %dma_wait3A_84, %dma_wait3A_85] : memref<2x128x128xf32, #tpu.memory_space<vmem>> -> memref<1x128x128xf32, #tpu.memory_space<vmem>>
      %dma_wait3A_87 = tpu.memref_squeeze %dma_wait3A_86 : memref<1x128x128xf32, #tpu.memory_space<vmem>> -> memref<128x128xf32, #tpu.memory_space<vmem>>
      %dma_wait3A_88 = arith.constant 0 : i32
      %dma_wait3A_89 = tpu.memref_slice %arg7[%dma_wait3A_83, %dma_wait3A_88] : memref<8x128xi32, #tpu.memory_space<vmem>> -> memref<1x128xi32, #tpu.memory_space<vmem>>
      %dma_wait3A_90 = tpu.memref_squeeze %dma_wait3A_89 : memref<1x128xi32, #tpu.memory_space<vmem>> -> memref<128xi32, #tpu.memory_space<vmem>>
      %dma_wait3A_91 = arith.constant 0 : i32
      %dma_wait3A_92 = arith.constant 0 : i32
      %dma_wait3A_93 = tpu.memref_slice %arg9[%dma_wait3A_91, %dma_wait3A_92] : memref<10240x128xf32, #tpu.memory_space<vmem_shared>> -> memref<10240x128xf32, #tpu.memory_space<vmem_shared>>
      tpu.wait_indirect_dma semaphore(%arg12 : memref<!tpu.dma_semaphore, #tpu.memory_space<semaphore_mem>>) src(%dma_wait3A_87 : memref<128x128xf32, #tpu.memory_space<vmem>>) dst(%dma_wait3A_93 : memref<10240x128xf32, #tpu.memory_space<vmem_shared>>)
      %dma_wait3A_94 = arith.constant 1 : i32
      %dma_wait3A_95 = arith.constant 0 : i32
      %dma_wait3A_96 = arith.constant 0 : i32
      %dma_wait3A_97 = arith.constant 0 : i32
      %dma_wait3A_98 = tpu.memref_slice %arg8[%dma_wait3A_94, %dma_wait3A_96, %dma_wait3A_97] : memref<2x128x128xf32, #tpu.memory_space<vmem>> -> memref<1x128x128xf32, #tpu.memory_space<vmem>>
      %dma_wait3A_99 = tpu.memref_squeeze %dma_wait3A_98 : memref<1x128x128xf32, #tpu.memory_space<vmem>> -> memref<128x128xf32, #tpu.memory_space<vmem>>
      %dma_wait3A_100 = arith.constant 0 : i32
      %dma_wait3A_101 = tpu.memref_slice %arg7[%dma_wait3A_95, %dma_wait3A_100] : memref<8x128xi32, #tpu.memory_space<vmem>> -> memref<1x128xi32, #tpu.memory_space<vmem>>
      %dma_wait3A_102 = tpu.memref_squeeze %dma_wait3A_101 : memref<1x128xi32, #tpu.memory_space<vmem>> -> memref<128xi32, #tpu.memory_space<vmem>>
      %dma_wait3A_103 = arith.constant 0 : i32
      %dma_wait3A_104 = arith.constant 0 : i32
      %dma_wait3A_105 = tpu.memref_slice %arg9[%dma_wait3A_103, %dma_wait3A_104] : memref<10240x128xf32, #tpu.memory_space<vmem_shared>> -> memref<10240x128xf32, #tpu.memory_space<vmem_shared>>
      tpu.wait_indirect_dma semaphore(%arg13 : memref<!tpu.dma_semaphore, #tpu.memory_space<semaphore_mem>>) src(%dma_wait3A_99 : memref<128x128xf32, #tpu.memory_space<vmem>>) dst(%dma_wait3A_105 : memref<10240x128xf32, #tpu.memory_space<vmem_shared>>)
      %while3A_106 = arith.constant 0 : i32
      scf.yield %while3A_106 : i32
    }
    %barrier3A_51 = arith.constant 0 : index
    tpu.barrier barrier_id(%barrier3A_51)
    %scan3A_52 = arith.constant 0 : i32
    %scan3A_53 = arith.constant 0 : i32
    %scan3A_54 = arith.constant 0 : i32
    %scan3A_55 = arith.constant 5 : i32
    %scan3A_56 = arith.addi %scan3A_54, %scan3A_55 : i32
    %scan3A_57 = arith.constant 1 : i32
    %scan3A_58 = scf.for %scan3A_60 = %scan3A_54 to %scan3A_56 step %scan3A_57 iter_args(%scan3A_61 = %scan3A_53) -> (i32)  : i32 {
      %mul3A_62 = arith.constant 128 : i32
      %mul3A_63 = arith.muli %scan3A_60, %mul3A_62 : i32
      %add3A_64 = arith.addi %mul3A_5, %mul3A_63 : i32
      "tpu.region"() ({
        %run_scoped3A = tpu.sem_alloc : memref<!tpu.dma_semaphore, #tpu.memory_space<semaphore_mem>>
        %dma_start3A = arith.constant 0 : i32
        %dma_start3A_69 = arith.constant 0 : i32
        %dma_start3A_70 = tpu.memref_slice %arg8[%scan3A_52, %dma_start3A, %dma_start3A_69] : memref<2x128x128xf32, #tpu.memory_space<vmem>> -> memref<1x128x128xf32, #tpu.memory_space<vmem>>
        %dma_start3A_71 = tpu.memref_squeeze %dma_start3A_70 : memref<1x128x128xf32, #tpu.memory_space<vmem>> -> memref<128x128xf32, #tpu.memory_space<vmem>>
        %dma_start3A_72 = arith.constant 0 : i32
        %dma_start3A_73 = tpu.memref_slice %arg9[%add3A_64, %dma_start3A_72] : memref<10240x128xf32, #tpu.memory_space<vmem_shared>> -> memref<128x128xf32, #tpu.memory_space<vmem_shared>>
        %dma_start3A_74 = arith.constant 0 : i32
        %dma_start3A_75 = arith.constant 0 : i32
        %dma_start3A_76 = tpu.memref_slice %arg8[%scan3A_52, %dma_start3A_74, %dma_start3A_75] : memref<2x128x128xf32, #tpu.memory_space<vmem>> -> memref<1x128x128xf32, #tpu.memory_space<vmem>>
        %dma_start3A_77 = tpu.memref_squeeze %dma_start3A_76 : memref<1x128x128xf32, #tpu.memory_space<vmem>> -> memref<128x128xf32, #tpu.memory_space<vmem>>
        %dma_start3A_78 = arith.constant 0 : i32
        %dma_start3A_79 = tpu.memref_slice %arg9[%add3A_64, %dma_start3A_78] : memref<10240x128xf32, #tpu.memory_space<vmem_shared>> -> memref<128x128xf32, #tpu.memory_space<vmem_shared>>
        tpu.enqueue_dma source(%dma_start3A_79 : memref<128x128xf32, #tpu.memory_space<vmem_shared>>) target(%dma_start3A_77 : memref<128x128xf32, #tpu.memory_space<vmem>>) target_semaphore(%run_scoped3A : memref<!tpu.dma_semaphore, #tpu.memory_space<semaphore_mem>>)
        %dma_wait3A = arith.constant 0 : i32
        %dma_wait3A_80 = arith.constant 0 : i32
        %dma_wait3A_81 = tpu.memref_slice %arg8[%scan3A_52, %dma_wait3A, %dma_wait3A_80] : memref<2x128x128xf32, #tpu.memory_space<vmem>> -> memref<1x128x128xf32, #tpu.memory_space<vmem>>
        %dma_wait3A_82 = tpu.memref_squeeze %dma_wait3A_81 : memref<1x128x128xf32, #tpu.memory_space<vmem>> -> memref<128x128xf32, #tpu.memory_space<vmem>>
        %dma_wait3A_83 = arith.constant 0 : i32
        %dma_wait3A_84 = tpu.memref_slice %arg9[%add3A_64, %dma_wait3A_83] : memref<10240x128xf32, #tpu.memory_space<vmem_shared>> -> memref<128x128xf32, #tpu.memory_space<vmem_shared>>
        %dma_wait3A_85 = arith.constant 0 : i32
        %dma_wait3A_86 = arith.constant 0 : i32
        %dma_wait3A_87 = tpu.memref_slice %arg8[%scan3A_52, %dma_wait3A_85, %dma_wait3A_86] : memref<2x128x128xf32, #tpu.memory_space<vmem>> -> memref<1x128x128xf32, #tpu.memory_space<vmem>>
        %dma_wait3A_88 = tpu.memref_squeeze %dma_wait3A_87 : memref<1x128x128xf32, #tpu.memory_space<vmem>> -> memref<128x128xf32, #tpu.memory_space<vmem>>
        %dma_wait3A_89 = arith.constant 0 : i32
        %dma_wait3A_90 = tpu.memref_slice %arg9[%add3A_64, %dma_wait3A_89] : memref<10240x128xf32, #tpu.memory_space<vmem_shared>> -> memref<128x128xf32, #tpu.memory_space<vmem_shared>>
        tpu.wait_dma2 semaphore(%run_scoped3A : memref<!tpu.dma_semaphore, #tpu.memory_space<semaphore_mem>>) src(%dma_wait3A_90 : memref<128x128xf32, #tpu.memory_space<vmem_shared>>) dst(%dma_wait3A_88 : memref<128x128xf32, #tpu.memory_space<vmem>>)
        tpu.yield
      }) : () -> ()
      %mul3A_65 = arith.constant 128 : i32
      %mul3A_66 = arith.muli %scan3A_60, %mul3A_65 : i32
      %add3A_67 = arith.addi %mul3A_5, %mul3A_66 : i32
      "tpu.region"() ({
        %run_scoped3A = tpu.sem_alloc : memref<!tpu.dma_semaphore, #tpu.memory_space<semaphore_mem>>
        %dma_start3A = arith.constant 0 : i32
        %dma_start3A_69 = arith.constant 0 : i32
        %dma_start3A_70 = tpu.memref_slice %arg8[%scan3A_52, %dma_start3A, %dma_start3A_69] : memref<2x128x128xf32, #tpu.memory_space<vmem>> -> memref<1x128x128xf32, #tpu.memory_space<vmem>>
        %dma_start3A_71 = tpu.memref_squeeze %dma_start3A_70 : memref<1x128x128xf32, #tpu.memory_space<vmem>> -> memref<128x128xf32, #tpu.memory_space<vmem>>
        %dma_start3A_72 = arith.constant 0 : i32
        %dma_start3A_73 = tpu.memref_slice %arg5[%arg0, %add3A_67, %dma_start3A_72] : memref<2x10240x128xf32, #tpu.memory_space<hbm>> -> memref<1x128x128xf32, #tpu.memory_space<hbm>>
        %dma_start3A_74 = tpu.memref_squeeze %dma_start3A_73 : memref<1x128x128xf32, #tpu.memory_space<hbm>> -> memref<128x128xf32, #tpu.memory_space<hbm>>
        %dma_start3A_75 = arith.constant 0 : i32
        %dma_start3A_76 = tpu.memref_slice %arg5[%arg0, %add3A_67, %dma_start3A_75] : memref<2x10240x128xf32, #tpu.memory_space<hbm>> -> memref<1x128x128xf32, #tpu.memory_space<hbm>>
        %dma_start3A_77 = tpu.memref_squeeze %dma_start3A_76 : memref<1x128x128xf32, #tpu.memory_space<hbm>> -> memref<128x128xf32, #tpu.memory_space<hbm>>
        %dma_start3A_78 = arith.constant 0 : i32
        %dma_start3A_79 = arith.constant 0 : i32
        %dma_start3A_80 = tpu.memref_slice %arg8[%scan3A_52, %dma_start3A_78, %dma_start3A_79] : memref<2x128x128xf32, #tpu.memory_space<vmem>> -> memref<1x128x128xf32, #tpu.memory_space<vmem>>
        %dma_start3A_81 = tpu.memref_squeeze %dma_start3A_80 : memref<1x128x128xf32, #tpu.memory_space<vmem>> -> memref<128x128xf32, #tpu.memory_space<vmem>>
        tpu.enqueue_dma source(%dma_start3A_81 : memref<128x128xf32, #tpu.memory_space<vmem>>) target(%dma_start3A_77 : memref<128x128xf32, #tpu.memory_space<hbm>>) target_semaphore(%run_scoped3A : memref<!tpu.dma_semaphore, #tpu.memory_space<semaphore_mem>>)
        %dma_wait3A = arith.constant 0 : i32
        %dma_wait3A_82 = arith.constant 0 : i32
        %dma_wait3A_83 = tpu.memref_slice %arg8[%scan3A_52, %dma_wait3A, %dma_wait3A_82] : memref<2x128x128xf32, #tpu.memory_space<vmem>> -> memref<1x128x128xf32, #tpu.memory_space<vmem>>
        %dma_wait3A_84 = tpu.memref_squeeze %dma_wait3A_83 : memref<1x128x128xf32, #tpu.memory_space<vmem>> -> memref<128x128xf32, #tpu.memory_space<vmem>>
        %dma_wait3A_85 = arith.constant 0 : i32
        %dma_wait3A_86 = tpu.memref_slice %arg5[%arg0, %add3A_67, %dma_wait3A_85] : memref<2x10240x128xf32, #tpu.memory_space<hbm>> -> memref<1x128x128xf32, #tpu.memory_space<hbm>>
        %dma_wait3A_87 = tpu.memref_squeeze %dma_wait3A_86 : memref<1x128x128xf32, #tpu.memory_space<hbm>> -> memref<128x128xf32, #tpu.memory_space<hbm>>
        %dma_wait3A_88 = arith.constant 0 : i32
        %dma_wait3A_89 = tpu.memref_slice %arg5[%arg0, %add3A_67, %dma_wait3A_88] : memref<2x10240x128xf32, #tpu.memory_space<hbm>> -> memref<1x128x128xf32, #tpu.memory_space<hbm>>
        %dma_wait3A_90 = tpu.memref_squeeze %dma_wait3A_89 : memref<1x128x128xf32, #tpu.memory_space<hbm>> -> memref<128x128xf32, #tpu.memory_space<hbm>>
        %dma_wait3A_91 = arith.constant 0 : i32
        %dma_wait3A_92 = arith.constant 0 : i32
        %dma_wait3A_93 = tpu.memref_slice %arg8[%scan3A_52, %dma_wait3A_91, %dma_wait3A_92] : memref<2x128x128xf32, #tpu.memory_space<vmem>> -> memref<1x128x128xf32, #tpu.memory_space<vmem>>
        %dma_wait3A_94 = tpu.memref_squeeze %dma_wait3A_93 : memref<1x128x128xf32, #tpu.memory_space<vmem>> -> memref<128x128xf32, #tpu.memory_space<vmem>>
        tpu.wait_dma2 semaphore(%run_scoped3A : memref<!tpu.dma_semaphore, #tpu.memory_space<semaphore_mem>>) src(%dma_wait3A_94 : memref<128x128xf32, #tpu.memory_space<vmem>>) dst(%dma_wait3A_90 : memref<128x128xf32, #tpu.memory_space<hbm>>)
        tpu.yield
      }) : () -> ()
      %scan3A_68 = arith.constant 0 : i32
      scf.yield %scan3A_68 : i32
    }
    %scan3A_59 = arith.constant 5 : i32
    return
  }
}

module attributes {stable_mosaic.version = 14 : i64} {
  func.func @body(%arg0: i32, %arg1: memref<1000x128xf32, #tpu.memory_space<vmem>>, %arg2: memref<128x128xf32, #tpu.memory_space<vmem>>, %arg3: memref<128x128xf32, #tpu.memory_space<vmem>>, %arg4: memref<1x128xf32, #tpu.memory_space<vmem>>, %arg5: memref<1000x128xf32, #tpu.memory_space<vmem>>, %arg6: memref<1000x128xf32, #tpu.memory_space<vmem>>) attributes {dimension_semantics = [#tpu.dimension_semantics<arbitrary>], iteration_bounds = array<i64: 10>, scalar_prefetch = 0 : i64, scratch_operands = 0 : i64, tpu.core_type = #tpu.core_type<tc>, window_params = [{transform_indices = @transform_0, window_bounds = array<i64: 1000, 128>}, {pipeline_mode = #tpu.pipeline_mode<synchronous>, transform_indices = @transform_1, window_bounds = array<i64: 128, 128>}, {pipeline_mode = #tpu.pipeline_mode<synchronous>, transform_indices = @transform_2, window_bounds = array<i64: 128, 128>}, {pipeline_mode = #tpu.pipeline_mode<synchronous>, transform_indices = @transform_3, window_bounds = array<i64: 1, 128>}, {transform_indices = @transform_4, window_bounds = array<i64: 1000, 128>}, {transform_indices = @transform_5, window_bounds = array<i64: 1000, 128>}]} {
    %get3A = arith.constant 0 : index
    %get3A_0 = arith.constant 0 : index
    %get3A_1 = vector.load %arg1[%get3A, %get3A_0] : memref<1000x128xf32, #tpu.memory_space<vmem>>, vector<1000x128xf32>
    %get3A_2 = arith.constant 0 : index
    %get3A_3 = arith.constant 0 : index
    %get3A_4 = vector.load %arg2[%get3A_2, %get3A_3] : memref<128x128xf32, #tpu.memory_space<vmem>>, vector<128x128xf32>
    %dot_general3A = arith.constant dense<0.000000e+00> : vector<1000x128xf32>
    %dot_general3A_5 = tpu.matmul %get3A_1, %get3A_4, %dot_general3A {dimension_numbers = #tpu.dot_dimension_numbers<[1], [1], [0], [0], [0, 0, 1, 0], [], []>, transpose_lhs_hint = false} : vector<1000x128xf32>, vector<128x128xf32>, vector<1000x128xf32> -> vector<1000x128xf32>
    %swap3A = arith.constant 0 : index
    %swap3A_6 = arith.constant 0 : index
    %swap3A_7 = vector.load %arg5[%swap3A, %swap3A_6] : memref<1000x128xf32, #tpu.memory_space<vmem>>, vector<1000x128xf32>
    tpu.vector_store %arg5[%swap3A, %swap3A_6], %dot_general3A_5 {strides = array<i32>} : memref<1000x128xf32, #tpu.memory_space<vmem>>, vector<1000x128xf32>,
    %get3A_8 = arith.constant 0 : index
    %get3A_9 = arith.constant 0 : index
    %get3A_10 = vector.load %arg3[%get3A_8, %get3A_9] : memref<128x128xf32, #tpu.memory_space<vmem>>, vector<128x128xf32>
    %dot_general3A_11 = arith.constant dense<0.000000e+00> : vector<1000x128xf32>
    %dot_general3A_12 = tpu.matmul %get3A_1, %get3A_10, %dot_general3A_11 {dimension_numbers = #tpu.dot_dimension_numbers<[1], [1], [0], [0], [0, 0, 1, 0], [], []>, transpose_lhs_hint = false} : vector<1000x128xf32>, vector<128x128xf32>, vector<1000x128xf32> -> vector<1000x128xf32>
    %get3A_13 = arith.constant 0 : index
    %get3A_14 = arith.constant 0 : index
    %get3A_15 = vector.load %arg4[%get3A_13, %get3A_14] : memref<1x128xf32, #tpu.memory_space<vmem>>, vector<1x128xf32>
    %add3A = vector.broadcast %get3A_15 : vector<1x128xf32> to vector<1000x128xf32>
    %add3A_16 = arith.addf %dot_general3A_12, %add3A : vector<1000x128xf32>
    %swap3A_17 = arith.constant 0 : index
    %swap3A_18 = arith.constant 0 : index
    %swap3A_19 = vector.load %arg6[%swap3A_17, %swap3A_18] : memref<1000x128xf32, #tpu.memory_space<vmem>>, vector<1000x128xf32>
    tpu.vector_store %arg6[%swap3A_17, %swap3A_18], %add3A_16 {strides = array<i32>} : memref<1000x128xf32, #tpu.memory_space<vmem>>, vector<1000x128xf32>,
    return
  }
  func.func @transform_0(%arg0: i32) -> (i32, i32) {
    %c0_i32 = arith.constant 0 : i32
    %c0_i32_0 = arith.constant 0 : i32
    return %arg0, %c0_i32 : i32, i32
  }
  func.func @transform_1(%arg0: i32) -> (i32, i32) {
    %c0_i32 = arith.constant 0 : i32
    %c0_i32_0 = arith.constant 0 : i32
    %c0_i32_1 = arith.constant 0 : i32
    return %c0_i32, %c0_i32_0 : i32, i32
  }
  func.func @transform_2(%arg0: i32) -> (i32, i32) {
    %c0_i32 = arith.constant 0 : i32
    %c0_i32_0 = arith.constant 0 : i32
    %c0_i32_1 = arith.constant 0 : i32
    return %c0_i32, %c0_i32_0 : i32, i32
  }
  func.func @transform_3(%arg0: i32) -> (i32, i32) {
    %c0_i32 = arith.constant 0 : i32
    %c0_i32_0 = arith.constant 0 : i32
    %c0_i32_1 = arith.constant 0 : i32
    return %c0_i32, %c0_i32_0 : i32, i32
  }
  func.func @transform_4(%arg0: i32) -> (i32, i32) {
    %c0_i32 = arith.constant 0 : i32
    %c0_i32_0 = arith.constant 0 : i32
    return %arg0, %c0_i32 : i32, i32
  }
  func.func @transform_5(%arg0: i32) -> (i32, i32) {
    %c0_i32 = arith.constant 0 : i32
    %c0_i32_0 = arith.constant 0 : i32
    return %arg0, %c0_i32 : i32, i32
  }
}

module attributes {stable_mosaic.version = 14 : i64} {
  func.func @body(%arg0: i32, %arg1: memref<1000x128xf32, #tpu.memory_space<vmem>>, %arg2: memref<1000x128xf32, #tpu.memory_space<vmem>>, %arg3: memref<1000x1xf32, #tpu.memory_space<vmem>>, %arg4: memref<1000x1xf32, #tpu.memory_space<vmem>>, %arg5: memref<1000x128xf32, #tpu.memory_space<vmem>>, %arg6: memref<128x128xf32, #tpu.memory_space<vmem>>, %arg7: memref<128x128xf32, #tpu.memory_space<vmem>>, %arg8: memref<1x128xf32, #tpu.memory_space<vmem>>, %arg9: memref<1000x128xf32, #tpu.memory_space<vmem>>, %arg10: memref<1000x128xf32, #tpu.memory_space<vmem>>, %arg11: memref<1000x1xf32, #tpu.memory_space<vmem>>) attributes {dimension_semantics = [#tpu.dimension_semantics<arbitrary>], iteration_bounds = array<i64: 10>, scalar_prefetch = 0 : i64, scratch_operands = 0 : i64, tpu.core_type = #tpu.core_type<tc>, window_params = [{transform_indices = @transform_0, window_bounds = array<i64: 1000, 128>}, {transform_indices = @transform_1, window_bounds = array<i64: 1000, 128>}, {transform_indices = @transform_2, window_bounds = array<i64: 1000, 1>}, {transform_indices = @transform_3, window_bounds = array<i64: 1000, 1>}, {transform_indices = @transform_4, window_bounds = array<i64: 1000, 128>}, {pipeline_mode = #tpu.pipeline_mode<synchronous>, transform_indices = @transform_5, window_bounds = array<i64: 128, 128>}, {pipeline_mode = #tpu.pipeline_mode<synchronous>, transform_indices = @transform_6, window_bounds = array<i64: 128, 128>}, {pipeline_mode = #tpu.pipeline_mode<synchronous>, transform_indices = @transform_7, window_bounds = array<i64: 1, 128>}, {transform_indices = @transform_8, window_bounds = array<i64: 1000, 128>}, {transform_indices = @transform_9, window_bounds = array<i64: 1000, 128>}, {transform_indices = @transform_10, window_bounds = array<i64: 1000, 1>}]} {
    %get3A = arith.constant 0 : index
    %get3A_0 = arith.constant 0 : index
    %get3A_1 = vector.load %arg3[%get3A, %get3A_0] : memref<1000x1xf32, #tpu.memory_space<vmem>>, vector<1000x1xf32>
    %add3A = arith.constant 0.000000e+00 : f32
    %add3A_2 = vector.broadcast %add3A : f32 to vector<1000x1xf32>
    %add3A_3 = arith.addf %add3A_2, %get3A_1 : vector<1000x1xf32>
    %get3A_4 = arith.constant 0 : index
    %get3A_5 = arith.constant 0 : index
    %get3A_6 = vector.load %arg4[%get3A_4, %get3A_5] : memref<1000x1xf32, #tpu.memory_space<vmem>>, vector<1000x1xf32>
    %add3A_7 = arith.addf %add3A_3, %get3A_6 : vector<1000x1xf32>
    %max3A = arith.constant 1.000000e+00 : f32
    %max3A_8 = vector.broadcast %max3A : f32 to vector<1000x1xf32>
    %max3A_9 = arith.maximumf %add3A_7, %max3A_8 : vector<1000x1xf32>
    %get3A_10 = arith.constant 0 : index
    %get3A_11 = arith.constant 0 : index
    %get3A_12 = vector.load %arg1[%get3A_10, %get3A_11] : memref<1000x128xf32, #tpu.memory_space<vmem>>, vector<1000x128xf32>
    %add3A_13 = arith.constant 0.000000e+00 : f32
    %add3A_14 = vector.broadcast %add3A_13 : f32 to vector<1000x128xf32>
    %add3A_15 = arith.addf %add3A_14, %get3A_12 : vector<1000x128xf32>
    %get3A_16 = arith.constant 0 : index
    %get3A_17 = arith.constant 0 : index
    %get3A_18 = vector.load %arg2[%get3A_16, %get3A_17] : memref<1000x128xf32, #tpu.memory_space<vmem>>, vector<1000x128xf32>
    %add3A_19 = arith.addf %add3A_15, %get3A_18 : vector<1000x128xf32>
    %div3A = vector.broadcast %max3A_9 : vector<1000x1xf32> to vector<1000x128xf32>
    %div3A_20 = arith.divf %add3A_19, %div3A : vector<1000x128xf32>
    %get3A_21 = arith.constant 0 : index
    %get3A_22 = arith.constant 0 : index
    %get3A_23 = vector.load %arg5[%get3A_21, %get3A_22] : memref<1000x128xf32, #tpu.memory_space<vmem>>, vector<1000x128xf32>
    %add3A_24 = arith.addf %div3A_20, %get3A_23 : vector<1000x128xf32>
    %max3A_25 = arith.constant 0.000000e+00 : f32
    %max3A_26 = vector.broadcast %max3A_25 : f32 to vector<1000x128xf32>
    %max3A_27 = arith.maximumf %add3A_24, %max3A_26 : vector<1000x128xf32>
    %get3A_28 = arith.constant 0 : index
    %get3A_29 = arith.constant 0 : index
    %get3A_30 = vector.load %arg6[%get3A_28, %get3A_29] : memref<128x128xf32, #tpu.memory_space<vmem>>, vector<128x128xf32>
    %dot_general3A = arith.constant dense<0.000000e+00> : vector<1000x128xf32>
    %dot_general3A_31 = tpu.matmul %max3A_27, %get3A_30, %dot_general3A {dimension_numbers = #tpu.dot_dimension_numbers<[1], [1], [0], [0], [0, 0, 1, 0], [], []>, transpose_lhs_hint = false} : vector<1000x128xf32>, vector<128x128xf32>, vector<1000x128xf32> -> vector<1000x128xf32>
    %swap3A = arith.constant 0 : index
    %swap3A_32 = arith.constant 0 : index
    %swap3A_33 = vector.load %arg9[%swap3A, %swap3A_32] : memref<1000x128xf32, #tpu.memory_space<vmem>>, vector<1000x128xf32>
    tpu.vector_store %arg9[%swap3A, %swap3A_32], %dot_general3A_31 {strides = array<i32>} : memref<1000x128xf32, #tpu.memory_space<vmem>>, vector<1000x128xf32>,
    %get3A_34 = arith.constant 0 : index
    %get3A_35 = arith.constant 0 : index
    %get3A_36 = vector.load %arg7[%get3A_34, %get3A_35] : memref<128x128xf32, #tpu.memory_space<vmem>>, vector<128x128xf32>
    %dot_general3A_37 = arith.constant dense<0.000000e+00> : vector<1000x128xf32>
    %dot_general3A_38 = tpu.matmul %max3A_27, %get3A_36, %dot_general3A_37 {dimension_numbers = #tpu.dot_dimension_numbers<[1], [1], [0], [0], [0, 0, 1, 0], [], []>, transpose_lhs_hint = false} : vector<1000x128xf32>, vector<128x128xf32>, vector<1000x128xf32> -> vector<1000x128xf32>
    %get3A_39 = arith.constant 0 : index
    %get3A_40 = arith.constant 0 : index
    %get3A_41 = vector.load %arg8[%get3A_39, %get3A_40] : memref<1x128xf32, #tpu.memory_space<vmem>>, vector<1x128xf32>
    %add3A_42 = vector.broadcast %get3A_41 : vector<1x128xf32> to vector<1000x128xf32>
    %add3A_43 = arith.addf %dot_general3A_38, %add3A_42 : vector<1000x128xf32>
    %swap3A_44 = arith.constant 0 : index
    %swap3A_45 = arith.constant 0 : index
    %swap3A_46 = vector.load %arg10[%swap3A_44, %swap3A_45] : memref<1000x128xf32, #tpu.memory_space<vmem>>, vector<1000x128xf32>
    tpu.vector_store %arg10[%swap3A_44, %swap3A_45], %add3A_43 {strides = array<i32>} : memref<1000x128xf32, #tpu.memory_space<vmem>>, vector<1000x128xf32>,
    %swap3A_47 = arith.constant 0 : index
    %swap3A_48 = arith.constant 0 : index
    %swap3A_49 = vector.load %arg11[%swap3A_47, %swap3A_48] : memref<1000x1xf32, #tpu.memory_space<vmem>>, vector<1000x1xf32>
    tpu.vector_store %arg11[%swap3A_47, %swap3A_48], %max3A_9 {strides = array<i32>} : memref<1000x1xf32, #tpu.memory_space<vmem>>, vector<1000x1xf32>,
    return
  }
  func.func @transform_0(%arg0: i32) -> (i32, i32) {
    %c0_i32 = arith.constant 0 : i32
    %c0_i32_0 = arith.constant 0 : i32
    return %arg0, %c0_i32 : i32, i32
  }
  func.func @transform_1(%arg0: i32) -> (i32, i32) {
    %c0_i32 = arith.constant 0 : i32
    %c0_i32_0 = arith.constant 0 : i32
    return %arg0, %c0_i32 : i32, i32
  }
  func.func @transform_2(%arg0: i32) -> (i32, i32) {
    %c0_i32 = arith.constant 0 : i32
    %c0_i32_0 = arith.constant 0 : i32
    return %arg0, %c0_i32 : i32, i32
  }
  func.func @transform_3(%arg0: i32) -> (i32, i32) {
    %c0_i32 = arith.constant 0 : i32
    %c0_i32_0 = arith.constant 0 : i32
    return %arg0, %c0_i32 : i32, i32
  }
  func.func @transform_4(%arg0: i32) -> (i32, i32) {
    %c0_i32 = arith.constant 0 : i32
    %c0_i32_0 = arith.constant 0 : i32
    return %arg0, %c0_i32 : i32, i32
  }
  func.func @transform_5(%arg0: i32) -> (i32, i32) {
    %c0_i32 = arith.constant 0 : i32
    %c0_i32_0 = arith.constant 0 : i32
    %c0_i32_1 = arith.constant 0 : i32
    return %c0_i32, %c0_i32_0 : i32, i32
  }
  func.func @transform_6(%arg0: i32) -> (i32, i32) {
    %c0_i32 = arith.constant 0 : i32
    %c0_i32_0 = arith.constant 0 : i32
    %c0_i32_1 = arith.constant 0 : i32
    return %c0_i32, %c0_i32_0 : i32, i32
  }
  func.func @transform_7(%arg0: i32) -> (i32, i32) {
    %c0_i32 = arith.constant 0 : i32
    %c0_i32_0 = arith.constant 0 : i32
    %c0_i32_1 = arith.constant 0 : i32
    return %c0_i32, %c0_i32_0 : i32, i32
  }
  func.func @transform_8(%arg0: i32) -> (i32, i32) {
    %c0_i32 = arith.constant 0 : i32
    %c0_i32_0 = arith.constant 0 : i32
    return %arg0, %c0_i32 : i32, i32
  }
  func.func @transform_9(%arg0: i32) -> (i32, i32) {
    %c0_i32 = arith.constant 0 : i32
    %c0_i32_0 = arith.constant 0 : i32
    return %arg0, %c0_i32 : i32, i32
  }
  func.func @transform_10(%arg0: i32) -> (i32, i32) {
    %c0_i32 = arith.constant 0 : i32
    %c0_i32_0 = arith.constant 0 : i32
    return %arg0, %c0_i32 : i32, i32
  }
}

module attributes {stable_mosaic.version = 14 : i64} {
  func.func @body(%arg0: i32, %arg1: memref<1000x128xf32, #tpu.memory_space<vmem>>, %arg2: memref<1000x128xf32, #tpu.memory_space<vmem>>, %arg3: memref<1000x1xf32, #tpu.memory_space<vmem>>, %arg4: memref<1000x128xf32, #tpu.memory_space<vmem>>, %arg5: memref<1000x128xf32, #tpu.memory_space<vmem>>) attributes {dimension_semantics = [#tpu.dimension_semantics<arbitrary>], iteration_bounds = array<i64: 10>, scalar_prefetch = 0 : i64, scratch_operands = 0 : i64, tpu.core_type = #tpu.core_type<tc>, window_params = [{transform_indices = @transform_0, window_bounds = array<i64: 1000, 128>}, {transform_indices = @transform_1, window_bounds = array<i64: 1000, 128>}, {transform_indices = @transform_2, window_bounds = array<i64: 1000, 1>}, {transform_indices = @transform_3, window_bounds = array<i64: 1000, 128>}, {transform_indices = @transform_4, window_bounds = array<i64: 1000, 128>}]} {
    %get3A = arith.constant 0 : index
    %get3A_0 = arith.constant 0 : index
    %get3A_1 = vector.load %arg1[%get3A, %get3A_0] : memref<1000x128xf32, #tpu.memory_space<vmem>>, vector<1000x128xf32>
    %add3A = arith.constant 0.000000e+00 : f32
    %add3A_2 = vector.broadcast %add3A : f32 to vector<1000x128xf32>
    %add3A_3 = arith.addf %add3A_2, %get3A_1 : vector<1000x128xf32>
    %get3A_4 = arith.constant 0 : index
    %get3A_5 = arith.constant 0 : index
    %get3A_6 = vector.load %arg2[%get3A_4, %get3A_5] : memref<1000x128xf32, #tpu.memory_space<vmem>>, vector<1000x128xf32>
    %add3A_7 = arith.addf %add3A_3, %get3A_6 : vector<1000x128xf32>
    %get3A_8 = arith.constant 0 : index
    %get3A_9 = arith.constant 0 : index
    %get3A_10 = vector.load %arg3[%get3A_8, %get3A_9] : memref<1000x1xf32, #tpu.memory_space<vmem>>, vector<1000x1xf32>
    %div3A = vector.broadcast %get3A_10 : vector<1000x1xf32> to vector<1000x128xf32>
    %div3A_11 = arith.divf %add3A_7, %div3A : vector<1000x128xf32>
    %get3A_12 = arith.constant 0 : index
    %get3A_13 = arith.constant 0 : index
    %get3A_14 = vector.load %arg4[%get3A_12, %get3A_13] : memref<1000x128xf32, #tpu.memory_space<vmem>>, vector<1000x128xf32>
    %add3A_15 = arith.addf %div3A_11, %get3A_14 : vector<1000x128xf32>
    %swap3A = arith.constant 0 : index
    %swap3A_16 = arith.constant 0 : index
    %swap3A_17 = vector.load %arg5[%swap3A, %swap3A_16] : memref<1000x128xf32, #tpu.memory_space<vmem>>, vector<1000x128xf32>
    tpu.vector_store %arg5[%swap3A, %swap3A_16], %add3A_15 {strides = array<i32>} : memref<1000x128xf32, #tpu.memory_space<vmem>>, vector<1000x128xf32>,
    return
  }
  func.func @transform_0(%arg0: i32) -> (i32, i32) {
    %c0_i32 = arith.constant 0 : i32
    %c0_i32_0 = arith.constant 0 : i32
    return %arg0, %c0_i32 : i32, i32
  }
  func.func @transform_1(%arg0: i32) -> (i32, i32) {
    %c0_i32 = arith.constant 0 : i32
    %c0_i32_0 = arith.constant 0 : i32
    return %arg0, %c0_i32 : i32, i32
  }
  func.func @transform_2(%arg0: i32) -> (i32, i32) {
    %c0_i32 = arith.constant 0 : i32
    %c0_i32_0 = arith.constant 0 : i32
    return %arg0, %c0_i32 : i32, i32
  }
  func.func @transform_3(%arg0: i32) -> (i32, i32) {
    %c0_i32 = arith.constant 0 : i32
    %c0_i32_0 = arith.constant 0 : i32
    return %arg0, %c0_i32 : i32, i32
  }
  func.func @transform_4(%arg0: i32) -> (i32, i32) {
    %c0_i32 = arith.constant 0 : i32
    %c0_i32_0 = arith.constant 0 : i32
    return %arg0, %c0_i32 : i32, i32
  }
}

</mosaic_0001>

<sc_bundles>
// kernel: kernel.10.cloned.1.call-start
scs
__scs_entry_jumppad:
0x0: {  	(pc) =	sbr.rel $0x88, $3  }
0x1: {  	(tag) =	ssettag $0x0;
	lr =	simm.s32 $0x1  }
0x2: {  	[smem:$0x3F99] =	sst lr;
	_ =	strace $0xD0000000  }
0x3: {  	_ = 	snop  }
0x4: {  	_ = 	snop  }
0x5: {  	_ = 	snop  }
0x6: {  	_ = 	snop  }
0x7: {  	_ = 	snop  }
__scs_overlays_trampoline_lowered:
0x8: {  	[smem:$0x3FA8] =	sst s0  }
0x9: {  	[smem:$0x3FA9] =	sst s1  }
0xa: {  	[smem:$0x3FAA] =	sst s2  }
0xb: {  	[smem:$0x3FAB] =	sst s3  }
0xc: {  	[smem:$0x3FAC] =	sst s4  }
0xd: {  	[smem:$0x3FAD] =	sst s5  }
0xe: {  	[smem:$0x3FAE] =	sst s6  }
0xf: {  	[smem:$0x3FAF] =	sst s7  }
0x10: {  	[smem:$0x3FB0] =	sst s8  }
0x11: {  	[smem:$0x3FB1] =	sst s9;
	s0 =	simm.s32 @!p0 $0x0  }
0x12: {  	s1 =	sld [smem:$0x3F97];
	s0 =	simm.s32 @p0 $0x1  }
0x13: {  	[smem:$0x3FB2] =	sst s0;
	s0 =	simm.s32 @!p1 $0x0  }
0x14: {  	s2 =	sld [smem:$0x3F96];
	s0 =	simm.s32 @p1 $0x1  }
0x15: {  	[smem:$0x3FB3] =	sst s0;
	s0 =	simm.s32 @!p2 $0x0  }
0x16: {  	s3 =	sld [smem:$0x3FDB];
	s0 =	simm.s32 @p2 $0x1  }
0x17: {  	s4 =	simm.s32 $0x1BF5;
	[smem:$0x3FB5] =	sst s0  }
0x18: {  	s0 =	sld [smem:$0x3F98];
	_ =	swait.ge [sflag:s4], $0x0  }
0x19: {  	s7 =	sld [smem:$0x3F99]  }
0x1a: {  	s8 =	sadd.s32 $0xFFFFE003, lr  }
0x1b: {  	s9 =	sadd.s32 $0xFFFFFEF7, lr;
	s5 =	simm.s32 $0xFFFFFFFF;
	p2 =	slt.u32 s8, $0xFFFFF086  }
0x1c: {  	p1 =	slt.u32 s9, $0xF7A;
	s5 =	simm.s32 @!p2 $0x0  }
0x1d: {  	s5 =	simm.s32 @p1 $0x1;
	p0 =	seq.s32 s7, s2  }
0x1e: {  	s7 =	smul.u32 @!p0 $0xF7A, s2;
	p2 =	seq.s32 @!p0 s5, $0x0  }
0x1f: {  	s9 =	smul.u32 $0xF7A, s1;
	s8 =	simm.s32 @!p0 $0x1BF5;
	p2 =	por !p2, p0  }
0x20: {  	[sflag:s8] =	ssyncset.s32 @!p0 $0xFFFFF086;
	s6 =	sadd.s32 @!p0 s3, s7;
	s7 =	simm.s32 @!p0 $0x108  }
0x21: {  	s3 =	sadd.s32 s3, s9;
	s6 =	sadd.s32 @!p0 $0x88, s6;
	s7 =	simm.s32 @p2 $0x1082  }
0x22: {  	[simem:s7], [sflag:s8] =	dma.local @!p0 [hbm:s6], $0xF7A  }
0x23: {  	s9 =	sor.u32 $0xD0000000, s2;
	s6 =	simm.s32 $0x108;
	_ =	swait.ge @!p0 [sflag:s8], $0x0  }
0x24: {  	s3 =	sadd.s32 $0x88, s3;
	s6 =	simm.s32 @!p1 $0x1082;
	[sflag:s4] =	ssyncset.s32 $0xFFFFF086  }
0x25: {  	[simem:s6], [sflag:s4] =	dma.local [hbm:s3], $0xF7A  }
0x26: {  	[smem:$0x3F99] =	sst s1;
	(tag) =	ssettag s2;
	_ =	strace s9  }
0x27: {  	s1 =	sld [smem:$0x3FA9]  }
0x28: {  	s2 =	sld [smem:$0x3FAA]  }
0x29: {  	s4 =	sld [smem:$0x3FAC]  }
0x2a: {  	p0 =	seq.s32 s5, $0x0;
	s5 =	sld [smem:$0x3FAD]  }
0x2b: {  	s6 =	sld [smem:$0x3FAE]  }
0x2c: {  	s7 =	sld [smem:$0x3FAF]  }
0x2d: {  	s3 =	simm.s32 $0x108;
	s8 =	sld [smem:$0x3FB0]  }
0x2e: {  	s3 =	simm.s32 @!p0 $0x1082;
	s9 =	sld [smem:$0x3FB1]  }
0x2f: {  	lr =	sadd.s32 s0, s3;
	s0 =	sld [smem:$0x3FA8]  }
0x30: {  	s3 =	sld [smem:$0x3FAB]  }
0x31: {  	[smem:$0x3FB4] =	sst s10  }
0x32: {  	s10 =	sld [smem:$0x3FB2];
	_ =	sdelay $0x3  }
0x33: {  	p0 =	seq.s32 s10, $0x1;
	s10 =	sld [smem:$0x3FB4];
	_ =	sdelay $0x3  }
0x34: {  	[smem:$0x3FB4] =	sst s10  }
0x35: {  	s10 =	sld [smem:$0x3FB3];
	_ =	sdelay $0x3  }
0x36: {  	p1 =	seq.s32 s10, $0x1;
	s10 =	sld [smem:$0x3FB4];
	_ =	sdelay $0x3  }
0x37: {  	[smem:$0x3FB4] =	sst s10  }
0x38: {  	s10 =	sld [smem:$0x3FB5]  }
0x39: {  	_ = 	snop;
	(pc) =	sbr.ind lr, $3  }
0x3a: {  	_ = 	snop  }
0x3b: {  	_ = 	snop  }
0x3c: {  	p2 =	seq.s32 s10, $0x1;
	s10 =	sld [smem:$0x3FB4]  }
0x3d: {  	_ =	shalt  }
0x3e: {  	_ =	shalt  }
0x3f: {  	_ =	shalt  }
0x40: {  	_ =	shalt  }
0x41: {  	_ =	shalt  }
0x42: {  	_ =	shalt  }
0x43: {  	_ =	shalt  }
0x44: {  	_ =	shalt  }
0x45: {  	_ =	shalt  }
0x46: {  	_ =	shalt  }
0x47: {  	_ =	shalt  }
0x48: {  	_ =	shalt  }
0x49: {  	_ =	shalt  }
0x4a: {  	_ =	shalt  }
0x4b: {  	_ =	shalt  }
0x4c: {  	_ =	shalt  }
0x4d: {  	_ =	shalt  }
0x4e: {  	_ =	shalt  }
0x4f: {  	_ =	shalt  }
0x50: {  	_ =	shalt  }
0x51: {  	_ =	shalt  }
0x52: {  	_ =	shalt  }
0x53: {  	_ =	shalt  }
0x54: {  	_ =	shalt  }
0x55: {  	_ =	shalt  }
0x56: {  	_ =	shalt  }
0x57: {  	_ =	shalt  }
0x58: {  	_ =	shalt  }
0x59: {  	_ =	shalt  }
0x5a: {  	_ =	shalt  }
0x5b: {  	_ =	shalt  }
0x5c: {  	_ =	shalt  }
0x5d: {  	_ =	shalt  }
0x5e: {  	_ =	shalt  }
0x5f: {  	_ =	shalt  }
0x60: {  	_ =	shalt  }
0x61: {  	_ =	shalt  }
0x62: {  	_ =	shalt  }
0x63: {  	_ =	shalt  }
0x64: {  	_ =	shalt  }
0x65: {  	_ =	shalt  }
0x66: {  	_ =	shalt  }
0x67: {  	_ =	shalt  }
0x68: {  	_ =	shalt  }
0x69: {  	_ =	shalt  }
0x6a: {  	_ =	shalt  }
0x6b: {  	_ =	shalt  }
0x6c: {  	_ =	shalt  }
0x6d: {  	_ =	shalt  }
0x6e: {  	_ =	shalt  }
0x6f: {  	_ =	shalt  }
0x70: {  	_ =	shalt  }
0x71: {  	_ =	shalt  }
0x72: {  	_ =	shalt  }
0x73: {  	_ =	shalt  }
0x74: {  	_ =	shalt  }
0x75: {  	_ =	shalt  }
0x76: {  	_ =	shalt  }
0x77: {  	_ =	shalt  }
0x78: {  	_ =	shalt  }
0x79: {  	_ =	shalt  }
0x7a: {  	_ =	shalt  }
0x7b: {  	_ =	shalt  }
0x7c: {  	_ =	shalt  }
0x7d: {  	_ =	shalt  }
0x7e: {  	_ =	shalt  }
0x7f: {  	_ =	shalt  }
0x80: {  	_ =	shalt  }
0x81: {  	_ =	shalt  }
0x82: {  	_ =	shalt  }
0x83: {  	_ =	shalt  }
0x84: {  	_ =	shalt  }
0x85: {  	_ =	shalt  }
0x86: {  	_ =	shalt  }
0x87: {  	_ =	shalt  }
.Lfunc_end0:
.L_simem_size_0:
called_computation.1_lowered:
.L_overlay_start_0:
0x88: {  	s2 =	sld [smem:$0x3FD9]  }
0x89: {  	s3 =	sld [smem:$0x3FFE];
	_ =	sdelay $0x1  }
0x8a: {  	s1 =	srdreg.scid  }
0x8b: {  	s0 =	sand.u32 $0x1, s1  }
0x8c: {  	s17 =	sshll.u32 s0, $0xA;
	s2 =	sadd.s32 s3, s2  }
0x8d: {  	s2 =	sadd.s32 s2, s17  }
0x8e: {  	[smem:$0x3FC0] =	sst s2  }
0x8f: {  	_ = 	snop  }
0x90: {  	s2 =	sld [smem:$0x3FD0];
	(tm) =	ssettm $0x1  }
0x91: {  	s18 =	sld [smem:$0x3FFB];
	_ =	sdelay $0x3  }
0x92: {  	_ =	strace s18  }
0x93: {  	s3 =	sld [smem:$0x3FFC];
	_ =	sdelay $0x3  }
0x94: {  	_ =	strace s3  }
0x95: {  	s3 =	sld [smem:$0x3FFD];
	_ =	sdelay $0x3  }
0x96: {  	_ =	strace s3  }
0x97: {  	_ =	strace $0x8FFFFFFF  }
0x98: {  	s19 =	sld [smem:$0x3FDB];
	_ =	sdelay $0x1  }
0x99: {  	s4 =	simm.s32 $_scs_section_size  }
0x9a: {  	s5 =	simm.s32 $_size__tile_overlayer_lowered;
	s6 =	simm.s32 $_tile_overlayer_lowered  }
0x9b: {  	s22 =	simm.s32 $0x1BFF;
	s21 =	sshll.u32 s6, $0x1;
	s3 =	sadd.s32 s4, s19  }
0x9c: {  	s7 =	simm.s32 $0x0;
	s20 =	sshll.u32 s5, $0x1;
	s5 =	sadd.s32 s21, s3  }
0x9d: {  	[timem:s7], [sflag:s22] =	dma.local [hbm:s5], s20  }
0x9e: {  	_ =	swait.ge [sflag:s22], s20  }
0x9f: {  	s4 =	ssub.s32 $0x0, s20;
	[sflag:s22] =	ssyncset.done $0x0  }
0xa0: {  	[sflag:s22] =	ssyncadd.s32 s4;
	_ =	sdelay $0x1  }
0xa1: {  	s23 =	simm.s32 $0x1B8B  }
0xa2: {  	_ =	swait.ge [sflag:s23], $0x1  }
0xa3: {  	[sflag:s23] =	ssyncset.done $0x0  }
0xa4: {  	s25 =	simm.s32 $0x1B8E;
	s24 =	sld [smem:$0x3FFE];
	[sflag:s23] =	ssyncadd.s32 $0xFFFFFFFF  }
0xa5: {  	s26 =	simm.s32 $execute0_lowered;
	[smem:$0x3FD2] =	sst s25  }
0xa6: {  	s5 =	sshll.u32 s26, $0x1;
	_ =	strace $0x80000049;
	[dreg:$0x1] =	wrdreg $0xFFFFFFFF  }
0xa7: {  	s28 =	simm.s32 $_size_execute0_lowered;
	s3 =	sadd.s32 s3, s5;
	[dreg:$0x0] =	wrdreg $0x0  }
0xa8: {  	s5 =	sshll.u32 s28, $0x1;
	[dreg:$0x2] =	wrdreg s3  }
0xa9: {  	[dreg:$0x3] =	wrdreg s5  }
0xaa: {  	[dreg:$0x4] =	wrdreg $0xC0  }
0xab: {  	_ =	task [dreg:s7], $0x5FFFF  }
0xac: {  	[dreg:$0x1] =	wrdreg $0xFFFFFFFF  }
0xad: {  	[dreg:$0x0] =	wrdreg $0x60  }
0xae: {  	[dreg:$0x2] =	wrdreg s24  }
0xaf: {  	[dreg:$0x3] =	wrdreg s2  }
0xb0: {  	[dreg:$0x4] =	wrdreg $0x88000  }
0xb1: {  	[dreg:$0x5] =	wrdreg $0x9  }
0xb2: {  	_ =	task.clear_ibuf [dreg:s7], $0x6FFFF;
	_ =	strace $0x90000049  }
0xb3: {  	s29 =	simm.s32 $0x9;
	_ =	strace $0x8000004B  }
0xb4: {  	_ =	swait.ge [sflag:s29], $0x1  }
0xb5: {  	[sflag:s29] =	ssyncadd.s32 $0xFFFFFFFF  }
0xb6: {  	_ =	strace $0x9000004B  }
0xb7: {  	_ =	sfence  }
0xb8: {  	s30 =	sld [smem:$0x0];
	_ =	sdelay $0x2  }
0xb9: {  	s31 =	sshll.u32 s1, $0xD;
	s1 =	sshrl.u32 s1, $0x2  }
0xba: {  	s3 =	sand.u32 $0x4000, s31;
	s1 =	sadd.s32 s1, s30  }
0xbb: {  	s0 =	sor.u32 s3, s0;
	s1 =	sshll.u32 s1, $0x11  }
0xbc: {  	s0 =	sor.u32 s1, s0  }
0xbd: {  	s0 =	sadd.s32 $0x8F2B, s0  }
0xbe: {  	[sflag:s0] =	ssyncadd.remote.s32 $0x1  }
0xbf: {  	_ =	sfence.sel $0xFFFF  }
0xc0: {  	[dreg:$0x0] =	wrdreg $0xFFFFFFFF;
	(pc) =	sbr.abs _section_cstart, $3  }
0xc1: {  	[dreg:$0x1] =	wrdreg $0xFFFFFFFF  }
0xc2: {  	_ =	task.clear_ibuf [dreg:s7], $0x2FFFF;
	_ =	strace $0x9FFFFFFF  }
0xc3: {  	(tm) =	ssettm $0x7FFFFFFF  }
tec
execute0_lowered:
.L_overlay_start_1:
0x0: {  	(tag) =	ssettag $0x1  }
0x1: {  	s0 =	rddreg [dreg:$0x0]  }
0x2: {  	s1 =	rddreg [dreg:$0x1]  }
0x3: {  	s3 =	srdreg.scid;
	s2 =	rddreg [dreg:$0x2]  }
0x4: {  	s10 =	stileid.u32;
	s6 =	simm.s32 $0x98;
	s4 =	simm.s32 $0x0  }
0x5: {  	s28 =	simm.s32 $0x4800;
	s29 =	simm.s32 $0x1;
	s30 =	simm.s32 $0x3  }
0x6: {  	s31 =	simm.s32 $0x2;
	s3 =	sand.u32 $0x1, s3;
	s8 =	smul.u32 $0x50000, s10  }
0x7: {  	[smem:$0x7FF] =	sst s4;
	s24 =	smul.u32 $0x14000, s10;
	p0 =	seq.s32 s3, $0x0  }
0x8: {  	s5 =	smul.u32 $0x980, s3;
	_ =	strace $0x8000004A;
	s21 =	ssub.s32 $0x2, s3  }
0x9: {  	s3 =	smul.u32 $0x140000, s3;
	s6 =	simm.s32 @!p0 $0x8;
	s22 =	sshrl.u32 s21, $0x1  }
0xa: {  	s23 =	sshrl.u32 s8, $0x2;
	s11 =	sadd.s32 $0x4000, s24;
	s15 =	sadd.s32 $0x8000, s24  }
0xb: {  	s20 =	sadd.s32 $0xC000, s24;
	s7 =	smul.u32 s10, s6;
	s6 =	sshrl.u32 s6, $0x3  }
0xc: {  	s10 =	sadd.s32 s3, s24;
	s12 =	sadd.s32 s3, s11;
	s16 =	sadd.s32 s11, s2  }
0xd: {  	s18 =	sadd.s32 s3, s15;
	s19 =	sadd.s32 s15, s2;
	[dreg:$0x6] =	wrdreg s6  }
0xe: {  	s11 =	simm.s32 $0x280;
	s15 =	simm.s32 $0x380;
	[dreg:$0xd] =	wrdreg s16  }
0xf: {  	s14 =	sshrl.u32 s12, $0x3;
	[dreg:$0xf] =	wrdreg s19;
	s6 =	sadd.s32 $0x10000, s24  }
0x10: {  	s12 =	simm.s32 $0x600;
	s16 =	simm.s32 $0x700;
	s5 =	sadd.s32 s5, s7  }
0x11: {  	s7 =	ssub.s32 s21, s22;
	s22 =	sadd.s32 s3, s20;
	s3 =	sadd.s32 s3, s6  }
0x12: {  	s5 =	sshll.u32 s5, $0x4;
	s7 =	smax.u32 s7, $0x1;
	s3 =	sshrl.u32 s3, $0x3  }
0x13: {  	s9 =	sadd.s32 s5, s0;
	s5 =	sadd.s32 s23, s2;
	[dreg:$0x7] =	wrdreg s7  }
0x14: {  	s0 =	sadd.s32 $0x16600, s0;
	s23 =	sadd.s32 s20, s2;
	[dreg:$0x5] =	wrdreg s5  }
0x15: {  	s7 =	sshrl.u32 s10, $0x3;
	s25 =	sadd.s32 $0x4000, s5;
	[dreg:$0x11] =	wrdreg s23  }
0x16: {  	s10 =	simm.s32 $0x580;
	s26 =	sadd.s32 $0x8000, s5;
	[dreg:$0x8] =	wrdreg s25  }
0x17: {  	s8 =	sadd.s32 $0xC000, s5;
	s5 =	sadd.s32 $0x10000, s5;
	[dreg:$0x9] =	wrdreg s26  }
0x18: {  	s13 =	sadd.s32 s0, s7;
	s17 =	sadd.s32 s0, s14;
	[dreg:$0xa] =	wrdreg s8  }
0x19: {  	s7 =	sshrl.u32 s18, $0x3;
	s20 =	sadd.s32 $0x2600, s9;
	[dreg:$0xb] =	wrdreg s5  }
0x1a: {  	s23 =	simm.s32 $0x800;
	s14 =	simm.s32 $0x680;
	[dreg:$0xc] =	wrdreg s13  }
0x1b: {  	s18 =	simm.s32 $0x0;
	[dreg:$0xe] =	wrdreg s17;
	s21 =	sadd.s32 s0, s7  }
0x1c: {  	s7 =	sshrl.u32 s22, $0x3;
	s25 =	sadd.s32 s6, s2;
	s6 =	sadd.s32 $0xC600, s9  }
0x1d: {  	s26 =	simm.s32 $0x100;
	s8 =	simm.s32 $0x500;
	s9 =	simm.s32 $0x200  }
0x1e: {  	s13 =	simm.s32 $0x300;
	s17 =	simm.s32 $0x780;
	[dreg:$0x10] =	wrdreg s21  }
0x1f: {  	s24 =	sadd.s32 s0, s7;
	[dreg:$0x13] =	wrdreg s25;
	s0 =	sadd.s32 s0, s3  }
0x20: {  	[dreg:$0x4] =	wrdreg s26;
	s25 =	simm.s32 $0x400;
	s26 =	simm.s32 $0x80  }
0x21: {  	s3 =	simm.s32 $0x480;
	s7 =	simm.s32 $0x180;
	[dreg:$0x12] =	wrdreg s24  }
0x22: {  	v0 =	vimm.f32 $0.0e+00;
	[dreg:$0x14] =	wrdreg s0;
	s24 =	simm.s32 $0x5;
	s0 =	simm.s32 $0x4  }
.LBB2_1:
0x23: {  	s19 =	sand.u32 $0xFE00, s4  }
0x24: {  	s21 =	sand.u32 $0x70, s4;
	s22 =	sshrl.u32 s19, $0x2  }
0x25: {  	s19 =	simm.s32 $0x40;
	s22 =	sor.u32 s21, s22;
	s21 =	simm.s32 $0x0  }
.LBB2_2:
0x26: {  	p0 =	sne.s32 s19, $0xFFC0  }
0x27: {  	[tilespmem:s22+$0x800] =	vst v0;
	s21 =	sadd.s32 $0x10, s21;
	s22 =	smov.u32 s19;
	s19 =	sadd.s32 $0x40, s19  }
.Ltmp0:
0x28: {  	(pc) =	sbr.rel @p0 .LBB2_2-.Ltmp0, $4  }
0x29: {  	_ = 	snop  }
0x2a: {  	s22 =	sand.u32 $0xFE00, s22  }
0x2b: {  	s5 =	sand.u32 $0x70, s21;
	s22 =	sshrl.u32 s22, $0x2  }
0x2c: {  	s22 =	sor.u32 s5, s22  }
0x2d: {  	[tilespmem:s22+$0x800] =	vst v0;
	s5 =	rddreg [dreg:$0x5]  }
0x2e: {  	[spmem:s5] =	stream.linear.scatter [tilespmem:s23], [sflag:$0x5], $0x4000, $0x38;
	[tilespmem:$0x1C800] =	vst v63  }
0x2f: {  	_ =	swait.ge [sflag:s24], $0x4000  }
0x30: {  	[sflag:s24] =	ssyncset.done $0x0  }
0x31: {  	s19 =	rddreg [dreg:$0x8];
	[sflag:s24] =	ssyncadd.s32 $0xFFFFC000  }
0x32: {  	[spmem:s19] =	stream.linear.scatter [tilespmem:s23], [sflag:$0x5], $0x4000, $0x38;
	[tilespmem:$0x1C800] =	vst v63  }
0x33: {  	_ =	swait.ge [sflag:s24], $0x4000  }
0x34: {  	[sflag:s24] =	ssyncset.done $0x0  }
0x35: {  	s21 =	rddreg [dreg:$0x9];
	[sflag:s24] =	ssyncadd.s32 $0xFFFFC000  }
0x36: {  	[spmem:s21] =	stream.linear.scatter [tilespmem:s23], [sflag:$0x5], $0x4000, $0x38;
	[tilespmem:$0x1C800] =	vst v63  }
0x37: {  	_ =	swait.ge [sflag:s24], $0x4000  }
0x38: {  	[sflag:s24] =	ssyncset.done $0x0  }
0x39: {  	s22 =	rddreg [dreg:$0xa];
	[sflag:s24] =	ssyncadd.s32 $0xFFFFC000  }
0x3a: {  	[spmem:s22] =	stream.linear.scatter [tilespmem:s23], [sflag:$0x5], $0x4000, $0x38;
	[tilespmem:$0x1C800] =	vst v63  }
0x3b: {  	_ =	swait.ge [sflag:s24], $0x4000  }
0x3c: {  	[sflag:s24] =	ssyncset.done $0x0  }
0x3d: {  	s19 =	rddreg [dreg:$0xb];
	[sflag:s24] =	ssyncadd.s32 $0xFFFFC000  }
0x3e: {  	[spmem:s19] =	stream.linear.scatter [tilespmem:s23], [sflag:$0x5], $0x4000, $0x38;
	[tilespmem:$0x1C800] =	vst v63  }
0x3f: {  	_ =	swait.ge [sflag:s24], $0x4000  }
0x40: {  	[sflag:s24] =	ssyncset.done $0x0  }
0x41: {  	[sflag:s24] =	ssyncadd.s32 $0xFFFFC000  }
0x42: {  	[bflag:$0x0] =	sbarrier.arrive $0xFFFF  }
0x43: {  	[tilespmem:s4], [sflag:$0x5] =	stream.linear.gather [hbm4b:s6+s4], $0x400, $0x38;
	[tilespmem:$0x1C800] =	vst v63  }
0x44: {  	_ =	swait.ge [sflag:s24], $0x400  }
0x45: {  	[sflag:s24] =	ssyncset.done $0x0  }
0x46: {  	[sflag:s24] =	ssyncadd.s32 $0xFFFFFC00  }
0x47: {  	[tilespmem:s25], [sflag:$0x5] =	stream.linear.gather [hbm4b:s20+s4], $0x400, $0x38;
	[tilespmem:$0x1C800] =	vst v63  }
0x48: {  	_ =	swait.ge [sflag:s24], $0x400  }
0x49: {  	[sflag:s24] =	ssyncset.done $0x0  }
0x4a: {  	[sflag:s24] =	ssyncadd.s32 $0xFFFFFC00  }
0x4b: {  	[tilespmem:s23], [sflag:$0x1] =	stream.indirect.gather [hbm4b:s1+s26], $0x80, s4, s26, $0xb8;
	[tilespmem:$0x1C800] =	vst v63  }
0x4c: {  	_ = 	snop  }
0x4d: {  	[tilespmem:s28], [sflag:$0x2] =	stream.indirect.gather [hbm4b:s1+s26], $0x80, s26, s26, $0xb8;
	[tilespmem:$0x1C800] =	vst v63  }
0x4e: {  	_ =	swait.ge [sflag:s29], $0x4000  }
0x4f: {  	[sflag:s29] =	ssyncset.done $0x0  }
0x50: {  	[sflag:s29] =	ssyncadd.s32 $0xFFFFC000  }
0x51: {  	[spmem:s2] =	stream.indirect.scatter.add.f32 [tilespmem:s23], [sflag:$0x3], $0x80, s25, s26, $0xb8;
	[tilespmem:$0x1C800] =	vst v63  }
0x52: {  	_ =	swait.ge [sflag:s30], $0x4000  }
0x53: {  	[sflag:s30] =	ssyncset.done $0x0  }
0x54: {  	s21 =	rddreg [dreg:$0x4];
	[sflag:s30] =	ssyncadd.s32 $0xFFFFC000  }
0x55: {  	[tilespmem:s23], [sflag:$0x1] =	stream.indirect.gather [hbm4b:s1+s26], $0x80, s21, s26, $0xb8;
	[tilespmem:$0x1C800] =	vst v63  }
0x56: {  	_ =	swait.ge [sflag:s31], $0x4000  }
0x57: {  	[sflag:s31] =	ssyncset.done $0x0  }
0x58: {  	[sflag:s31] =	ssyncadd.s32 $0xFFFFC000  }
0x59: {  	[spmem:s2] =	stream.indirect.scatter.add.f32 [tilespmem:s28], [sflag:$0x4], $0x80, s3, s26, $0xb8;
	[tilespmem:$0x1C800] =	vst v63  }
0x5a: {  	_ =	swait.ge [sflag:s0], $0x4000  }
0x5b: {  	[sflag:s0] =	ssyncset.done $0x0  }
0x5c: {  	[sflag:s0] =	ssyncadd.s32 $0xFFFFC000  }
0x5d: {  	[tilespmem:s28], [sflag:$0x2] =	stream.indirect.gather [hbm4b:s1+s26], $0x80, s7, s26, $0xb8;
	[tilespmem:$0x1C800] =	vst v63  }
0x5e: {  	_ =	swait.ge [sflag:s29], $0x4000  }
0x5f: {  	[sflag:s29] =	ssyncset.done $0x0  }
0x60: {  	[sflag:s29] =	ssyncadd.s32 $0xFFFFC000  }
0x61: {  	[spmem:s2] =	stream.indirect.scatter.add.f32 [tilespmem:s23], [sflag:$0x3], $0x80, s8, s26, $0xb8;
	[tilespmem:$0x1C800] =	vst v63  }
0x62: {  	_ =	swait.ge [sflag:s30], $0x4000  }
0x63: {  	[sflag:s30] =	ssyncset.done $0x0  }
0x64: {  	[sflag:s30] =	ssyncadd.s32 $0xFFFFC000  }
0x65: {  	[tilespmem:s23], [sflag:$0x1] =	stream.indirect.gather [hbm4b:s1+s26], $0x80, s9, s26, $0xb8;
	[tilespmem:$0x1C800] =	vst v63  }
0x66: {  	_ =	swait.ge [sflag:s31], $0x4000  }
0x67: {  	[sflag:s31] =	ssyncset.done $0x0  }
0x68: {  	[sflag:s31] =	ssyncadd.s32 $0xFFFFC000  }
0x69: {  	[spmem:s2] =	stream.indirect.scatter.add.f32 [tilespmem:s28], [sflag:$0x4], $0x80, s10, s26, $0xb8;
	[tilespmem:$0x1C800] =	vst v63  }
0x6a: {  	_ =	swait.ge [sflag:s0], $0x4000  }
0x6b: {  	[sflag:s0] =	ssyncset.done $0x0  }
0x6c: {  	[sflag:s0] =	ssyncadd.s32 $0xFFFFC000  }
0x6d: {  	[tilespmem:s28], [sflag:$0x2] =	stream.indirect.gather [hbm4b:s1+s26], $0x80, s11, s26, $0xb8;
	[tilespmem:$0x1C800] =	vst v63  }
0x6e: {  	_ =	swait.ge [sflag:s29], $0x4000  }
0x6f: {  	[sflag:s29] =	ssyncset.done $0x0  }
0x70: {  	[sflag:s29] =	ssyncadd.s32 $0xFFFFC000  }
0x71: {  	[spmem:s2] =	stream.indirect.scatter.add.f32 [tilespmem:s23], [sflag:$0x3], $0x80, s12, s26, $0xb8;
	[tilespmem:$0x1C800] =	vst v63  }
0x72: {  	_ =	swait.ge [sflag:s30], $0x4000  }
0x73: {  	[sflag:s30] =	ssyncset.done $0x0  }
0x74: {  	[sflag:s30] =	ssyncadd.s32 $0xFFFFC000  }
0x75: {  	[tilespmem:s23], [sflag:$0x1] =	stream.indirect.gather [hbm4b:s1+s26], $0x80, s13, s26, $0xb8;
	[tilespmem:$0x1C800] =	vst v63  }
0x76: {  	_ =	swait.ge [sflag:s31], $0x4000  }
0x77: {  	[sflag:s31] =	ssyncset.done $0x0  }
0x78: {  	[sflag:s31] =	ssyncadd.s32 $0xFFFFC000  }
0x79: {  	[spmem:s2] =	stream.indirect.scatter.add.f32 [tilespmem:s28], [sflag:$0x4], $0x80, s14, s26, $0xb8;
	[tilespmem:$0x1C800] =	vst v63  }
0x7a: {  	_ =	swait.ge [sflag:s0], $0x4000  }
0x7b: {  	[sflag:s0] =	ssyncset.done $0x0  }
0x7c: {  	[sflag:s0] =	ssyncadd.s32 $0xFFFFC000  }
0x7d: {  	[tilespmem:s28], [sflag:$0x2] =	stream.indirect.gather [hbm4b:s1+s26], $0x80, s15, s26, $0xb8;
	[tilespmem:$0x1C800] =	vst v63  }
0x7e: {  	_ =	swait.ge [sflag:s29], $0x4000  }
0x7f: {  	[sflag:s29] =	ssyncset.done $0x0  }
0x80: {  	[sflag:s29] =	ssyncadd.s32 $0xFFFFC000  }
0x81: {  	[spmem:s2] =	stream.indirect.scatter.add.f32 [tilespmem:s23], [sflag:$0x3], $0x80, s16, s26, $0xb8;
	[tilespmem:$0x1C800] =	vst v63  }
0x82: {  	_ =	swait.ge [sflag:s31], $0x4000  }
0x83: {  	[sflag:s31] =	ssyncset.done $0x0  }
0x84: {  	[sflag:s31] =	ssyncadd.s32 $0xFFFFC000  }
0x85: {  	[spmem:s2] =	stream.indirect.scatter.add.f32 [tilespmem:s28], [sflag:$0x4], $0x80, s17, s26, $0xb8;
	[tilespmem:$0x1C800] =	vst v63  }
0x86: {  	_ =	swait.ge [sflag:s30], $0x4000  }
0x87: {  	s22 =	rddreg [dreg:$0x6]  }
0x88: {  	p0 =	sne.s32 s22, $0x1  }
.Ltmp1:
0x89: {  	_ = 	snop;
	(pc) =	sbr.rel @!p0 .LBB2_5-.Ltmp1, $4  }
0x8a: {  	[sflag:s30] =	ssyncset.done $0x0  }
0x8b: {  	[sflag:s30] =	ssyncadd.s32 $0xFFFFC000  }
0x8c: {  	s21 =	smov.u32 s20;
	_ =	swait.ge [sflag:s0], $0x4000  }
0x8d: {  	s19 =	sadd.s32 $0xFFFFFFFF, s22;
	s22 =	smov.u32 s6;
	[sflag:s0] =	ssyncset.done $0x0  }
.LBB2_4:
0x8e: {  	[sflag:s0] =	ssyncadd.s32 $0xFFFFC000;
	s22 =	sadd.s32 $0x80, s22  }
0x8f: {  	[tilespmem:s4], [sflag:$0x5] =	stream.linear.gather [hbm4b:s22+s4], $0x400, $0x38;
	[tilespmem:$0x1C800] =	vst v63  }
0x90: {  	_ =	swait.ge [sflag:s24], $0x400  }
0x91: {  	[sflag:s24] =	ssyncset.done $0x0  }
0x92: {  	s21 =	sadd.s32 $0x80, s21;
	[sflag:s24] =	ssyncadd.s32 $0xFFFFFC00  }
0x93: {  	[tilespmem:s25], [sflag:$0x5] =	stream.linear.gather [hbm4b:s21+s4], $0x400, $0x38;
	[tilespmem:$0x1C800] =	vst v63  }
0x94: {  	_ =	swait.ge [sflag:s24], $0x400  }
0x95: {  	[sflag:s24] =	ssyncset.done $0x0  }
0x96: {  	[sflag:s24] =	ssyncadd.s32 $0xFFFFFC00  }
0x97: {  	[tilespmem:s23], [sflag:$0x1] =	stream.indirect.gather [hbm4b:s1+s26], $0x80, s4, s26, $0xb8;
	[tilespmem:$0x1C800] =	vst v63  }
0x98: {  	_ = 	snop  }
0x99: {  	[tilespmem:s28], [sflag:$0x2] =	stream.indirect.gather [hbm4b:s1+s26], $0x80, s26, s26, $0xb8;
	[tilespmem:$0x1C800] =	vst v63  }
0x9a: {  	_ =	swait.ge [sflag:s29], $0x4000  }
0x9b: {  	[sflag:s29] =	ssyncset.done $0x0  }
0x9c: {  	[sflag:s29] =	ssyncadd.s32 $0xFFFFC000  }
0x9d: {  	[spmem:s2] =	stream.indirect.scatter.add.f32 [tilespmem:s23], [sflag:$0x3], $0x80, s25, s26, $0xb8;
	[tilespmem:$0x1C800] =	vst v63  }
0x9e: {  	_ =	swait.ge [sflag:s30], $0x4000  }
0x9f: {  	[sflag:s30] =	ssyncset.done $0x0  }
0xa0: {  	s5 =	rddreg [dreg:$0x4];
	[sflag:s30] =	ssyncadd.s32 $0xFFFFC000  }
0xa1: {  	[tilespmem:s23], [sflag:$0x1] =	stream.indirect.gather [hbm4b:s1+s26], $0x80, s5, s26, $0xb8;
	[tilespmem:$0x1C800] =	vst v63  }
0xa2: {  	_ =	swait.ge [sflag:s31], $0x4000  }
0xa3: {  	[sflag:s31] =	ssyncset.done $0x0  }
0xa4: {  	[sflag:s31] =	ssyncadd.s32 $0xFFFFC000  }
0xa5: {  	[spmem:s2] =	stream.indirect.scatter.add.f32 [tilespmem:s28], [sflag:$0x4], $0x80, s3, s26, $0xb8;
	[tilespmem:$0x1C800] =	vst v63  }
0xa6: {  	_ =	swait.ge [sflag:s0], $0x4000  }
0xa7: {  	[sflag:s0] =	ssyncset.done $0x0  }
0xa8: {  	[sflag:s0] =	ssyncadd.s32 $0xFFFFC000  }
0xa9: {  	[tilespmem:s28], [sflag:$0x2] =	stream.indirect.gather [hbm4b:s1+s26], $0x80, s7, s26, $0xb8;
	[tilespmem:$0x1C800] =	vst v63  }
0xaa: {  	_ =	swait.ge [sflag:s29], $0x4000  }
0xab: {  	[sflag:s29] =	ssyncset.done $0x0  }
0xac: {  	[sflag:s29] =	ssyncadd.s32 $0xFFFFC000  }
0xad: {  	[spmem:s2] =	stream.indirect.scatter.add.f32 [tilespmem:s23], [sflag:$0x3], $0x80, s8, s26, $0xb8;
	[tilespmem:$0x1C800] =	vst v63  }
0xae: {  	_ =	swait.ge [sflag:s30], $0x4000  }
0xaf: {  	[sflag:s30] =	ssyncset.done $0x0  }
0xb0: {  	[sflag:s30] =	ssyncadd.s32 $0xFFFFC000  }
0xb1: {  	[tilespmem:s23], [sflag:$0x1] =	stream.indirect.gather [hbm4b:s1+s26], $0x80, s9, s26, $0xb8;
	[tilespmem:$0x1C800] =	vst v63  }
0xb2: {  	_ =	swait.ge [sflag:s31], $0x4000  }
0xb3: {  	[sflag:s31] =	ssyncset.done $0x0  }
0xb4: {  	[sflag:s31] =	ssyncadd.s32 $0xFFFFC000  }
0xb5: {  	[spmem:s2] =	stream.indirect.scatter.add.f32 [tilespmem:s28], [sflag:$0x4], $0x80, s10, s26, $0xb8;
	[tilespmem:$0x1C800] =	vst v63  }
0xb6: {  	_ =	swait.ge [sflag:s0], $0x4000  }
0xb7: {  	[sflag:s0] =	ssyncset.done $0x0  }
0xb8: {  	[sflag:s0] =	ssyncadd.s32 $0xFFFFC000  }
0xb9: {  	[tilespmem:s28], [sflag:$0x2] =	stream.indirect.gather [hbm4b:s1+s26], $0x80, s11, s26, $0xb8;
	[tilespmem:$0x1C800] =	vst v63  }
0xba: {  	_ =	swait.ge [sflag:s29], $0x4000  }
0xbb: {  	[sflag:s29] =	ssyncset.done $0x0  }
0xbc: {  	[sflag:s29] =	ssyncadd.s32 $0xFFFFC000  }
0xbd: {  	[spmem:s2] =	stream.indirect.scatter.add.f32 [tilespmem:s23], [sflag:$0x3], $0x80, s12, s26, $0xb8;
	[tilespmem:$0x1C800] =	vst v63  }
0xbe: {  	_ =	swait.ge [sflag:s30], $0x4000  }
0xbf: {  	[sflag:s30] =	ssyncset.done $0x0  }
0xc0: {  	[sflag:s30] =	ssyncadd.s32 $0xFFFFC000  }
0xc1: {  	[tilespmem:s23], [sflag:$0x1] =	stream.indirect.gather [hbm4b:s1+s26], $0x80, s13, s26, $0xb8;
	[tilespmem:$0x1C800] =	vst v63  }
0xc2: {  	_ =	swait.ge [sflag:s31], $0x4000  }
0xc3: {  	[sflag:s31] =	ssyncset.done $0x0  }
0xc4: {  	[sflag:s31] =	ssyncadd.s32 $0xFFFFC000  }
0xc5: {  	[spmem:s2] =	stream.indirect.scatter.add.f32 [tilespmem:s28], [sflag:$0x4], $0x80, s14, s26, $0xb8;
	[tilespmem:$0x1C800] =	vst v63  }
0xc6: {  	_ =	swait.ge [sflag:s0], $0x4000  }
0xc7: {  	[sflag:s0] =	ssyncset.done $0x0  }
0xc8: {  	[sflag:s0] =	ssyncadd.s32 $0xFFFFC000  }
0xc9: {  	[tilespmem:s28], [sflag:$0x2] =	stream.indirect.gather [hbm4b:s1+s26], $0x80, s15, s26, $0xb8;
	[tilespmem:$0x1C800] =	vst v63  }
0xca: {  	_ =	swait.ge [sflag:s29], $0x4000  }
0xcb: {  	[sflag:s29] =	ssyncset.done $0x0  }
0xcc: {  	[sflag:s29] =	ssyncadd.s32 $0xFFFFC000  }
0xcd: {  	[spmem:s2] =	stream.indirect.scatter.add.f32 [tilespmem:s23], [sflag:$0x3], $0x80, s16, s26, $0xb8;
	[tilespmem:$0x1C800] =	vst v63  }
0xce: {  	_ =	swait.ge [sflag:s31], $0x4000  }
0xcf: {  	[sflag:s31] =	ssyncset.done $0x0  }
0xd0: {  	p0 =	sne.s32 s19, $0x1;
	[sflag:s31] =	ssyncadd.s32 $0xFFFFC000  }
0xd1: {  	[spmem:s2] =	stream.indirect.scatter.add.f32 [tilespmem:s28], [sflag:$0x4], $0x80, s17, s26, $0xb8;
	[tilespmem:$0x1C800] =	vst v63  }
.Ltmp2:
0xd2: {  	_ =	swait.ge [sflag:s30], $0x4000;
	(pc) =	sbr.rel @p0 .LBB2_4-.Ltmp2, $4  }
0xd3: {  	[sflag:s30] =	ssyncset.done $0x0  }
0xd4: {  	[sflag:s30] =	ssyncadd.s32 $0xFFFFC000  }
0xd5: {  	_ =	swait.ge [sflag:s0], $0x4000  }
0xd6: {  	s19 =	sadd.s32 $0xFFFFFFFF, s19;
	[sflag:s0] =	ssyncset.done $0x0  }
.LBB2_5:
0xd7: {  	[sflag:s0] =	ssyncadd.s32 $0xFFFFC000  }
0xd8: {  	[bflag:$0x0] =	sbarrier.arrive $0xFFFF  }
0xd9: {  	s5 =	rddreg [dreg:$0x5]  }
0xda: {  	[tilespmem:s23], [sflag:$0x5] =	stream.linear.gather [spmem:s5], $0x4000, $0x38;
	[tilespmem:$0x1C800] =	vst v63  }
0xdb: {  	_ =	swait.ge [sflag:s24], $0x4000  }
0xdc: {  	[sflag:s24] =	ssyncset.done $0x0  }
0xdd: {  	s22 =	rddreg [dreg:$0xc];
	[sflag:s24] =	ssyncadd.s32 $0xFFFFC000  }
0xde: {  	[hbm4b:s22+s4] =	stream.linear.scatter [tilespmem:s23], [sflag:$0x5], $0x4000, $0x38;
	[tilespmem:$0x1C800] =	vst v63  }
0xdf: {  	_ =	swait.ge [sflag:s24], $0x4000  }
0xe0: {  	[sflag:s24] =	ssyncset.done $0x0  }
0xe1: {  	s19 =	rddreg [dreg:$0xd];
	[sflag:s24] =	ssyncadd.s32 $0xFFFFC000  }
0xe2: {  	[tilespmem:s23], [sflag:$0x5] =	stream.linear.gather [spmem:s19], $0x4000, $0x38;
	[tilespmem:$0x1C800] =	vst v63  }
0xe3: {  	_ =	swait.ge [sflag:s24], $0x4000  }
0xe4: {  	[sflag:s24] =	ssyncset.done $0x0  }
0xe5: {  	s21 =	rddreg [dreg:$0xe];
	[sflag:s24] =	ssyncadd.s32 $0xFFFFC000  }
0xe6: {  	[hbm4b:s21+s4] =	stream.linear.scatter [tilespmem:s23], [sflag:$0x5], $0x4000, $0x38;
	[tilespmem:$0x1C800] =	vst v63  }
0xe7: {  	_ =	swait.ge [sflag:s24], $0x4000  }
0xe8: {  	[sflag:s24] =	ssyncset.done $0x0  }
0xe9: {  	s22 =	rddreg [dreg:$0xf];
	[sflag:s24] =	ssyncadd.s32 $0xFFFFC000  }
0xea: {  	[tilespmem:s23], [sflag:$0x5] =	stream.linear.gather [spmem:s22], $0x4000, $0x38;
	[tilespmem:$0x1C800] =	vst v63  }
0xeb: {  	_ =	swait.ge [sflag:s24], $0x4000  }
0xec: {  	[sflag:s24] =	ssyncset.done $0x0  }
0xed: {  	s19 =	rddreg [dreg:$0x10];
	[sflag:s24] =	ssyncadd.s32 $0xFFFFC000  }
0xee: {  	[hbm4b:s19+s4] =	stream.linear.scatter [tilespmem:s23], [sflag:$0x5], $0x4000, $0x38;
	[tilespmem:$0x1C800] =	vst v63  }
0xef: {  	_ =	swait.ge [sflag:s24], $0x4000  }
0xf0: {  	[sflag:s24] =	ssyncset.done $0x0  }
0xf1: {  	s21 =	rddreg [dreg:$0x11];
	[sflag:s24] =	ssyncadd.s32 $0xFFFFC000  }
0xf2: {  	[tilespmem:s23], [sflag:$0x5] =	stream.linear.gather [spmem:s21], $0x4000, $0x38;
	[tilespmem:$0x1C800] =	vst v63  }
0xf3: {  	_ =	swait.ge [sflag:s24], $0x4000  }
0xf4: {  	[sflag:s24] =	ssyncset.done $0x0  }
0xf5: {  	s22 =	rddreg [dreg:$0x12];
	[sflag:s24] =	ssyncadd.s32 $0xFFFFC000  }
0xf6: {  	[hbm4b:s22+s4] =	stream.linear.scatter [tilespmem:s23], [sflag:$0x5], $0x4000, $0x38;
	[tilespmem:$0x1C800] =	vst v63  }
0xf7: {  	_ =	swait.ge [sflag:s24], $0x4000  }
0xf8: {  	[sflag:s24] =	ssyncset.done $0x0  }
0xf9: {  	s19 =	rddreg [dreg:$0x13];
	[sflag:s24] =	ssyncadd.s32 $0xFFFFC000  }
0xfa: {  	[tilespmem:s23], [sflag:$0x5] =	stream.linear.gather [spmem:s19], $0x4000, $0x38;
	[tilespmem:$0x1C800] =	vst v63  }
0xfb: {  	_ =	swait.ge [sflag:s24], $0x4000  }
0xfc: {  	[sflag:s24] =	ssyncset.done $0x0  }
0xfd: {  	s21 =	rddreg [dreg:$0x14];
	[sflag:s24] =	ssyncadd.s32 $0xFFFFC000  }
0xfe: {  	[hbm4b:s21+s4] =	stream.linear.scatter [tilespmem:s23], [sflag:$0x5], $0x4000, $0x38;
	[tilespmem:$0x1C800] =	vst v63  }
0xff: {  	_ =	swait.ge [sflag:s24], $0x4000  }
0x100: {  	s18 =	sadd.s32 $0x1, s18;
	s22 =	rddreg [dreg:$0x7]  }
0x101: {  	p0 =	sne.s32 s18, s22  }
.Ltmp3:
0x102: {  	_ = 	snop;
	(pc) =	sbr.rel @p0 .LBB2_1-.Ltmp3, $3  }
0x103: {  	_ =	sdelay $0x1  }
0x104: {  	[sflag:s24] =	ssyncset.done $0x0  }
0x105: {  	[sflag:s24] =	ssyncadd.s32 $0xFFFFC000  }
0x106: {  	_ =	sfence.sel $0x180000  }
0x107: {  	[bflag:$0x0] =	sbarrier.arrive $0xFFFF  }
0x108: {  	_ =	strace $0x9000004A  }
0x109: {  	s0 =	stileid.u32;
	[bflag:$0x2] =	sbarrier.arrive $0xFFFF  }
0x10a: {  	p0 =	sne.s32 s0, $0x0;
	s0 =	rddreg [dreg:$0x3]  }
0x10b: {  	s0 =	sadd.s32 @!p0 $0x100000, s0  }
0x10c: {  	[sflag:s0] =	ssyncadd.tile.s32 @!p0 $0x1;
	_ =	shalt  }
.Lfunc_end2:
_tile_overlayer_lowered:
.L_overlay_start_2:
0x10d: {  	(tag) =	ssettag $0x2  }
0x10e: {  	s0 =	rddreg [dreg:$0x0];
	s2 =	stileid.u32  }
0x10f: {  	s1 =	rddreg [dreg:$0x1];
	p0 =	sne.s32 s2, $0x0  }
0x110: {  	s3 =	rddreg [dreg:$0x2];
	[bflag:$0x3] =	sbarrier.arrive $0xFFFF;
	s2 =	simm.s32 @!p0 $0x1C05  }
0x111: {  	[timem:s3], [sflag:s2] =	dma.local @!p0 [hbm:s0], s1  }
0x112: {  	s0 =	simm.s32 @!p0 $0x5  }
0x113: {  	_ =	swait.ge @!p0 [sflag:s0], s1  }
0x114: {  	s1 =	ssub.s32 @!p0 $0x0, s1;
	[sflag:s0] =	ssyncset.done @!p0 $0x0  }
0x115: {  	[sflag:s0] =	ssyncadd.s32 @!p0 s1  }
0x116: {  	[bflag:$0x3] =	sbarrier.arrive $0xFFFF  }
0x117: {  	_ =	shalt  }

// kernel: kernel.7.cloned.1.call-start
scs
__scs_entry_jumppad:
0x0: {  	(pc) =	sbr.rel $0x88, $3  }
0x1: {  	(tag) =	ssettag $0x0;
	lr =	simm.s32 $0x1  }
0x2: {  	[smem:$0x3F99] =	sst lr;
	_ =	strace $0xD0000000  }
0x3: {  	_ = 	snop  }
0x4: {  	_ = 	snop  }
0x5: {  	_ = 	snop  }
0x6: {  	_ = 	snop  }
0x7: {  	_ = 	snop  }
__scs_overlays_trampoline_lowered:
0x8: {  	[smem:$0x3FA8] =	sst s0  }
0x9: {  	[smem:$0x3FA9] =	sst s1  }
0xa: {  	[smem:$0x3FAA] =	sst s2  }
0xb: {  	[smem:$0x3FAB] =	sst s3  }
0xc: {  	[smem:$0x3FAC] =	sst s4  }
0xd: {  	[smem:$0x3FAD] =	sst s5  }
0xe: {  	[smem:$0x3FAE] =	sst s6  }
0xf: {  	[smem:$0x3FAF] =	sst s7  }
0x10: {  	[smem:$0x3FB0] =	sst s8  }
0x11: {  	[smem:$0x3FB1] =	sst s9;
	s0 =	simm.s32 @!p0 $0x0  }
0x12: {  	s1 =	sld [smem:$0x3F97];
	s0 =	simm.s32 @p0 $0x1  }
0x13: {  	[smem:$0x3FB2] =	sst s0;
	s0 =	simm.s32 @!p1 $0x0  }
0x14: {  	s2 =	sld [smem:$0x3F96];
	s0 =	simm.s32 @p1 $0x1  }
0x15: {  	[smem:$0x3FB3] =	sst s0;
	s0 =	simm.s32 @!p2 $0x0  }
0x16: {  	s3 =	sld [smem:$0x3FDB];
	s0 =	simm.s32 @p2 $0x1  }
0x17: {  	s4 =	simm.s32 $0x1BF5;
	[smem:$0x3FB5] =	sst s0  }
0x18: {  	s0 =	sld [smem:$0x3F98];
	_ =	swait.ge [sflag:s4], $0x0  }
0x19: {  	s7 =	sld [smem:$0x3F99]  }
0x1a: {  	s8 =	sadd.s32 $0xFFFFE003, lr  }
0x1b: {  	s9 =	sadd.s32 $0xFFFFFEF7, lr;
	s5 =	simm.s32 $0xFFFFFFFF;
	p2 =	slt.u32 s8, $0xFFFFF086  }
0x1c: {  	p1 =	slt.u32 s9, $0xF7A;
	s5 =	simm.s32 @!p2 $0x0  }
0x1d: {  	s5 =	simm.s32 @p1 $0x1;
	p0 =	seq.s32 s7, s2  }
0x1e: {  	s7 =	smul.u32 @!p0 $0xF7A, s2;
	p2 =	seq.s32 @!p0 s5, $0x0  }
0x1f: {  	s9 =	smul.u32 $0xF7A, s1;
	s8 =	simm.s32 @!p0 $0x1BF5;
	p2 =	por !p2, p0  }
0x20: {  	[sflag:s8] =	ssyncset.s32 @!p0 $0xFFFFF086;
	s6 =	sadd.s32 @!p0 s3, s7;
	s7 =	simm.s32 @!p0 $0x108  }
0x21: {  	s3 =	sadd.s32 s3, s9;
	s6 =	sadd.s32 @!p0 $0x88, s6;
	s7 =	simm.s32 @p2 $0x1082  }
0x22: {  	[simem:s7], [sflag:s8] =	dma.local @!p0 [hbm:s6], $0xF7A  }
0x23: {  	s9 =	sor.u32 $0xD0000000, s2;
	s6 =	simm.s32 $0x108;
	_ =	swait.ge @!p0 [sflag:s8], $0x0  }
0x24: {  	s3 =	sadd.s32 $0x88, s3;
	s6 =	simm.s32 @!p1 $0x1082;
	[sflag:s4] =	ssyncset.s32 $0xFFFFF086  }
0x25: {  	[simem:s6], [sflag:s4] =	dma.local [hbm:s3], $0xF7A  }
0x26: {  	[smem:$0x3F99] =	sst s1;
	(tag) =	ssettag s2;
	_ =	strace s9  }
0x27: {  	s1 =	sld [smem:$0x3FA9]  }
0x28: {  	s2 =	sld [smem:$0x3FAA]  }
0x29: {  	s4 =	sld [smem:$0x3FAC]  }
0x2a: {  	p0 =	seq.s32 s5, $0x0;
	s5 =	sld [smem:$0x3FAD]  }
0x2b: {  	s6 =	sld [smem:$0x3FAE]  }
0x2c: {  	s7 =	sld [smem:$0x3FAF]  }
0x2d: {  	s3 =	simm.s32 $0x108;
	s8 =	sld [smem:$0x3FB0]  }
0x2e: {  	s3 =	simm.s32 @!p0 $0x1082;
	s9 =	sld [smem:$0x3FB1]  }
0x2f: {  	lr =	sadd.s32 s0, s3;
	s0 =	sld [smem:$0x3FA8]  }
0x30: {  	s3 =	sld [smem:$0x3FAB]  }
0x31: {  	[smem:$0x3FB4] =	sst s10  }
0x32: {  	s10 =	sld [smem:$0x3FB2];
	_ =	sdelay $0x3  }
0x33: {  	p0 =	seq.s32 s10, $0x1;
	s10 =	sld [smem:$0x3FB4];
	_ =	sdelay $0x3  }
0x34: {  	[smem:$0x3FB4] =	sst s10  }
0x35: {  	s10 =	sld [smem:$0x3FB3];
	_ =	sdelay $0x3  }
0x36: {  	p1 =	seq.s32 s10, $0x1;
	s10 =	sld [smem:$0x3FB4];
	_ =	sdelay $0x3  }
0x37: {  	[smem:$0x3FB4] =	sst s10  }
0x38: {  	s10 =	sld [smem:$0x3FB5]  }
0x39: {  	_ = 	snop;
	(pc) =	sbr.ind lr, $3  }
0x3a: {  	_ = 	snop  }
0x3b: {  	_ = 	snop  }
0x3c: {  	p2 =	seq.s32 s10, $0x1;
	s10 =	sld [smem:$0x3FB4]  }
0x3d: {  	_ =	shalt  }
0x3e: {  	_ =	shalt  }
0x3f: {  	_ =	shalt  }
0x40: {  	_ =	shalt  }
0x41: {  	_ =	shalt  }
0x42: {  	_ =	shalt  }
0x43: {  	_ =	shalt  }
0x44: {  	_ =	shalt  }
0x45: {  	_ =	shalt  }
0x46: {  	_ =	shalt  }
0x47: {  	_ =	shalt  }
0x48: {  	_ =	shalt  }
0x49: {  	_ =	shalt  }
0x4a: {  	_ =	shalt  }
0x4b: {  	_ =	shalt  }
0x4c: {  	_ =	shalt  }
0x4d: {  	_ =	shalt  }
0x4e: {  	_ =	shalt  }
0x4f: {  	_ =	shalt  }
0x50: {  	_ =	shalt  }
0x51: {  	_ =	shalt  }
0x52: {  	_ =	shalt  }
0x53: {  	_ =	shalt  }
0x54: {  	_ =	shalt  }
0x55: {  	_ =	shalt  }
0x56: {  	_ =	shalt  }
0x57: {  	_ =	shalt  }
0x58: {  	_ =	shalt  }
0x59: {  	_ =	shalt  }
0x5a: {  	_ =	shalt  }
0x5b: {  	_ =	shalt  }
0x5c: {  	_ =	shalt  }
0x5d: {  	_ =	shalt  }
0x5e: {  	_ =	shalt  }
0x5f: {  	_ =	shalt  }
0x60: {  	_ =	shalt  }
0x61: {  	_ =	shalt  }
0x62: {  	_ =	shalt  }
0x63: {  	_ =	shalt  }
0x64: {  	_ =	shalt  }
0x65: {  	_ =	shalt  }
0x66: {  	_ =	shalt  }
0x67: {  	_ =	shalt  }
0x68: {  	_ =	shalt  }
0x69: {  	_ =	shalt  }
0x6a: {  	_ =	shalt  }
0x6b: {  	_ =	shalt  }
0x6c: {  	_ =	shalt  }
0x6d: {  	_ =	shalt  }
0x6e: {  	_ =	shalt  }
0x6f: {  	_ =	shalt  }
0x70: {  	_ =	shalt  }
0x71: {  	_ =	shalt  }
0x72: {  	_ =	shalt  }
0x73: {  	_ =	shalt  }
0x74: {  	_ =	shalt  }
0x75: {  	_ =	shalt  }
0x76: {  	_ =	shalt  }
0x77: {  	_ =	shalt  }
0x78: {  	_ =	shalt  }
0x79: {  	_ =	shalt  }
0x7a: {  	_ =	shalt  }
0x7b: {  	_ =	shalt  }
0x7c: {  	_ =	shalt  }
0x7d: {  	_ =	shalt  }
0x7e: {  	_ =	shalt  }
0x7f: {  	_ =	shalt  }
0x80: {  	_ =	shalt  }
0x81: {  	_ =	shalt  }
0x82: {  	_ =	shalt  }
0x83: {  	_ =	shalt  }
0x84: {  	_ =	shalt  }
0x85: {  	_ =	shalt  }
0x86: {  	_ =	shalt  }
0x87: {  	_ =	shalt  }
.Lfunc_end0:
.L_simem_size_0:
called_computation_lowered:
.L_overlay_start_0:
0x88: {  	s2 =	sld [smem:$0x3FD9]  }
0x89: {  	s3 =	sld [smem:$0x3FFE];
	_ =	sdelay $0x1  }
0x8a: {  	s1 =	srdreg.scid  }
0x8b: {  	s0 =	sand.u32 $0x1, s1  }
0x8c: {  	s17 =	sshll.u32 s0, $0xA;
	s2 =	sadd.s32 s3, s2  }
0x8d: {  	s2 =	sadd.s32 s2, s17  }
0x8e: {  	[smem:$0x3FC0] =	sst s2  }
0x8f: {  	_ = 	snop  }
0x90: {  	s2 =	sld [smem:$0x3FD0];
	(tm) =	ssettm $0x1  }
0x91: {  	s18 =	sld [smem:$0x3FFB];
	_ =	sdelay $0x3  }
0x92: {  	_ =	strace s18  }
0x93: {  	s3 =	sld [smem:$0x3FFC];
	_ =	sdelay $0x3  }
0x94: {  	_ =	strace s3  }
0x95: {  	s3 =	sld [smem:$0x3FFD];
	_ =	sdelay $0x3  }
0x96: {  	_ =	strace s3  }
0x97: {  	_ =	strace $0x8FFFFFFF  }
0x98: {  	s19 =	sld [smem:$0x3FDB];
	_ =	sdelay $0x1  }
0x99: {  	s4 =	simm.s32 $_scs_section_size  }
0x9a: {  	s5 =	simm.s32 $_size__tile_overlayer_lowered;
	s6 =	simm.s32 $_tile_overlayer_lowered  }
0x9b: {  	s22 =	simm.s32 $0x1BFF;
	s21 =	sshll.u32 s6, $0x1;
	s3 =	sadd.s32 s4, s19  }
0x9c: {  	s7 =	simm.s32 $0x0;
	s20 =	sshll.u32 s5, $0x1;
	s5 =	sadd.s32 s21, s3  }
0x9d: {  	[timem:s7], [sflag:s22] =	dma.local [hbm:s5], s20  }
0x9e: {  	_ =	swait.ge [sflag:s22], s20  }
0x9f: {  	s4 =	ssub.s32 $0x0, s20;
	[sflag:s22] =	ssyncset.done $0x0  }
0xa0: {  	[sflag:s22] =	ssyncadd.s32 s4;
	_ =	sdelay $0x1  }
0xa1: {  	s23 =	simm.s32 $0x1B8B  }
0xa2: {  	_ =	swait.ge [sflag:s23], $0x1  }
0xa3: {  	[sflag:s23] =	ssyncset.done $0x0  }
0xa4: {  	s25 =	simm.s32 $0x1B8E;
	s24 =	sld [smem:$0x3FFE];
	[sflag:s23] =	ssyncadd.s32 $0xFFFFFFFF  }
0xa5: {  	s26 =	simm.s32 $execute0_lowered;
	[smem:$0x3FD2] =	sst s25  }
0xa6: {  	s5 =	sshll.u32 s26, $0x1;
	_ =	strace $0x80000046;
	[dreg:$0x1] =	wrdreg $0xFFFFFFFF  }
0xa7: {  	s28 =	simm.s32 $_size_execute0_lowered;
	s3 =	sadd.s32 s3, s5;
	[dreg:$0x0] =	wrdreg $0x0  }
0xa8: {  	s5 =	sshll.u32 s28, $0x1;
	[dreg:$0x2] =	wrdreg s3  }
0xa9: {  	[dreg:$0x3] =	wrdreg s5  }
0xaa: {  	[dreg:$0x4] =	wrdreg $0xC0  }
0xab: {  	_ =	task [dreg:s7], $0x5FFFF  }
0xac: {  	[dreg:$0x1] =	wrdreg $0xFFFFFFFF  }
0xad: {  	[dreg:$0x0] =	wrdreg $0x60  }
0xae: {  	[dreg:$0x2] =	wrdreg s24  }
0xaf: {  	[dreg:$0x3] =	wrdreg s2  }
0xb0: {  	[dreg:$0x4] =	wrdreg $0x88000  }
0xb1: {  	[dreg:$0x5] =	wrdreg $0x1CB000  }
0xb2: {  	[dreg:$0x6] =	wrdreg $0x9  }
0xb3: {  	_ =	task.clear_ibuf [dreg:s7], $0x7FFFF;
	_ =	strace $0x90000046  }
0xb4: {  	s29 =	simm.s32 $0x9;
	_ =	strace $0x80000048  }
0xb5: {  	_ =	swait.ge [sflag:s29], $0x1  }
0xb6: {  	[sflag:s29] =	ssyncadd.s32 $0xFFFFFFFF  }
0xb7: {  	_ =	strace $0x90000048  }
0xb8: {  	_ =	sfence  }
0xb9: {  	s30 =	sld [smem:$0x0];
	_ =	sdelay $0x2  }
0xba: {  	s31 =	sshll.u32 s1, $0xD;
	s1 =	sshrl.u32 s1, $0x2  }
0xbb: {  	s3 =	sand.u32 $0x4000, s31;
	s1 =	sadd.s32 s1, s30  }
0xbc: {  	s0 =	sor.u32 s3, s0;
	s1 =	sshll.u32 s1, $0x11  }
0xbd: {  	s0 =	sor.u32 s1, s0  }
0xbe: {  	s0 =	sadd.s32 $0x8F2B, s0  }
0xbf: {  	[sflag:s0] =	ssyncadd.remote.s32 $0x1  }
0xc0: {  	_ =	sfence.sel $0xFFFF  }
0xc1: {  	[dreg:$0x0] =	wrdreg $0xFFFFFFFF;
	(pc) =	sbr.abs _section_cstart, $3  }
0xc2: {  	[dreg:$0x1] =	wrdreg $0xFFFFFFFF  }
0xc3: {  	_ =	task.clear_ibuf [dreg:s7], $0x2FFFF;
	_ =	strace $0x9FFFFFFF  }
0xc4: {  	(tm) =	ssettm $0x7FFFFFFF  }
0xc5: {  	_ =	shalt  }
tec
execute0_lowered:
.L_overlay_start_1:
0x0: {  	(tag) =	ssettag $0x1  }
0x1: {  	s0 =	rddreg [dreg:$0x0]  }
0x2: {  	s1 =	rddreg [dreg:$0x1]  }
0x3: {  	s3 =	srdreg.scid;
	s2 =	rddreg [dreg:$0x2]  }
0x4: {  	s14 =	stileid.u32;
	s6 =	simm.s32 $0x98;
	s4 =	rddreg [dreg:$0x3]  }
0x5: {  	s5 =	simm.s32 $0x0;
	s28 =	simm.s32 $0x6;
	s17 =	smul.u32 $0x280, s14  }
0x6: {  	s30 =	simm.s32 $0x400;
	s31 =	simm.s32 $0x80;
	s11 =	smul.u32 $0x50000, s14  }
0x7: {  	s29 =	simm.s32 $0x0;
	s3 =	sand.u32 $0x1, s3;
	s21 =	smul.u32 $0x14000, s14  }
0x8: {  	[smem:$0x7FF] =	sst s5;
	s12 =	sadd.s32 $0x3D800, s0;
	s7 =	smul.u32 $0x980, s3  }
0x9: {  	p0 =	seq.s32 s3, $0x0;
	s9 =	smul.u32 $0x2800, s3;
	_ =	strace $0x80000047  }
0xa: {  	s10 =	ssub.s32 $0x2, s3;
	s3 =	smul.u32 $0x140000, s3;
	s6 =	simm.s32 @!p0 $0x8  }
0xb: {  	s13 =	sshrl.u32 s10, $0x1;
	s19 =	sshrl.u32 s11, $0x2;
	s20 =	sadd.s32 s17, s4  }
0xc: {  	s24 =	sshll.u32 s17, $0x7;
	s8 =	smul.u32 s14, s6;
	s9 =	sadd.s32 s17, s9  }
0xd: {  	s18 =	ssub.s32 s10, s13;
	s10 =	sadd.s32 s19, s2;
	[dreg:$0x9] =	wrdreg s20  }
0xe: {  	s6 =	sshrl.u32 s6, $0x3;
	s26 =	sadd.s32 $0x4000, s24;
	s15 =	sadd.s32 $0x8000, s24  }
0xf: {  	s17 =	sadd.s32 $0xC000, s24;
	s20 =	simm.s32 $0x100;
	[dreg:$0xa] =	wrdreg s6  }
0x10: {  	s9 =	sshrl.u32 s9, $0x3;
	s22 =	smax.u32 s18, $0x1;
	[dreg:$0x8] =	wrdreg s10  }
0x11: {  	s23 =	sadd.s32 $0x4000, s10;
	s25 =	sadd.s32 $0x8000, s10;
	[dreg:$0x5] =	wrdreg s20  }
0x12: {  	s11 =	sadd.s32 $0xC000, s10;
	s13 =	sadd.s32 s3, s26;
	[dreg:$0xc] =	wrdreg s22  }
0x13: {  	s10 =	sadd.s32 $0x10000, s10;
	s16 =	sadd.s32 s3, s15;
	[dreg:$0xd] =	wrdreg s23  }
0x14: {  	s6 =	sadd.s32 $0x10000, s24;
	s18 =	sadd.s32 s3, s17;
	[dreg:$0xe] =	wrdreg s25  }
0x15: {  	s20 =	simm.s32 $0x680;
	s7 =	sadd.s32 s7, s8;
	[dreg:$0xf] =	wrdreg s11  }
0x16: {  	[dreg:$0x10] =	wrdreg s10;
	s14 =	sshrl.u32 s13, $0x3;
	s8 =	sadd.s32 s26, s2  }
0x17: {  	s19 =	sshrl.u32 s18, $0x3;
	s22 =	sadd.s32 s17, s2;
	s23 =	simm.s32 $0x200  }
0x18: {  	s24 =	sadd.s32 s6, s2;
	s10 =	simm.s32 $0x3;
	[dreg:$0x12] =	wrdreg s8  }
0x19: {  	s11 =	simm.s32 $0x2;
	s13 =	simm.s32 $0x5;
	[dreg:$0x18] =	wrdreg s22  }
0x1a: {  	s17 =	simm.s32 $0x280;
	s18 =	simm.s32 $0x600;
	[dreg:$0x19] =	wrdreg s24  }
0x1b: {  	s7 =	sshll.u32 s7, $0x4;
	s8 =	sshrl.u32 s16, $0x3;
	[dreg:$0x7] =	wrdreg s23  }
0x1c: {  	s16 =	simm.s32 $0x580;
	s22 =	simm.s32 $0x700;
	s23 =	simm.s32 $0x780  }
0x1d: {  	s7 =	sadd.s32 s7, s0;
	s0 =	sadd.s32 s9, s0;
	s8 =	sadd.s32 s12, s8  }
0x1e: {  	s9 =	simm.s32 $0x1C800;
	s0 =	sadd.s32 $0x8D800, s0;
	[dreg:$0x14] =	wrdreg s8  }
0x1f: {  	s8 =	sadd.s32 s12, s19;
	s25 =	sadd.s32 $0x2600, s7;
	[dreg:$0xb] =	wrdreg s0  }
0x20: {  	s26 =	sadd.s32 $0xC600, s7;
	s19 =	simm.s32 $0x300;
	[dreg:$0x15] =	wrdreg s8  }
0x21: {  	s0 =	sadd.s32 s3, s21;
	s3 =	sadd.s32 s3, s6;
	[dreg:$0x1a] =	wrdreg s25  }
0x22: {  	s21 =	simm.s32 $0x180;
	[dreg:$0x1b] =	wrdreg s26;
	s26 =	simm.s32 $0x800  }
0x23: {  	s6 =	simm.s32 $0x1C880;
	s0 =	sshrl.u32 s0, $0x3;
	s3 =	sshrl.u32 s3, $0x3  }
0x24: {  	[dreg:$0x6] =	wrdreg s21;
	s21 =	simm.s32 $0x380;
	s0 =	sadd.s32 s12, s0  }
0x25: {  	s3 =	sadd.s32 s12, s3;
	[dreg:$0x11] =	wrdreg s0;
	s0 =	sadd.s32 s12, s14  }
0x26: {  	[dreg:$0x16] =	wrdreg s3;
	s3 =	simm.s32 $0x4800;
	s12 =	simm.s32 $0x480  }
0x27: {  	s14 =	simm.s32 $0x4;
	[dreg:$0x13] =	wrdreg s0;
	s0 =	sadd.s32 s15, s2  }
0x28: {  	v0 =	vimm.f32 $0.0e+00;
	v1 =	vimm.f32 $1.000000000e+00;
	s15 =	simm.s32 $0x500;
	[dreg:$0x17] =	wrdreg s0;
	s0 =	simm.s32 $0x1  }
.LBB2_1:
0x29: {  	s7 =	sand.u32 $0xFE00, s5  }
0x2a: {  	s24 =	sand.u32 $0x70, s5;
	s25 =	sshrl.u32 s7, $0x2  }
0x2b: {  	s7 =	simm.s32 $0x40;
	s25 =	sor.u32 s24, s25;
	s24 =	simm.s32 $0x0  }
.LBB2_2:
0x2c: {  	p0 =	sne.s32 s7, $0xFFC0  }
0x2d: {  	[tilespmem:s25+$0x800] =	vst v0;
	s24 =	sadd.s32 $0x10, s24;
	s25 =	smov.u32 s7;
	s7 =	sadd.s32 $0x40, s7  }
.Ltmp0:
0x2e: {  	(pc) =	sbr.rel @p0 .LBB2_2-.Ltmp0, $4  }
0x2f: {  	_ = 	snop  }
0x30: {  	s25 =	sand.u32 $0xFE00, s25  }
0x31: {  	s8 =	sand.u32 $0x70, s24;
	s25 =	sshrl.u32 s25, $0x2  }
0x32: {  	s25 =	sor.u32 s8, s25  }
0x33: {  	[tilespmem:s25+$0x800] =	vst v0;
	s7 =	rddreg [dreg:$0x8]  }
0x34: {  	[spmem:s7] =	stream.linear.scatter [tilespmem:s26], [sflag:$0x6], $0x4000, $0x38;
	[tilespmem:$0x1CD80] =	vst v63  }
0x35: {  	_ =	swait.ge [sflag:s28], $0x4000  }
0x36: {  	[sflag:s28] =	ssyncset.done $0x0  }
0x37: {  	s24 =	rddreg [dreg:$0xd];
	[sflag:s28] =	ssyncadd.s32 $0xFFFFC000  }
0x38: {  	[spmem:s24] =	stream.linear.scatter [tilespmem:s26], [sflag:$0x6], $0x4000, $0x38;
	[tilespmem:$0x1CD80] =	vst v63  }
0x39: {  	_ =	swait.ge [sflag:s28], $0x4000  }
0x3a: {  	[sflag:s28] =	ssyncset.done $0x0  }
0x3b: {  	s25 =	rddreg [dreg:$0xe];
	[sflag:s28] =	ssyncadd.s32 $0xFFFFC000  }
0x3c: {  	[spmem:s25] =	stream.linear.scatter [tilespmem:s26], [sflag:$0x6], $0x4000, $0x38;
	[tilespmem:$0x1CD80] =	vst v63  }
0x3d: {  	_ =	swait.ge [sflag:s28], $0x4000  }
0x3e: {  	[sflag:s28] =	ssyncset.done $0x0  }
0x3f: {  	s8 =	rddreg [dreg:$0xf];
	[sflag:s28] =	ssyncadd.s32 $0xFFFFC000  }
0x40: {  	[spmem:s8] =	stream.linear.scatter [tilespmem:s26], [sflag:$0x6], $0x4000, $0x38;
	[tilespmem:$0x1CD80] =	vst v63  }
0x41: {  	_ =	swait.ge [sflag:s28], $0x4000  }
0x42: {  	[sflag:s28] =	ssyncset.done $0x0  }
0x43: {  	s24 =	rddreg [dreg:$0x10];
	[sflag:s28] =	ssyncadd.s32 $0xFFFFC000  }
0x44: {  	[spmem:s24] =	stream.linear.scatter [tilespmem:s26], [sflag:$0x6], $0x4000, $0x38;
	[tilespmem:$0x1CD80] =	vst v63  }
0x45: {  	_ =	swait.ge [sflag:s28], $0x4000  }
0x46: {  	[sflag:s28] =	ssyncset.done $0x0  }
0x47: {  	[sflag:s28] =	ssyncadd.s32 $0xFFFFC000  }
0x48: {  	[tilespmem:$0x1C800] =	vst v1  }
0x49: {  	[tilespmem:$0x1C810] =	vst v1  }
0x4a: {  	[tilespmem:$0x1C820] =	vst v1  }
0x4b: {  	[tilespmem:$0x1C830] =	vst v1  }
0x4c: {  	[tilespmem:$0x1C840] =	vst v1  }
0x4d: {  	[tilespmem:$0x1C850] =	vst v1  }
0x4e: {  	[tilespmem:$0x1C860] =	vst v1  }
0x4f: {  	[tilespmem:$0x1C870] =	vst v1  }
0x50: {  	[tilespmem:$0x1C880] =	vst v0  }
0x51: {  	[tilespmem:$0x1C890] =	vst v0  }
0x52: {  	[tilespmem:$0x1C8A0] =	vst v0  }
0x53: {  	[tilespmem:$0x1C8B0] =	vst v0  }
0x54: {  	[tilespmem:$0x1C8C0] =	vst v0  }
0x55: {  	[tilespmem:$0x1C8D0] =	vst v0  }
0x56: {  	[tilespmem:$0x1C8E0] =	vst v0  }
0x57: {  	[tilespmem:$0x1C8F0] =	vst v0  }
0x58: {  	[tilespmem:$0x1C900] =	vst v0  }
0x59: {  	[tilespmem:$0x1C910] =	vst v0  }
0x5a: {  	[tilespmem:$0x1C920] =	vst v0  }
0x5b: {  	[tilespmem:$0x1C930] =	vst v0  }
0x5c: {  	[tilespmem:$0x1C940] =	vst v0  }
0x5d: {  	[tilespmem:$0x1C950] =	vst v0  }
0x5e: {  	[tilespmem:$0x1C960] =	vst v0  }
0x5f: {  	[tilespmem:$0x1C970] =	vst v0  }
0x60: {  	[tilespmem:$0x1C980] =	vst v0  }
0x61: {  	[tilespmem:$0x1C990] =	vst v0  }
0x62: {  	[tilespmem:$0x1C9A0] =	vst v0  }
0x63: {  	[tilespmem:$0x1C9B0] =	vst v0  }
0x64: {  	[tilespmem:$0x1C9C0] =	vst v0  }
0x65: {  	[tilespmem:$0x1C9D0] =	vst v0  }
0x66: {  	[tilespmem:$0x1C9E0] =	vst v0  }
0x67: {  	[tilespmem:$0x1C9F0] =	vst v0  }
0x68: {  	[tilespmem:$0x1CA00] =	vst v0  }
0x69: {  	[tilespmem:$0x1CA10] =	vst v0  }
0x6a: {  	[tilespmem:$0x1CA20] =	vst v0  }
0x6b: {  	[tilespmem:$0x1CA30] =	vst v0  }
0x6c: {  	[tilespmem:$0x1CA40] =	vst v0  }
0x6d: {  	[tilespmem:$0x1CA50] =	vst v0  }
0x6e: {  	[tilespmem:$0x1CA60] =	vst v0  }
0x6f: {  	[tilespmem:$0x1CA70] =	vst v0  }
0x70: {  	[tilespmem:$0x1CA80] =	vst v0  }
0x71: {  	[tilespmem:$0x1CA90] =	vst v0  }
0x72: {  	[tilespmem:$0x1CAA0] =	vst v0  }
0x73: {  	[tilespmem:$0x1CAB0] =	vst v0  }
0x74: {  	[tilespmem:$0x1CAC0] =	vst v0  }
0x75: {  	[tilespmem:$0x1CAD0] =	vst v0  }
0x76: {  	[tilespmem:$0x1CAE0] =	vst v0  }
0x77: {  	s25 =	rddreg [dreg:$0x9];
	[tilespmem:$0x1CAF0] =	vst v0  }
0x78: {  	[spmem:s25] =	stream.linear.scatter [tilespmem:s6], [sflag:$0x6], $0x280, $0x38;
	[tilespmem:$0x1CD80] =	vst v63  }
0x79: {  	_ =	swait.ge [sflag:s28], $0x280  }
0x7a: {  	[sflag:s28] =	ssyncset.done $0x0  }
0x7b: {  	[sflag:s28] =	ssyncadd.s32 $0xFFFFFD80  }
0x7c: {  	[bflag:$0x0] =	sbarrier.arrive $0xFFFF  }
0x7d: {  	s25 =	rddreg [dreg:$0x1b]  }
0x7e: {  	[tilespmem:s5], [sflag:$0x6] =	stream.linear.gather [hbm4b:s25+s5], $0x400, $0x38;
	[tilespmem:$0x1CD80] =	vst v63  }
0x7f: {  	_ =	swait.ge [sflag:s28], $0x400  }
0x80: {  	[sflag:s28] =	ssyncset.done $0x0  }
0x81: {  	s24 =	rddreg [dreg:$0x1a];
	[sflag:s28] =	ssyncadd.s32 $0xFFFFFC00  }
0x82: {  	[tilespmem:s30], [sflag:$0x6] =	stream.linear.gather [hbm4b:s24+s5], $0x400, $0x38;
	[tilespmem:$0x1CD80] =	vst v63  }
0x83: {  	_ =	swait.ge [sflag:s28], $0x400  }
0x84: {  	[sflag:s28] =	ssyncset.done $0x0  }
0x85: {  	[sflag:s28] =	ssyncadd.s32 $0xFFFFFC00  }
0x86: {  	[tilespmem:s26], [sflag:$0x1] =	stream.indirect.gather [hbm4b:s1+s31], $0x80, s5, s31, $0xb8;
	[tilespmem:$0x1CD80] =	vst v63  }
0x87: {  	_ = 	snop  }
0x88: {  	[tilespmem:s3], [sflag:$0x2] =	stream.indirect.gather [hbm4b:s1+s31], $0x80, s31, s31, $0xb8;
	[tilespmem:$0x1CD80] =	vst v63  }
0x89: {  	_ =	swait.ge [sflag:s0], $0x4000  }
0x8a: {  	[sflag:s0] =	ssyncset.done $0x0  }
0x8b: {  	[sflag:s0] =	ssyncadd.s32 $0xFFFFC000  }
0x8c: {  	[spmem:s2] =	stream.indirect.scatter.add.f32 [tilespmem:s26], [sflag:$0x3], $0x80, s30, s31, $0xb8;
	[tilespmem:$0x1CD80] =	vst v63  }
0x8d: {  	_ = 	snop  }
0x8e: {  	[spmem:s4] =	stream.indirect.scatter.add.f32 [tilespmem:s9], [sflag:$0x5], $0x1, s30, s31, $0xb8;
	[tilespmem:$0x1CD80] =	vst v63  }
0x8f: {  	_ =	swait.ge [sflag:s10], $0x4000  }
0x90: {  	[sflag:s10] =	ssyncset.done $0x0  }
0x91: {  	s6 =	rddreg [dreg:$0x5];
	[sflag:s10] =	ssyncadd.s32 $0xFFFFC000  }
0x92: {  	[tilespmem:s26], [sflag:$0x1] =	stream.indirect.gather [hbm4b:s1+s31], $0x80, s6, s31, $0xb8;
	[tilespmem:$0x1CD80] =	vst v63  }
0x93: {  	_ =	swait.ge [sflag:s11], $0x4000  }
0x94: {  	[sflag:s11] =	ssyncset.done $0x0  }
0x95: {  	[sflag:s11] =	ssyncadd.s32 $0xFFFFC000  }
0x96: {  	[spmem:s2] =	stream.indirect.scatter.add.f32 [tilespmem:s3], [sflag:$0x4], $0x80, s12, s31, $0xb8;
	[tilespmem:$0x1CD80] =	vst v63  }
0x97: {  	_ =	swait.ge [sflag:s13], $0x80  }
0x98: {  	[sflag:s13] =	ssyncset.done $0x0  }
0x99: {  	[sflag:s13] =	ssyncadd.s32 $0xFFFFFF80  }
0x9a: {  	[spmem:s4] =	stream.indirect.scatter.add.f32 [tilespmem:s9], [sflag:$0x5], $0x1, s12, s31, $0xb8;
	[tilespmem:$0x1CD80] =	vst v63  }
0x9b: {  	_ =	swait.ge [sflag:s14], $0x4000  }
0x9c: {  	[sflag:s14] =	ssyncset.done $0x0  }
0x9d: {  	s8 =	rddreg [dreg:$0x6];
	[sflag:s14] =	ssyncadd.s32 $0xFFFFC000  }
0x9e: {  	[tilespmem:s3], [sflag:$0x2] =	stream.indirect.gather [hbm4b:s1+s31], $0x80, s8, s31, $0xb8;
	[tilespmem:$0x1CD80] =	vst v63  }
0x9f: {  	_ =	swait.ge [sflag:s0], $0x4000  }
0xa0: {  	[sflag:s0] =	ssyncset.done $0x0  }
0xa1: {  	[sflag:s0] =	ssyncadd.s32 $0xFFFFC000  }
0xa2: {  	[spmem:s2] =	stream.indirect.scatter.add.f32 [tilespmem:s26], [sflag:$0x3], $0x80, s15, s31, $0xb8;
	[tilespmem:$0x1CD80] =	vst v63  }
0xa3: {  	_ =	swait.ge [sflag:s13], $0x80  }
0xa4: {  	[sflag:s13] =	ssyncset.done $0x0  }
0xa5: {  	[sflag:s13] =	ssyncadd.s32 $0xFFFFFF80  }
0xa6: {  	[spmem:s4] =	stream.indirect.scatter.add.f32 [tilespmem:s9], [sflag:$0x5], $0x1, s15, s31, $0xb8;
	[tilespmem:$0x1CD80] =	vst v63  }
0xa7: {  	_ =	swait.ge [sflag:s10], $0x4000  }
0xa8: {  	[sflag:s10] =	ssyncset.done $0x0  }
0xa9: {  	s6 =	rddreg [dreg:$0x7];
	[sflag:s10] =	ssyncadd.s32 $0xFFFFC000  }
0xaa: {  	[tilespmem:s26], [sflag:$0x1] =	stream.indirect.gather [hbm4b:s1+s31], $0x80, s6, s31, $0xb8;
	[tilespmem:$0x1CD80] =	vst v63  }
0xab: {  	_ =	swait.ge [sflag:s11], $0x4000  }
0xac: {  	[sflag:s11] =	ssyncset.done $0x0  }
0xad: {  	[sflag:s11] =	ssyncadd.s32 $0xFFFFC000  }
0xae: {  	[spmem:s2] =	stream.indirect.scatter.add.f32 [tilespmem:s3], [sflag:$0x4], $0x80, s16, s31, $0xb8;
	[tilespmem:$0x1CD80] =	vst v63  }
0xaf: {  	_ =	swait.ge [sflag:s13], $0x80  }
0xb0: {  	[sflag:s13] =	ssyncset.done $0x0  }
0xb1: {  	[sflag:s13] =	ssyncadd.s32 $0xFFFFFF80  }
0xb2: {  	[spmem:s4] =	stream.indirect.scatter.add.f32 [tilespmem:s9], [sflag:$0x5], $0x1, s16, s31, $0xb8;
	[tilespmem:$0x1CD80] =	vst v63  }
0xb3: {  	_ =	swait.ge [sflag:s14], $0x4000  }
0xb4: {  	[sflag:s14] =	ssyncset.done $0x0  }
0xb5: {  	[sflag:s14] =	ssyncadd.s32 $0xFFFFC000  }
0xb6: {  	[tilespmem:s3], [sflag:$0x2] =	stream.indirect.gather [hbm4b:s1+s31], $0x80, s17, s31, $0xb8;
	[tilespmem:$0x1CD80] =	vst v63  }
0xb7: {  	_ =	swait.ge [sflag:s0], $0x4000  }
0xb8: {  	[sflag:s0] =	ssyncset.done $0x0  }
0xb9: {  	[sflag:s0] =	ssyncadd.s32 $0xFFFFC000  }
0xba: {  	[spmem:s2] =	stream.indirect.scatter.add.f32 [tilespmem:s26], [sflag:$0x3], $0x80, s18, s31, $0xb8;
	[tilespmem:$0x1CD80] =	vst v63  }
0xbb: {  	_ =	swait.ge [sflag:s13], $0x80  }
0xbc: {  	[sflag:s13] =	ssyncset.done $0x0  }
0xbd: {  	[sflag:s13] =	ssyncadd.s32 $0xFFFFFF80  }
0xbe: {  	[spmem:s4] =	stream.indirect.scatter.add.f32 [tilespmem:s9], [sflag:$0x5], $0x1, s18, s31, $0xb8;
	[tilespmem:$0x1CD80] =	vst v63  }
0xbf: {  	_ =	swait.ge [sflag:s10], $0x4000  }
0xc0: {  	[sflag:s10] =	ssyncset.done $0x0  }
0xc1: {  	[sflag:s10] =	ssyncadd.s32 $0xFFFFC000  }
0xc2: {  	[tilespmem:s26], [sflag:$0x1] =	stream.indirect.gather [hbm4b:s1+s31], $0x80, s19, s31, $0xb8;
	[tilespmem:$0x1CD80] =	vst v63  }
0xc3: {  	_ =	swait.ge [sflag:s11], $0x4000  }
0xc4: {  	[sflag:s11] =	ssyncset.done $0x0  }
0xc5: {  	[sflag:s11] =	ssyncadd.s32 $0xFFFFC000  }
0xc6: {  	[spmem:s2] =	stream.indirect.scatter.add.f32 [tilespmem:s3], [sflag:$0x4], $0x80, s20, s31, $0xb8;
	[tilespmem:$0x1CD80] =	vst v63  }
0xc7: {  	_ =	swait.ge [sflag:s13], $0x80  }
0xc8: {  	[sflag:s13] =	ssyncset.done $0x0  }
0xc9: {  	[sflag:s13] =	ssyncadd.s32 $0xFFFFFF80  }
0xca: {  	[spmem:s4] =	stream.indirect.scatter.add.f32 [tilespmem:s9], [sflag:$0x5], $0x1, s20, s31, $0xb8;
	[tilespmem:$0x1CD80] =	vst v63  }
0xcb: {  	_ =	swait.ge [sflag:s14], $0x4000  }
0xcc: {  	[sflag:s14] =	ssyncset.done $0x0  }
0xcd: {  	[sflag:s14] =	ssyncadd.s32 $0xFFFFC000  }
0xce: {  	[tilespmem:s3], [sflag:$0x2] =	stream.indirect.gather [hbm4b:s1+s31], $0x80, s21, s31, $0xb8;
	[tilespmem:$0x1CD80] =	vst v63  }
0xcf: {  	_ =	swait.ge [sflag:s0], $0x4000  }
0xd0: {  	[sflag:s0] =	ssyncset.done $0x0  }
0xd1: {  	[sflag:s0] =	ssyncadd.s32 $0xFFFFC000  }
0xd2: {  	[spmem:s2] =	stream.indirect.scatter.add.f32 [tilespmem:s26], [sflag:$0x3], $0x80, s22, s31, $0xb8;
	[tilespmem:$0x1CD80] =	vst v63  }
0xd3: {  	_ =	swait.ge [sflag:s13], $0x80  }
0xd4: {  	[sflag:s13] =	ssyncset.done $0x0  }
0xd5: {  	[sflag:s13] =	ssyncadd.s32 $0xFFFFFF80  }
0xd6: {  	[spmem:s4] =	stream.indirect.scatter.add.f32 [tilespmem:s9], [sflag:$0x5], $0x1, s22, s31, $0xb8;
	[tilespmem:$0x1CD80] =	vst v63  }
0xd7: {  	_ =	swait.ge [sflag:s11], $0x4000  }
0xd8: {  	[sflag:s11] =	ssyncset.done $0x0  }
0xd9: {  	[sflag:s11] =	ssyncadd.s32 $0xFFFFC000  }
0xda: {  	[spmem:s2] =	stream.indirect.scatter.add.f32 [tilespmem:s3], [sflag:$0x4], $0x80, s23, s31, $0xb8;
	[tilespmem:$0x1CD80] =	vst v63  }
0xdb: {  	_ =	swait.ge [sflag:s13], $0x80  }
0xdc: {  	[sflag:s13] =	ssyncset.done $0x0  }
0xdd: {  	[sflag:s13] =	ssyncadd.s32 $0xFFFFFF80  }
0xde: {  	[spmem:s4] =	stream.indirect.scatter.add.f32 [tilespmem:s9], [sflag:$0x5], $0x1, s23, s31, $0xb8;
	[tilespmem:$0x1CD80] =	vst v63  }
0xdf: {  	_ =	swait.ge [sflag:s10], $0x4000  }
0xe0: {  	[sflag:s10] =	ssyncset.done $0x0  }
0xe1: {  	[sflag:s10] =	ssyncadd.s32 $0xFFFFC000  }
0xe2: {  	_ =	swait.ge [sflag:s14], $0x4000  }
0xe3: {  	s8 =	rddreg [dreg:$0xa]  }
0xe4: {  	p0 =	sne.s32 s8, $0x1  }
.Ltmp1:
0xe5: {  	_ = 	snop;
	(pc) =	sbr.rel @!p0 .LBB2_5-.Ltmp1, $4  }
0xe6: {  	[sflag:s14] =	ssyncset.done $0x0  }
0xe7: {  	[sflag:s14] =	ssyncadd.s32 $0xFFFFC000  }
0xe8: {  	_ =	swait.ge [sflag:s13], $0x80  }
0xe9: {  	s7 =	sadd.s32 $0xFFFFFFFF, s8;
	[sflag:s13] =	ssyncset.done $0x0  }
.LBB2_4:
0xea: {  	[sflag:s13] =	ssyncadd.s32 $0xFFFFFF80;
	s25 =	sadd.s32 $0x80, s25  }
0xeb: {  	[tilespmem:s5], [sflag:$0x6] =	stream.linear.gather [hbm4b:s25+s5], $0x400, $0x38;
	[tilespmem:$0x1CD80] =	vst v63  }
0xec: {  	_ =	swait.ge [sflag:s28], $0x400  }
0xed: {  	[sflag:s28] =	ssyncset.done $0x0  }
0xee: {  	s24 =	sadd.s32 $0x80, s24;
	[sflag:s28] =	ssyncadd.s32 $0xFFFFFC00  }
0xef: {  	[tilespmem:s30], [sflag:$0x6] =	stream.linear.gather [hbm4b:s24+s5], $0x400, $0x38;
	[tilespmem:$0x1CD80] =	vst v63  }
0xf0: {  	_ =	swait.ge [sflag:s28], $0x400  }
0xf1: {  	[sflag:s28] =	ssyncset.done $0x0  }
0xf2: {  	[sflag:s28] =	ssyncadd.s32 $0xFFFFFC00  }
0xf3: {  	[tilespmem:s26], [sflag:$0x1] =	stream.indirect.gather [hbm4b:s1+s31], $0x80, s5, s31, $0xb8;
	[tilespmem:$0x1CD80] =	vst v63  }
0xf4: {  	_ = 	snop  }
0xf5: {  	[tilespmem:s3], [sflag:$0x2] =	stream.indirect.gather [hbm4b:s1+s31], $0x80, s31, s31, $0xb8;
	[tilespmem:$0x1CD80] =	vst v63  }
0xf6: {  	_ =	swait.ge [sflag:s0], $0x4000  }
0xf7: {  	[sflag:s0] =	ssyncset.done $0x0  }
0xf8: {  	[sflag:s0] =	ssyncadd.s32 $0xFFFFC000  }
0xf9: {  	[spmem:s2] =	stream.indirect.scatter.add.f32 [tilespmem:s26], [sflag:$0x3], $0x80, s30, s31, $0xb8;
	[tilespmem:$0x1CD80] =	vst v63  }
0xfa: {  	_ = 	snop  }
0xfb: {  	[spmem:s4] =	stream.indirect.scatter.add.f32 [tilespmem:s9], [sflag:$0x5], $0x1, s30, s31, $0xb8;
	[tilespmem:$0x1CD80] =	vst v63  }
0xfc: {  	_ =	swait.ge [sflag:s10], $0x4000  }
0xfd: {  	[sflag:s10] =	ssyncset.done $0x0  }
0xfe: {  	s8 =	rddreg [dreg:$0x5];
	[sflag:s10] =	ssyncadd.s32 $0xFFFFC000  }
0xff: {  	[tilespmem:s26], [sflag:$0x1] =	stream.indirect.gather [hbm4b:s1+s31], $0x80, s8, s31, $0xb8;
	[tilespmem:$0x1CD80] =	vst v63  }
0x100: {  	_ =	swait.ge [sflag:s11], $0x4000  }
0x101: {  	[sflag:s11] =	ssyncset.done $0x0  }
0x102: {  	[sflag:s11] =	ssyncadd.s32 $0xFFFFC000  }
0x103: {  	[spmem:s2] =	stream.indirect.scatter.add.f32 [tilespmem:s3], [sflag:$0x4], $0x80, s12, s31, $0xb8;
	[tilespmem:$0x1CD80] =	vst v63  }
0x104: {  	_ =	swait.ge [sflag:s13], $0x80  }
0x105: {  	[sflag:s13] =	ssyncset.done $0x0  }
0x106: {  	[sflag:s13] =	ssyncadd.s32 $0xFFFFFF80  }
0x107: {  	[spmem:s4] =	stream.indirect.scatter.add.f32 [tilespmem:s9], [sflag:$0x5], $0x1, s12, s31, $0xb8;
	[tilespmem:$0x1CD80] =	vst v63  }
0x108: {  	_ =	swait.ge [sflag:s14], $0x4000  }
0x109: {  	[sflag:s14] =	ssyncset.done $0x0  }
0x10a: {  	s6 =	rddreg [dreg:$0x6];
	[sflag:s14] =	ssyncadd.s32 $0xFFFFC000  }
0x10b: {  	[tilespmem:s3], [sflag:$0x2] =	stream.indirect.gather [hbm4b:s1+s31], $0x80, s6, s31, $0xb8;
	[tilespmem:$0x1CD80] =	vst v63  }
0x10c: {  	_ =	swait.ge [sflag:s0], $0x4000  }
0x10d: {  	[sflag:s0] =	ssyncset.done $0x0  }
0x10e: {  	[sflag:s0] =	ssyncadd.s32 $0xFFFFC000  }
0x10f: {  	[spmem:s2] =	stream.indirect.scatter.add.f32 [tilespmem:s26], [sflag:$0x3], $0x80, s15, s31, $0xb8;
	[tilespmem:$0x1CD80] =	vst v63  }
0x110: {  	_ =	swait.ge [sflag:s13], $0x80  }
0x111: {  	[sflag:s13] =	ssyncset.done $0x0  }
0x112: {  	[sflag:s13] =	ssyncadd.s32 $0xFFFFFF80  }
0x113: {  	[spmem:s4] =	stream.indirect.scatter.add.f32 [tilespmem:s9], [sflag:$0x5], $0x1, s15, s31, $0xb8;
	[tilespmem:$0x1CD80] =	vst v63  }
0x114: {  	_ =	swait.ge [sflag:s10], $0x4000  }
0x115: {  	[sflag:s10] =	ssyncset.done $0x0  }
0x116: {  	s6 =	rddreg [dreg:$0x7];
	[sflag:s10] =	ssyncadd.s32 $0xFFFFC000  }
0x117: {  	[tilespmem:s26], [sflag:$0x1] =	stream.indirect.gather [hbm4b:s1+s31], $0x80, s6, s31, $0xb8;
	[tilespmem:$0x1CD80] =	vst v63  }
0x118: {  	_ =	swait.ge [sflag:s11], $0x4000  }
0x119: {  	[sflag:s11] =	ssyncset.done $0x0  }
0x11a: {  	[sflag:s11] =	ssyncadd.s32 $0xFFFFC000  }
0x11b: {  	[spmem:s2] =	stream.indirect.scatter.add.f32 [tilespmem:s3], [sflag:$0x4], $0x80, s16, s31, $0xb8;
	[tilespmem:$0x1CD80] =	vst v63  }
0x11c: {  	_ =	swait.ge [sflag:s13], $0x80  }
0x11d: {  	[sflag:s13] =	ssyncset.done $0x0  }
0x11e: {  	[sflag:s13] =	ssyncadd.s32 $0xFFFFFF80  }
0x11f: {  	[spmem:s4] =	stream.indirect.scatter.add.f32 [tilespmem:s9], [sflag:$0x5], $0x1, s16, s31, $0xb8;
	[tilespmem:$0x1CD80] =	vst v63  }
0x120: {  	_ =	swait.ge [sflag:s14], $0x4000  }
0x121: {  	[sflag:s14] =	ssyncset.done $0x0  }
0x122: {  	[sflag:s14] =	ssyncadd.s32 $0xFFFFC000  }
0x123: {  	[tilespmem:s3], [sflag:$0x2] =	stream.indirect.gather [hbm4b:s1+s31], $0x80, s17, s31, $0xb8;
	[tilespmem:$0x1CD80] =	vst v63  }
0x124: {  	_ =	swait.ge [sflag:s0], $0x4000  }
0x125: {  	[sflag:s0] =	ssyncset.done $0x0  }
0x126: {  	[sflag:s0] =	ssyncadd.s32 $0xFFFFC000  }
0x127: {  	[spmem:s2] =	stream.indirect.scatter.add.f32 [tilespmem:s26], [sflag:$0x3], $0x80, s18, s31, $0xb8;
	[tilespmem:$0x1CD80] =	vst v63  }
0x128: {  	_ =	swait.ge [sflag:s13], $0x80  }
0x129: {  	[sflag:s13] =	ssyncset.done $0x0  }
0x12a: {  	[sflag:s13] =	ssyncadd.s32 $0xFFFFFF80  }
0x12b: {  	[spmem:s4] =	stream.indirect.scatter.add.f32 [tilespmem:s9], [sflag:$0x5], $0x1, s18, s31, $0xb8;
	[tilespmem:$0x1CD80] =	vst v63  }
0x12c: {  	_ =	swait.ge [sflag:s10], $0x4000  }
0x12d: {  	[sflag:s10] =	ssyncset.done $0x0  }
0x12e: {  	[sflag:s10] =	ssyncadd.s32 $0xFFFFC000  }
0x12f: {  	[tilespmem:s26], [sflag:$0x1] =	stream.indirect.gather [hbm4b:s1+s31], $0x80, s19, s31, $0xb8;
	[tilespmem:$0x1CD80] =	vst v63  }
0x130: {  	_ =	swait.ge [sflag:s11], $0x4000  }
0x131: {  	[sflag:s11] =	ssyncset.done $0x0  }
0x132: {  	[sflag:s11] =	ssyncadd.s32 $0xFFFFC000  }
0x133: {  	[spmem:s2] =	stream.indirect.scatter.add.f32 [tilespmem:s3], [sflag:$0x4], $0x80, s20, s31, $0xb8;
	[tilespmem:$0x1CD80] =	vst v63  }
0x134: {  	_ =	swait.ge [sflag:s13], $0x80  }
0x135: {  	[sflag:s13] =	ssyncset.done $0x0  }
0x136: {  	[sflag:s13] =	ssyncadd.s32 $0xFFFFFF80  }
0x137: {  	[spmem:s4] =	stream.indirect.scatter.add.f32 [tilespmem:s9], [sflag:$0x5], $0x1, s20, s31, $0xb8;
	[tilespmem:$0x1CD80] =	vst v63  }
0x138: {  	_ =	swait.ge [sflag:s14], $0x4000  }
0x139: {  	[sflag:s14] =	ssyncset.done $0x0  }
0x13a: {  	[sflag:s14] =	ssyncadd.s32 $0xFFFFC000  }
0x13b: {  	[tilespmem:s3], [sflag:$0x2] =	stream.indirect.gather [hbm4b:s1+s31], $0x80, s21, s31, $0xb8;
	[tilespmem:$0x1CD80] =	vst v63  }
0x13c: {  	_ =	swait.ge [sflag:s0], $0x4000  }
0x13d: {  	[sflag:s0] =	ssyncset.done $0x0  }
0x13e: {  	[sflag:s0] =	ssyncadd.s32 $0xFFFFC000  }
0x13f: {  	[spmem:s2] =	stream.indirect.scatter.add.f32 [tilespmem:s26], [sflag:$0x3], $0x80, s22, s31, $0xb8;
	[tilespmem:$0x1CD80] =	vst v63  }
0x140: {  	_ =	swait.ge [sflag:s13], $0x80  }
0x141: {  	[sflag:s13] =	ssyncset.done $0x0  }
0x142: {  	[sflag:s13] =	ssyncadd.s32 $0xFFFFFF80  }
0x143: {  	[spmem:s4] =	stream.indirect.scatter.add.f32 [tilespmem:s9], [sflag:$0x5], $0x1, s22, s31, $0xb8;
	[tilespmem:$0x1CD80] =	vst v63  }
0x144: {  	_ =	swait.ge [sflag:s11], $0x4000  }
0x145: {  	[sflag:s11] =	ssyncset.done $0x0  }
0x146: {  	[sflag:s11] =	ssyncadd.s32 $0xFFFFC000  }
0x147: {  	[spmem:s2] =	stream.indirect.scatter.add.f32 [tilespmem:s3], [sflag:$0x4], $0x80, s23, s31, $0xb8;
	[tilespmem:$0x1CD80] =	vst v63  }
0x148: {  	_ =	swait.ge [sflag:s13], $0x80  }
0x149: {  	[sflag:s13] =	ssyncset.done $0x0  }
0x14a: {  	[sflag:s13] =	ssyncadd.s32 $0xFFFFFF80  }
0x14b: {  	[spmem:s4] =	stream.indirect.scatter.add.f32 [tilespmem:s9], [sflag:$0x5], $0x1, s23, s31, $0xb8;
	[tilespmem:$0x1CD80] =	vst v63  }
0x14c: {  	_ =	swait.ge [sflag:s10], $0x4000  }
0x14d: {  	[sflag:s10] =	ssyncset.done $0x0  }
0x14e: {  	p0 =	sne.s32 s7, $0x1;
	[sflag:s10] =	ssyncadd.s32 $0xFFFFC000  }
.Ltmp2:
0x14f: {  	_ =	swait.ge [sflag:s14], $0x4000;
	(pc) =	sbr.rel @p0 .LBB2_4-.Ltmp2, $4  }
0x150: {  	[sflag:s14] =	ssyncset.done $0x0  }
0x151: {  	[sflag:s14] =	ssyncadd.s32 $0xFFFFC000  }
0x152: {  	_ =	swait.ge [sflag:s13], $0x80  }
0x153: {  	s7 =	sadd.s32 $0xFFFFFFFF, s7;
	[sflag:s13] =	ssyncset.done $0x0  }
.LBB2_5:
0x154: {  	[sflag:s13] =	ssyncadd.s32 $0xFFFFFF80  }
0x155: {  	[bflag:$0x0] =	sbarrier.arrive $0xFFFF  }
0x156: {  	s7 =	rddreg [dreg:$0x8]  }
0x157: {  	[tilespmem:s26], [sflag:$0x6] =	stream.linear.gather [spmem:s7], $0x4000, $0x38;
	[tilespmem:$0x1CD80] =	vst v63  }
0x158: {  	_ =	swait.ge [sflag:s28], $0x4000  }
0x159: {  	[sflag:s28] =	ssyncset.done $0x0  }
0x15a: {  	s25 =	rddreg [dreg:$0x11];
	[sflag:s28] =	ssyncadd.s32 $0xFFFFC000  }
0x15b: {  	[hbm4b:s25+s5] =	stream.linear.scatter [tilespmem:s26], [sflag:$0x6], $0x4000, $0x38;
	[tilespmem:$0x1CD80] =	vst v63  }
0x15c: {  	_ =	swait.ge [sflag:s28], $0x4000  }
0x15d: {  	[sflag:s28] =	ssyncset.done $0x0  }
0x15e: {  	s6 =	rddreg [dreg:$0x12];
	[sflag:s28] =	ssyncadd.s32 $0xFFFFC000  }
0x15f: {  	[tilespmem:s26], [sflag:$0x6] =	stream.linear.gather [spmem:s6], $0x4000, $0x38;
	[tilespmem:$0x1CD80] =	vst v63  }
0x160: {  	_ =	swait.ge [sflag:s28], $0x4000  }
0x161: {  	[sflag:s28] =	ssyncset.done $0x0  }
0x162: {  	s8 =	rddreg [dreg:$0x13];
	[sflag:s28] =	ssyncadd.s32 $0xFFFFC000  }
0x163: {  	[hbm4b:s8+s5] =	stream.linear.scatter [tilespmem:s26], [sflag:$0x6], $0x4000, $0x38;
	[tilespmem:$0x1CD80] =	vst v63  }
0x164: {  	_ =	swait.ge [sflag:s28], $0x4000  }
0x165: {  	[sflag:s28] =	ssyncset.done $0x0  }
0x166: {  	s24 =	rddreg [dreg:$0x17];
	[sflag:s28] =	ssyncadd.s32 $0xFFFFC000  }
0x167: {  	[tilespmem:s26], [sflag:$0x6] =	stream.linear.gather [spmem:s24], $0x4000, $0x38;
	[tilespmem:$0x1CD80] =	vst v63  }
0x168: {  	_ =	swait.ge [sflag:s28], $0x4000  }
0x169: {  	[sflag:s28] =	ssyncset.done $0x0  }
0x16a: {  	s25 =	rddreg [dreg:$0x14];
	[sflag:s28] =	ssyncadd.s32 $0xFFFFC000  }
0x16b: {  	[hbm4b:s25+s5] =	stream.linear.scatter [tilespmem:s26], [sflag:$0x6], $0x4000, $0x38;
	[tilespmem:$0x1CD80] =	vst v63  }
0x16c: {  	_ =	swait.ge [sflag:s28], $0x4000  }
0x16d: {  	[sflag:s28] =	ssyncset.done $0x0  }
0x16e: {  	s6 =	rddreg [dreg:$0x18];
	[sflag:s28] =	ssyncadd.s32 $0xFFFFC000  }
0x16f: {  	[tilespmem:s26], [sflag:$0x6] =	stream.linear.gather [spmem:s6], $0x4000, $0x38;
	[tilespmem:$0x1CD80] =	vst v63  }
0x170: {  	_ =	swait.ge [sflag:s28], $0x4000  }
0x171: {  	[sflag:s28] =	ssyncset.done $0x0  }
0x172: {  	s8 =	rddreg [dreg:$0x15];
	[sflag:s28] =	ssyncadd.s32 $0xFFFFC000  }
0x173: {  	[hbm4b:s8+s5] =	stream.linear.scatter [tilespmem:s26], [sflag:$0x6], $0x4000, $0x38;
	[tilespmem:$0x1CD80] =	vst v63  }
0x174: {  	_ =	swait.ge [sflag:s28], $0x4000  }
0x175: {  	[sflag:s28] =	ssyncset.done $0x0  }
0x176: {  	s24 =	rddreg [dreg:$0x19];
	[sflag:s28] =	ssyncadd.s32 $0xFFFFC000  }
0x177: {  	[tilespmem:s26], [sflag:$0x6] =	stream.linear.gather [spmem:s24], $0x4000, $0x38;
	[tilespmem:$0x1CD80] =	vst v63  }
0x178: {  	_ =	swait.ge [sflag:s28], $0x4000  }
0x179: {  	[sflag:s28] =	ssyncset.done $0x0  }
0x17a: {  	s25 =	rddreg [dreg:$0x16];
	[sflag:s28] =	ssyncadd.s32 $0xFFFFC000  }
0x17b: {  	[hbm4b:s25+s5] =	stream.linear.scatter [tilespmem:s26], [sflag:$0x6], $0x4000, $0x38;
	[tilespmem:$0x1CD80] =	vst v63  }
0x17c: {  	_ =	swait.ge [sflag:s28], $0x4000  }
0x17d: {  	[sflag:s28] =	ssyncset.done $0x0  }
0x17e: {  	s8 =	simm.s32 $0x1C880;
	s6 =	rddreg [dreg:$0x9];
	[sflag:s28] =	ssyncadd.s32 $0xFFFFC000  }
0x17f: {  	[tilespmem:s8], [sflag:$0x6] =	stream.linear.gather [spmem:s6], $0x280, $0x38;
	[tilespmem:$0x1CD80] =	vst v63  }
0x180: {  	_ =	swait.ge [sflag:s28], $0x280  }
0x181: {  	[sflag:s28] =	ssyncset.done $0x0  }
0x182: {  	s24 =	rddreg [dreg:$0xb];
	[sflag:s28] =	ssyncadd.s32 $0xFFFFFD80  }
0x183: {  	[hbm4b:s24+s5] =	stream.linear.scatter [tilespmem:s8], [sflag:$0x6], $0x280, $0x38;
	[tilespmem:$0x1CD80] =	vst v63  }
0x184: {  	_ =	swait.ge [sflag:s28], $0x280  }
0x185: {  	s29 =	sadd.s32 $0x1, s29;
	s25 =	rddreg [dreg:$0xc]  }
0x186: {  	p0 =	sne.s32 s29, s25  }
.Ltmp3:
0x187: {  	_ = 	snop;
	(pc) =	sbr.rel @p0 .LBB2_1-.Ltmp3, $3  }
0x188: {  	_ =	sdelay $0x1  }
0x189: {  	[sflag:s28] =	ssyncset.done $0x0  }
0x18a: {  	s6 =	simm.s32 $0x1C880;
	[sflag:s28] =	ssyncadd.s32 $0xFFFFFD80  }
0x18b: {  	_ =	sfence.sel $0x180000  }
0x18c: {  	[bflag:$0x0] =	sbarrier.arrive $0xFFFF  }
0x18d: {  	_ =	strace $0x90000047  }
0x18e: {  	s0 =	stileid.u32;
	[bflag:$0x2] =	sbarrier.arrive $0xFFFF  }
0x18f: {  	p0 =	sne.s32 s0, $0x0;
	s0 =	rddreg [dreg:$0x4]  }
0x190: {  	s0 =	sadd.s32 @!p0 $0x100000, s0  }
0x191: {  	[sflag:s0] =	ssyncadd.tile.s32 @!p0 $0x1;
	_ =	shalt  }
.Lfunc_end2:
_tile_overlayer_lowered:
.L_overlay_start_2:
0x192: {  	(tag) =	ssettag $0x2  }
0x193: {  	s0 =	rddreg [dreg:$0x0];
	s2 =	stileid.u32  }
0x194: {  	s1 =	rddreg [dreg:$0x1];
	p0 =	sne.s32 s2, $0x0  }
0x195: {  	s3 =	rddreg [dreg:$0x2];
	[bflag:$0x3] =	sbarrier.arrive $0xFFFF;
	s2 =	simm.s32 @!p0 $0x1C06  }
0x196: {  	[timem:s3], [sflag:s2] =	dma.local @!p0 [hbm:s0], s1  }
0x197: {  	s0 =	simm.s32 @!p0 $0x6  }
0x198: {  	_ =	swait.ge @!p0 [sflag:s0], s1  }
0x199: {  	s1 =	ssub.s32 @!p0 $0x0, s1;
	[sflag:s0] =	ssyncset.done @!p0 $0x0  }
0x19a: {  	[sflag:s0] =	ssyncadd.s32 @!p0 s1  }
0x19b: {  	[bflag:$0x3] =	sbarrier.arrive $0xFFFF  }
0x19c: {  	_ =	shalt  }

</sc_bundles>
